<compile_context>
chip_gen: v7x
topology: tpu7x:2x2x1
jax: 0.10.2.dev20260603
libtpu: 0.0.44.dev20260713+nightly
codegen_flags: <defaults>
</compile_context>

<pallas_src>
import functools

import jax
import jax.numpy as jnp
from jax import lax
from jax.experimental import pallas as pl
from jax.experimental.pallas import tpu as pltpu
from jax.experimental.pallas import tpu_sc as plsc




def _make_deg(N_pad, E, NC, NS, K):
    NW = NC * NS
    epw = E // NW
    n_chunks = epw // K
    rpt = N_pad // NS
    DEPTH = 16
    mesh = plsc.VectorSubcoreMesh(core_axis_name="c", subcore_axis_name="s")

    @functools.partial(
        pl.kernel,
        out_type=jax.ShapeDtypeStruct((NC, N_pad), jnp.float32),
        mesh=mesh,
        scratch_types=[
            pltpu.VMEM((n_chunks, K), jnp.int32),
            pltpu.VMEM((K,), jnp.float32),
            pltpu.VMEM((rpt,), jnp.float32),
            pltpu.VMEM_SHARED((N_pad,), jnp.float32),
            pltpu.SemaphoreType.DMA,
        ],
    )
    def deg_kernel(dst_hbm, out_hbm, didx, ones, zbuf, acc, sem):
        c = lax.axis_index("c")
        s = lax.axis_index("s")
        wid = s * NC + c
        zv = jnp.zeros((16,), jnp.float32)
        ov = jnp.ones((16,), jnp.float32)

        def zfill(i, _):
            zbuf[pl.ds(i * 16, 16)] = zv
            return 0

        lax.fori_loop(0, rpt // 16, zfill, 0)

        def ofill(i, _):
            ones[pl.ds(i * 16, 16)] = ov
            return 0

        lax.fori_loop(0, K // 16, ofill, 0)
        pltpu.sync_copy(dst_hbm.at[wid], didx)
        pltpu.sync_copy(zbuf, acc.at[pl.ds(s * rpt, rpt)])
        plsc.subcore_barrier()

        def chunk(j, _):
            @pl.when(j >= DEPTH)
            def _():
                pltpu.make_async_copy(ones, acc.at[didx.at[0]], sem).wait()

            pltpu.async_copy(ones, acc.at[didx.at[j]], sem, add=True)
            return 0

        lax.fori_loop(0, n_chunks, chunk, 0)
        for _ in range(min(DEPTH, n_chunks)):
            pltpu.make_async_copy(ones, acc.at[didx.at[0]], sem).wait()
        plsc.subcore_barrier()
        pltpu.sync_copy(acc.at[pl.ds(s * rpt, rpt)],
                        out_hbm.at[c, pl.ds(s * rpt, rpt)])

    return deg_kernel


def _make_prop(N, D, E, NC, NS, K, NBUF):
    NW = NC * NS
    epw = E // NW
    n_chunks = epw // K
    rpt = N // NS
    LA = NBUF - 2
    n_zf = rpt // K
    z_tail = rpt - n_zf * K
    mesh = plsc.VectorSubcoreMesh(core_axis_name="c", subcore_axis_name="s")

    @functools.partial(
        pl.kernel,
        out_type=jax.ShapeDtypeStruct((NC, N, D), jnp.float32),
        mesh=mesh,
        scratch_types=[
            pltpu.VMEM((n_chunks, K), jnp.int32),
            pltpu.VMEM((n_chunks, K), jnp.int32),
            [pltpu.VMEM((K, D), jnp.float32)] * NBUF,
            pltpu.VMEM_SHARED((N, D), jnp.float32),
            [pltpu.SemaphoreType.DMA] * NBUF,
            [pltpu.SemaphoreType.DMA] * NBUF,
        ],
        compiler_params=pltpu.CompilerParams(use_tc_tiling_on_sc=False),
    )
    def prop_kernel(table_hbm, src_hbm, dst_hbm, out_hbm, sidx, didx, rows,
                    acc, sg, ss):
        c = lax.axis_index("c")
        s = lax.axis_index("s")
        wid = s * NC + c
        zv = jnp.zeros((16,), jnp.float32)

        def gather_start(j, b):
            pltpu.async_copy(table_hbm.at[sidx.at[j]], rows[b], sg[b])

        def gather_wait(b):
            pltpu.make_async_copy(table_hbm.at[sidx.at[0]], rows[b],
                                  sg[b]).wait()

        def scatter_start(j, b):
            pltpu.async_copy(rows[b], acc.at[didx.at[j]], ss[b], add=True)

        def scatter_wait(b):
            pltpu.make_async_copy(rows[b], acc.at[didx.at[0]], ss[b]).wait()

        def zrow(r, _):
            for j in range(D // 16):
                rows[0][r, pl.ds(j * 16, 16)] = zv
            return 0

        lax.fori_loop(0, K, zrow, 0)

        def zcopy(t, _):
            pltpu.sync_copy(rows[0], acc.at[pl.ds(s * rpt + t * K, K)])
            return 0

        lax.fori_loop(0, n_zf, zcopy, 0)
        if z_tail:
            pltpu.sync_copy(
                rows[0].at[pl.ds(0, z_tail)],
                acc.at[pl.ds(s * rpt + n_zf * K, z_tail)])
        pltpu.sync_copy(src_hbm.at[wid], sidx)
        pltpu.sync_copy(dst_hbm.at[wid], didx)
        for j in range(LA):
            gather_start(j, j)
        plsc.subcore_barrier()

        def step(j, b):
            @pl.when(j >= NBUF - LA)
            def _():
                scatter_wait((b + LA) % NBUF)

            @pl.when(j + LA < n_chunks)
            def _():
                gather_start(j + LA, (b + LA) % NBUF)

            gather_wait(b)
            scatter_start(j, b)

        n_main = (n_chunks // NBUF) * NBUF

        def body(j4, _):
            for b in range(NBUF):
                step(j4 * NBUF + b, b)
            return 0

        lax.fori_loop(0, n_main // NBUF, body, 0)
        for j in range(n_main, n_chunks):
            step(j, j % NBUF)
        for j in range(max(0, n_chunks - (NBUF - LA)), n_chunks):
            scatter_wait(j % NBUF)
        plsc.subcore_barrier()
        pltpu.sync_copy(acc.at[pl.ds(s * rpt, rpt)],
                        out_hbm.at[c, pl.ds(s * rpt, rpt)])

    return prop_kernel




def _scale_body(p_ref, x_ref, dinv_ref, xs_ref, *, NC):
    deg = p_ref[0]
    for c in range(1, NC):
        deg = deg + p_ref[c]
    dinv = lax.rsqrt(deg + 1.0)
    dinv_ref[...] = dinv
    xs_ref[...] = x_ref[...] * dinv


def _mlp_body(p_ref, xs_ref, dinv_ref, W1_ref, b1_ref, W2_ref, ts_ref, *, NC):
    agg = p_ref[0]
    for c in range(1, NC):
        agg = agg + p_ref[c]
    ax = (agg + xs_ref[...]) * dinv_ref[...]
    h = jnp.dot(ax, W1_ref[...],
                preferred_element_type=jnp.float32) + b1_ref[...]
    h = jnp.maximum(h, 0.0)
    t = jnp.dot(h, W2_ref[...],
                preferred_element_type=jnp.float32)
    ts_ref[...] = t * dinv_ref[...]


def _out_body(p_ref, ts_ref, dinv_ref, b2_ref, o_ref, *, NC, D_OUT):
    agg = p_ref[0]
    for c in range(1, NC):
        agg = agg + p_ref[c]
    o = (agg + ts_ref[...]) * dinv_ref[...] + b2_ref[...]
    o = o[:, :D_OUT]
    m = jnp.max(o, axis=1, keepdims=True)
    e = jnp.exp(o - m)
    ssum = jnp.sum(e, axis=1, keepdims=True)
    o_ref[...] = o - m - jnp.log(ssum)




def kernel(x, edge_index, W1, b1, W2, b2):
    N, D_IN = x.shape
    E = edge_index.shape[1]
    D_HID = W1.shape[1]
    D_OUT = W2.shape[1]
    D_OUT_P = 48

    src = edge_index[0].astype(jnp.int32)
    dst = edge_index[1].astype(jnp.int32)
    W2p = jnp.pad(W2, ((0, 0), (0, D_OUT_P - D_OUT)))
    b1r = b1.reshape(1, D_HID)
    b2p = jnp.pad(b2, (0, D_OUT_P - D_OUT)).reshape(1, D_OUT_P)

    info = plsc.get_sparse_core_info()
    NC, NS = info.num_cores, info.num_subcores
    NW = NC * NS
    K = 80
    epw = E // NW
    N_pad = ((N + 16 * NS - 1) // (16 * NS)) * (16 * NS)

    src3 = src.reshape(NW, epw // K, K)
    dst3 = dst.reshape(NW, epw // K, K)

    deg_raw = _make_deg(N_pad, E, NC, NS, K)(dst3)
    deg_p = deg_raw[:, :N].reshape(NC, N, 1)

    BR = 5000
    dinv, xs = pl.pallas_call(
        functools.partial(_scale_body, NC=NC),
        grid=(N // BR,),
        in_specs=[
            pl.BlockSpec((NC, BR, 1), lambda i: (0, i, 0)),
            pl.BlockSpec((BR, D_IN), lambda i: (i, 0)),
        ],
        out_specs=[
            pl.BlockSpec((BR, 1), lambda i: (i, 0)),
            pl.BlockSpec((BR, D_IN), lambda i: (i, 0)),
        ],
        out_shape=[
            jax.ShapeDtypeStruct((N, 1), jnp.float32),
            jax.ShapeDtypeStruct((N, D_IN), jnp.float32),
        ],
    )(deg_p, x)

    p1 = _make_prop(N, D_IN, E, NC, NS, K, 3)(xs, src3, dst3)

    ts = pl.pallas_call(
        functools.partial(_mlp_body, NC=NC),
        grid=(N // BR,),
        in_specs=[
            pl.BlockSpec((NC, BR, D_IN), lambda i: (0, i, 0)),
            pl.BlockSpec((BR, D_IN), lambda i: (i, 0)),
            pl.BlockSpec((BR, 1), lambda i: (i, 0)),
            pl.BlockSpec((D_IN, D_HID), lambda i: (0, 0)),
            pl.BlockSpec((1, D_HID), lambda i: (0, 0)),
            pl.BlockSpec((D_HID, D_OUT_P), lambda i: (0, 0)),
        ],
        out_specs=pl.BlockSpec((BR, D_OUT_P), lambda i: (i, 0)),
        out_shape=jax.ShapeDtypeStruct((N, D_OUT_P), jnp.float32),
    )(p1, xs, dinv, W1, b1r, W2p)

    p2 = _make_prop(N, D_OUT_P, E, NC, NS, K, 6)(ts, src3, dst3)

    out = pl.pallas_call(
        functools.partial(_out_body, NC=NC, D_OUT=D_OUT),
        grid=(N // BR,),
        in_specs=[
            pl.BlockSpec((NC, BR, D_OUT_P), lambda i: (0, i, 0)),
            pl.BlockSpec((BR, D_OUT_P), lambda i: (i, 0)),
            pl.BlockSpec((BR, 1), lambda i: (i, 0)),
            pl.BlockSpec((1, D_OUT_P), lambda i: (0, 0)),
        ],
        out_specs=pl.BlockSpec((BR, D_OUT), lambda i: (i, 0)),
        out_shape=jax.ShapeDtypeStruct((N, D_OUT), jnp.float32),
    )(p2, ts, dinv, b2p)
    return out

# --- scband reference (transcript-rebuilt; emitter-appended) ---
"""Pipeline reference for scband-target-model-88802743812780 (READ-ONLY COPY).

The authoritative reference and input builder live on the scoring server;
editing this copy changes nothing except your own understanding.
"""

import jax, jax.numpy as jnp
import numpy as np

N = 10000
E = 320000
D_IN = 128
D_HID = 256
D_OUT = 40


def setup_inputs(seed: int = 0) -> dict:
    key = jax.random.key(seed)
    k1, k2, k3, k4 = jax.random.split(key, 4)
    x = jax.random.normal(k1, (N, D_IN), dtype=jnp.float32)
    edge_index = jax.random.randint(k2, (2, E), 0, N)
    # GCNConv params (glorot-ish init), bias zeros like torch_geometric default
    W1 = jax.random.normal(k3, (D_IN, D_HID), dtype=jnp.float32) * (1.0 / np.sqrt(D_IN))
    b1 = jnp.zeros((D_HID,), dtype=jnp.float32)
    W2 = jax.random.normal(k4, (D_HID, D_OUT), dtype=jnp.float32) * (1.0 / np.sqrt(D_HID))
    b2 = jnp.zeros((D_OUT,), dtype=jnp.float32)
    return {"x": x, "edge_index": edge_index, "W1": W1, "b1": b1, "W2": W2, "b2": b2}


def _gcn_layer(h_in, src, dst, W, b):
    # GCNConv: x' = D^{-1/2} (A + I) D^{-1/2} X W + b
    h = h_in @ W
    loop = jnp.arange(N)
    s = jnp.concatenate([src, loop])
    d = jnp.concatenate([dst, loop])
    deg = jnp.zeros((N,), h.dtype).at[d].add(1.0)
    dinv = jnp.where(deg > 0, deg ** -0.5, 0.0)
    coef = dinv[s] * dinv[d]
    msg = h[s] * coef[:, None]
    out = jnp.zeros((N, W.shape[1]), h.dtype).at[d].add(msg)
    return out + b


def reference(x, edge_index, W1, b1, W2, b2):
    src = edge_index[0]
    dst = edge_index[1]
    h = jax.nn.relu(_gcn_layer(x, src, dst, W1, b1))
    o = _gcn_layer(h, src, dst, W2, b2)
    return jax.nn.log_softmax(o, axis=1)

if __name__ == "__main__":
    import jax
    _d = setup_inputs()
    print(jax.jit(kernel)(*tuple(_d.values())))

</pallas_src>

<mosaic_0001>
#map = affine_map<(d0, d1) -> (0, 0, 0)>
#map1 = affine_map<(d0, d1) -> (0, 0)>
module attributes {stable_mosaic.version = 14 : i64} {
  func.func @deg_kernel(%arg0: i32, %arg1: i32, %arg2: memref<32x125x80xi32, #tpu.memory_space<hbm>>, %arg3: memref<2x10240xf32, #tpu.memory_space<hbm>>, %arg4: memref<125x80xi32, #tpu.memory_space<vmem>>, %arg5: memref<80xf32, #tpu.memory_space<vmem>>, %arg6: memref<640xf32, #tpu.memory_space<vmem>>, %arg7: memref<10240xf32, #tpu.memory_space<vmem_shared>>, %arg8: memref<!tpu.dma_semaphore, #tpu.memory_space<semaphore_mem>>) attributes {dimension_semantics = [#tpu.dimension_semantics<core_parallel>, #tpu.dimension_semantics<subcore_parallel>], iteration_bounds = array<i64: 2, 16>, scalar_prefetch = 0 : i64, scratch_operands = 5 : i64, tpu.core_type = #tpu.core_type<sc_vector_subcore>, window_params = [{transform_indices = #map}, {transform_indices = #map1}]} {
    %mul3A = arith.constant 2 : i32
    %mul3A_0 = arith.muli %arg1, %mul3A : i32
    %add3A = arith.addi %mul3A_0, %arg0 : i32
    %broadcast_in_dim3A = arith.constant 0.000000e+00 : f32
    %broadcast_in_dim3A_1 = vector.broadcast %broadcast_in_dim3A : f32 to vector<16xf32>
    %broadcast_in_dim3A_2 = arith.constant 1.000000e+00 : f32
    %broadcast_in_dim3A_3 = vector.broadcast %broadcast_in_dim3A_2 : f32 to vector<16xf32>
    %scan3A = arith.constant 0 : i32
    %scan3A_4 = arith.constant 0 : i32
    %scan3A_5 = arith.constant 40 : i32
    %scan3A_6 = arith.addi %scan3A_4, %scan3A_5 : i32
    %scan3A_7 = arith.constant 1 : i32
    %scan3A_8 = scf.for %scan3A_126 = %scan3A_4 to %scan3A_6 step %scan3A_7 iter_args(%scan3A_127 = %scan3A) -> (i32)  : i32 {
      %mul3A_128 = arith.constant 16 : i32
      %mul3A_129 = arith.muli %scan3A_126, %mul3A_128 : i32
      %swap3A = arith.index_cast %mul3A_129 : i32 to index
      %swap3A_130 = tpu.vector_load %arg6[%swap3A] {strides = array<i32>} : memref<640xf32, #tpu.memory_space<vmem>>, vector<16xf32>,
      %swap3A_131 = vector.shape_cast %swap3A_130 : vector<16xf32> to vector<16xf32>
      %swap3A_132 = vector.shape_cast %broadcast_in_dim3A_1 : vector<16xf32> to vector<16xf32>
      tpu.vector_store %arg6[%swap3A], %swap3A_132 {strides = array<i32>} : memref<640xf32, #tpu.memory_space<vmem>>, vector<16xf32>,
      %scan3A_133 = arith.constant 0 : i32
      scf.yield %scan3A_133 : i32
    }
    %scan3A_9 = arith.constant 40 : i32
    %scan3A_10 = arith.constant 0 : i32
    %scan3A_11 = arith.constant 0 : i32
    %scan3A_12 = arith.constant 5 : i32
    %scan3A_13 = arith.addi %scan3A_11, %scan3A_12 : i32
    %scan3A_14 = arith.constant 1 : i32
    %scan3A_15 = scf.for %scan3A_126 = %scan3A_11 to %scan3A_13 step %scan3A_14 iter_args(%scan3A_127 = %scan3A_10) -> (i32)  : i32 {
      %mul3A_128 = arith.constant 16 : i32
      %mul3A_129 = arith.muli %scan3A_126, %mul3A_128 : i32
      %swap3A = arith.index_cast %mul3A_129 : i32 to index
      %swap3A_130 = tpu.vector_load %arg5[%swap3A] {strides = array<i32>} : memref<80xf32, #tpu.memory_space<vmem>>, vector<16xf32>,
      %swap3A_131 = vector.shape_cast %swap3A_130 : vector<16xf32> to vector<16xf32>
      %swap3A_132 = vector.shape_cast %broadcast_in_dim3A_3 : vector<16xf32> to vector<16xf32>
      tpu.vector_store %arg5[%swap3A], %swap3A_132 {strides = array<i32>} : memref<80xf32, #tpu.memory_space<vmem>>, vector<16xf32>,
      %scan3A_133 = arith.constant 0 : i32
      scf.yield %scan3A_133 : i32
    }
    %scan3A_16 = arith.constant 5 : i32
    "tpu.region"() ({
      %run_scoped3A = tpu.sem_alloc : memref<!tpu.dma_semaphore, #tpu.memory_space<semaphore_mem>>
      %dma_start3A = arith.constant 0 : i32
      %dma_start3A_126 = arith.constant 0 : i32
      %dma_start3A_127 = tpu.memref_slice %arg2[%add3A, %dma_start3A, %dma_start3A_126] : memref<32x125x80xi32, #tpu.memory_space<hbm>> -> memref<1x125x80xi32, #tpu.memory_space<hbm>>
      %dma_start3A_128 = tpu.memref_squeeze %dma_start3A_127 : memref<1x125x80xi32, #tpu.memory_space<hbm>> -> memref<125x80xi32, #tpu.memory_space<hbm>>
      %dma_start3A_129 = arith.constant 0 : i32
      %dma_start3A_130 = arith.constant 0 : i32
      %dma_start3A_131 = tpu.memref_slice %arg2[%add3A, %dma_start3A_129, %dma_start3A_130] : memref<32x125x80xi32, #tpu.memory_space<hbm>> -> memref<1x125x80xi32, #tpu.memory_space<hbm>>
      %dma_start3A_132 = tpu.memref_squeeze %dma_start3A_131 : memref<1x125x80xi32, #tpu.memory_space<hbm>> -> memref<125x80xi32, #tpu.memory_space<hbm>>
      tpu.enqueue_dma source(%dma_start3A_132 : memref<125x80xi32, #tpu.memory_space<hbm>>) target(%arg4 : memref<125x80xi32, #tpu.memory_space<vmem>>) target_semaphore(%run_scoped3A : memref<!tpu.dma_semaphore, #tpu.memory_space<semaphore_mem>>)
      %dma_wait3A_133 = arith.constant 0 : i32
      %dma_wait3A_134 = arith.constant 0 : i32
      %dma_wait3A_135 = tpu.memref_slice %arg2[%add3A, %dma_wait3A_133, %dma_wait3A_134] : memref<32x125x80xi32, #tpu.memory_space<hbm>> -> memref<1x125x80xi32, #tpu.memory_space<hbm>>
      %dma_wait3A_136 = tpu.memref_squeeze %dma_wait3A_135 : memref<1x125x80xi32, #tpu.memory_space<hbm>> -> memref<125x80xi32, #tpu.memory_space<hbm>>
      %dma_wait3A_137 = arith.constant 0 : i32
      %dma_wait3A_138 = arith.constant 0 : i32
      %dma_wait3A_139 = tpu.memref_slice %arg2[%add3A, %dma_wait3A_137, %dma_wait3A_138] : memref<32x125x80xi32, #tpu.memory_space<hbm>> -> memref<1x125x80xi32, #tpu.memory_space<hbm>>
      %dma_wait3A_140 = tpu.memref_squeeze %dma_wait3A_139 : memref<1x125x80xi32, #tpu.memory_space<hbm>> -> memref<125x80xi32, #tpu.memory_space<hbm>>
      tpu.wait_dma2 semaphore(%run_scoped3A : memref<!tpu.dma_semaphore, #tpu.memory_space<semaphore_mem>>) src(%dma_wait3A_140 : memref<125x80xi32, #tpu.memory_space<hbm>>) dst(%arg4 : memref<125x80xi32, #tpu.memory_space<vmem>>)
      tpu.yield
    }) : () -> ()
    %mul3A_17 = arith.constant 640 : i32
    %mul3A_18 = arith.muli %arg1, %mul3A_17 : i32
    "tpu.region"() ({
      %run_scoped3A = tpu.sem_alloc : memref<!tpu.dma_semaphore, #tpu.memory_space<semaphore_mem>>
      %dma_start3A = tpu.memref_slice %arg7[%mul3A_18] : memref<10240xf32, #tpu.memory_space<vmem_shared>> -> memref<640xf32, #tpu.memory_space<vmem_shared>>
      %dma_start3A_126 = tpu.memref_slice %arg7[%mul3A_18] : memref<10240xf32, #tpu.memory_space<vmem_shared>> -> memref<640xf32, #tpu.memory_space<vmem_shared>>
      tpu.enqueue_dma source(%arg6 : memref<640xf32, #tpu.memory_space<vmem>>) target(%dma_start3A_126 : memref<640xf32, #tpu.memory_space<vmem_shared>>) target_semaphore(%run_scoped3A : memref<!tpu.dma_semaphore, #tpu.memory_space<semaphore_mem>>)
      %dma_wait3A_127 = tpu.memref_slice %arg7[%mul3A_18] : memref<10240xf32, #tpu.memory_space<vmem_shared>> -> memref<640xf32, #tpu.memory_space<vmem_shared>>
      %dma_wait3A_128 = tpu.memref_slice %arg7[%mul3A_18] : memref<10240xf32, #tpu.memory_space<vmem_shared>> -> memref<640xf32, #tpu.memory_space<vmem_shared>>
      tpu.wait_dma2 semaphore(%run_scoped3A : memref<!tpu.dma_semaphore, #tpu.memory_space<semaphore_mem>>) src(%arg6 : memref<640xf32, #tpu.memory_space<vmem>>) dst(%dma_wait3A_128 : memref<640xf32, #tpu.memory_space<vmem_shared>>)
      tpu.yield
    }) : () -> ()
    %barrier3A = arith.constant 0 : index
    tpu.barrier barrier_id(%barrier3A)
    %scan3A_19 = arith.constant 0 : i32
    %scan3A_20 = arith.constant 0 : i32
    %scan3A_21 = arith.constant 125 : i32
    %scan3A_22 = arith.addi %scan3A_20, %scan3A_21 : i32
    %scan3A_23 = arith.constant 1 : i32
    %scan3A_24 = scf.for %scan3A_126 = %scan3A_20 to %scan3A_22 step %scan3A_23 iter_args(%scan3A_127 = %scan3A_19) -> (i32)  : i32 {
      %ge3A = arith.constant 16 : i32
      %ge3A_128 = arith.cmpi sge, %scan3A_126, %ge3A : i32
      %convert_element_type3A = arith.extui %ge3A_128 : i1 to i32
      %cond3A = arith.constant 0 : i32
      %cond3A_129 = arith.cmpi ne, %convert_element_type3A, %cond3A : i32
      scf.if %cond3A_129 {
        %dma_wait3A_135 = arith.constant 0 : i32
        %dma_wait3A_136 = arith.constant 0 : i32
        %dma_wait3A_137 = tpu.memref_slice %arg4[%dma_wait3A_135, %dma_wait3A_136] : memref<125x80xi32, #tpu.memory_space<vmem>> -> memref<1x80xi32, #tpu.memory_space<vmem>>
        %dma_wait3A_138 = tpu.memref_squeeze %dma_wait3A_137 : memref<1x80xi32, #tpu.memory_space<vmem>> -> memref<80xi32, #tpu.memory_space<vmem>>
        %dma_wait3A_139 = arith.constant 0 : i32
        %dma_wait3A_140 = tpu.memref_slice %arg7[%dma_wait3A_139] : memref<10240xf32, #tpu.memory_space<vmem_shared>> -> memref<10240xf32, #tpu.memory_space<vmem_shared>>
        tpu.wait_indirect_dma semaphore(%arg8 : memref<!tpu.dma_semaphore, #tpu.memory_space<semaphore_mem>>) src(%arg5 : memref<80xf32, #tpu.memory_space<vmem>>) dst(%dma_wait3A_140 : memref<10240xf32, #tpu.memory_space<vmem_shared>>)
      } else {
      }
      %dma_start3A = arith.constant 0 : i32
      %dma_start3A_130 = tpu.memref_slice %arg4[%scan3A_126, %dma_start3A] : memref<125x80xi32, #tpu.memory_space<vmem>> -> memref<1x80xi32, #tpu.memory_space<vmem>>
      %dma_start3A_131 = tpu.memref_squeeze %dma_start3A_130 : memref<1x80xi32, #tpu.memory_space<vmem>> -> memref<80xi32, #tpu.memory_space<vmem>>
      %dma_start3A_132 = arith.constant 0 : i32
      %dma_start3A_133 = tpu.memref_slice %arg7[%dma_start3A_132] : memref<10240xf32, #tpu.memory_space<vmem_shared>> -> memref<10240xf32, #tpu.memory_space<vmem_shared>>
      tpu.enqueue_indirect_dma source(%arg5 : memref<80xf32, #tpu.memory_space<vmem>>) target(%dma_start3A_133 : memref<10240xf32, #tpu.memory_space<vmem_shared>>) offsets(%dma_start3A_131 : memref<80xi32, #tpu.memory_space<vmem>>) semaphore(%arg8 : memref<!tpu.dma_semaphore, #tpu.memory_space<semaphore_mem>>) {add = true}
      %scan3A_134 = arith.constant 0 : i32
      scf.yield %scan3A_134 : i32
    }
    %scan3A_25 = arith.constant 125 : i32
    %dma_wait3A = arith.constant 0 : i32
    %dma_wait3A_26 = arith.constant 0 : i32
    %dma_wait3A_27 = tpu.memref_slice %arg4[%dma_wait3A, %dma_wait3A_26] : memref<125x80xi32, #tpu.memory_space<vmem>> -> memref<1x80xi32, #tpu.memory_space<vmem>>
    %dma_wait3A_28 = tpu.memref_squeeze %dma_wait3A_27 : memref<1x80xi32, #tpu.memory_space<vmem>> -> memref<80xi32, #tpu.memory_space<vmem>>
    %dma_wait3A_29 = arith.constant 0 : i32
    %dma_wait3A_30 = tpu.memref_slice %arg7[%dma_wait3A_29] : memref<10240xf32, #tpu.memory_space<vmem_shared>> -> memref<10240xf32, #tpu.memory_space<vmem_shared>>
    tpu.wait_indirect_dma semaphore(%arg8 : memref<!tpu.dma_semaphore, #tpu.memory_space<semaphore_mem>>) src(%arg5 : memref<80xf32, #tpu.memory_space<vmem>>) dst(%dma_wait3A_30 : memref<10240xf32, #tpu.memory_space<vmem_shared>>)
    %dma_wait3A_31 = arith.constant 0 : i32
    %dma_wait3A_32 = arith.constant 0 : i32
    %dma_wait3A_33 = tpu.memref_slice %arg4[%dma_wait3A_31, %dma_wait3A_32] : memref<125x80xi32, #tpu.memory_space<vmem>> -> memref<1x80xi32, #tpu.memory_space<vmem>>
    %dma_wait3A_34 = tpu.memref_squeeze %dma_wait3A_33 : memref<1x80xi32, #tpu.memory_space<vmem>> -> memref<80xi32, #tpu.memory_space<vmem>>
    %dma_wait3A_35 = arith.constant 0 : i32
    %dma_wait3A_36 = tpu.memref_slice %arg7[%dma_wait3A_35] : memref<10240xf32, #tpu.memory_space<vmem_shared>> -> memref<10240xf32, #tpu.memory_space<vmem_shared>>
    tpu.wait_indirect_dma semaphore(%arg8 : memref<!tpu.dma_semaphore, #tpu.memory_space<semaphore_mem>>) src(%arg5 : memref<80xf32, #tpu.memory_space<vmem>>) dst(%dma_wait3A_36 : memref<10240xf32, #tpu.memory_space<vmem_shared>>)
    %dma_wait3A_37 = arith.constant 0 : i32
    %dma_wait3A_38 = arith.constant 0 : i32
    %dma_wait3A_39 = tpu.memref_slice %arg4[%dma_wait3A_37, %dma_wait3A_38] : memref<125x80xi32, #tpu.memory_space<vmem>> -> memref<1x80xi32, #tpu.memory_space<vmem>>
    %dma_wait3A_40 = tpu.memref_squeeze %dma_wait3A_39 : memref<1x80xi32, #tpu.memory_space<vmem>> -> memref<80xi32, #tpu.memory_space<vmem>>
    %dma_wait3A_41 = arith.constant 0 : i32
    %dma_wait3A_42 = tpu.memref_slice %arg7[%dma_wait3A_41] : memref<10240xf32, #tpu.memory_space<vmem_shared>> -> memref<10240xf32, #tpu.memory_space<vmem_shared>>
    tpu.wait_indirect_dma semaphore(%arg8 : memref<!tpu.dma_semaphore, #tpu.memory_space<semaphore_mem>>) src(%arg5 : memref<80xf32, #tpu.memory_space<vmem>>) dst(%dma_wait3A_42 : memref<10240xf32, #tpu.memory_space<vmem_shared>>)
    %dma_wait3A_43 = arith.constant 0 : i32
    %dma_wait3A_44 = arith.constant 0 : i32
    %dma_wait3A_45 = tpu.memref_slice %arg4[%dma_wait3A_43, %dma_wait3A_44] : memref<125x80xi32, #tpu.memory_space<vmem>> -> memref<1x80xi32, #tpu.memory_space<vmem>>
    %dma_wait3A_46 = tpu.memref_squeeze %dma_wait3A_45 : memref<1x80xi32, #tpu.memory_space<vmem>> -> memref<80xi32, #tpu.memory_space<vmem>>
    %dma_wait3A_47 = arith.constant 0 : i32
    %dma_wait3A_48 = tpu.memref_slice %arg7[%dma_wait3A_47] : memref<10240xf32, #tpu.memory_space<vmem_shared>> -> memref<10240xf32, #tpu.memory_space<vmem_shared>>
    tpu.wait_indirect_dma semaphore(%arg8 : memref<!tpu.dma_semaphore, #tpu.memory_space<semaphore_mem>>) src(%arg5 : memref<80xf32, #tpu.memory_space<vmem>>) dst(%dma_wait3A_48 : memref<10240xf32, #tpu.memory_space<vmem_shared>>)
    %dma_wait3A_49 = arith.constant 0 : i32
    %dma_wait3A_50 = arith.constant 0 : i32
    %dma_wait3A_51 = tpu.memref_slice %arg4[%dma_wait3A_49, %dma_wait3A_50] : memref<125x80xi32, #tpu.memory_space<vmem>> -> memref<1x80xi32, #tpu.memory_space<vmem>>
    %dma_wait3A_52 = tpu.memref_squeeze %dma_wait3A_51 : memref<1x80xi32, #tpu.memory_space<vmem>> -> memref<80xi32, #tpu.memory_space<vmem>>
    %dma_wait3A_53 = arith.constant 0 : i32
    %dma_wait3A_54 = tpu.memref_slice %arg7[%dma_wait3A_53] : memref<10240xf32, #tpu.memory_space<vmem_shared>> -> memref<10240xf32, #tpu.memory_space<vmem_shared>>
    tpu.wait_indirect_dma semaphore(%arg8 : memref<!tpu.dma_semaphore, #tpu.memory_space<semaphore_mem>>) src(%arg5 : memref<80xf32, #tpu.memory_space<vmem>>) dst(%dma_wait3A_54 : memref<10240xf32, #tpu.memory_space<vmem_shared>>)
    %dma_wait3A_55 = arith.constant 0 : i32
    %dma_wait3A_56 = arith.constant 0 : i32
    %dma_wait3A_57 = tpu.memref_slice %arg4[%dma_wait3A_55, %dma_wait3A_56] : memref<125x80xi32, #tpu.memory_space<vmem>> -> memref<1x80xi32, #tpu.memory_space<vmem>>
    %dma_wait3A_58 = tpu.memref_squeeze %dma_wait3A_57 : memref<1x80xi32, #tpu.memory_space<vmem>> -> memref<80xi32, #tpu.memory_space<vmem>>
    %dma_wait3A_59 = arith.constant 0 : i32
    %dma_wait3A_60 = tpu.memref_slice %arg7[%dma_wait3A_59] : memref<10240xf32, #tpu.memory_space<vmem_shared>> -> memref<10240xf32, #tpu.memory_space<vmem_shared>>
    tpu.wait_indirect_dma semaphore(%arg8 : memref<!tpu.dma_semaphore, #tpu.memory_space<semaphore_mem>>) src(%arg5 : memref<80xf32, #tpu.memory_space<vmem>>) dst(%dma_wait3A_60 : memref<10240xf32, #tpu.memory_space<vmem_shared>>)
    %dma_wait3A_61 = arith.constant 0 : i32
    %dma_wait3A_62 = arith.constant 0 : i32
    %dma_wait3A_63 = tpu.memref_slice %arg4[%dma_wait3A_61, %dma_wait3A_62] : memref<125x80xi32, #tpu.memory_space<vmem>> -> memref<1x80xi32, #tpu.memory_space<vmem>>
    %dma_wait3A_64 = tpu.memref_squeeze %dma_wait3A_63 : memref<1x80xi32, #tpu.memory_space<vmem>> -> memref<80xi32, #tpu.memory_space<vmem>>
    %dma_wait3A_65 = arith.constant 0 : i32
    %dma_wait3A_66 = tpu.memref_slice %arg7[%dma_wait3A_65] : memref<10240xf32, #tpu.memory_space<vmem_shared>> -> memref<10240xf32, #tpu.memory_space<vmem_shared>>
    tpu.wait_indirect_dma semaphore(%arg8 : memref<!tpu.dma_semaphore, #tpu.memory_space<semaphore_mem>>) src(%arg5 : memref<80xf32, #tpu.memory_space<vmem>>) dst(%dma_wait3A_66 : memref<10240xf32, #tpu.memory_space<vmem_shared>>)
    %dma_wait3A_67 = arith.constant 0 : i32
    %dma_wait3A_68 = arith.constant 0 : i32
    %dma_wait3A_69 = tpu.memref_slice %arg4[%dma_wait3A_67, %dma_wait3A_68] : memref<125x80xi32, #tpu.memory_space<vmem>> -> memref<1x80xi32, #tpu.memory_space<vmem>>
    %dma_wait3A_70 = tpu.memref_squeeze %dma_wait3A_69 : memref<1x80xi32, #tpu.memory_space<vmem>> -> memref<80xi32, #tpu.memory_space<vmem>>
    %dma_wait3A_71 = arith.constant 0 : i32
    %dma_wait3A_72 = tpu.memref_slice %arg7[%dma_wait3A_71] : memref<10240xf32, #tpu.memory_space<vmem_shared>> -> memref<10240xf32, #tpu.memory_space<vmem_shared>>
    tpu.wait_indirect_dma semaphore(%arg8 : memref<!tpu.dma_semaphore, #tpu.memory_space<semaphore_mem>>) src(%arg5 : memref<80xf32, #tpu.memory_space<vmem>>) dst(%dma_wait3A_72 : memref<10240xf32, #tpu.memory_space<vmem_shared>>)
    %dma_wait3A_73 = arith.constant 0 : i32
    %dma_wait3A_74 = arith.constant 0 : i32
    %dma_wait3A_75 = tpu.memref_slice %arg4[%dma_wait3A_73, %dma_wait3A_74] : memref<125x80xi32, #tpu.memory_space<vmem>> -> memref<1x80xi32, #tpu.memory_space<vmem>>
    %dma_wait3A_76 = tpu.memref_squeeze %dma_wait3A_75 : memref<1x80xi32, #tpu.memory_space<vmem>> -> memref<80xi32, #tpu.memory_space<vmem>>
    %dma_wait3A_77 = arith.constant 0 : i32
    %dma_wait3A_78 = tpu.memref_slice %arg7[%dma_wait3A_77] : memref<10240xf32, #tpu.memory_space<vmem_shared>> -> memref<10240xf32, #tpu.memory_space<vmem_shared>>
    tpu.wait_indirect_dma semaphore(%arg8 : memref<!tpu.dma_semaphore, #tpu.memory_space<semaphore_mem>>) src(%arg5 : memref<80xf32, #tpu.memory_space<vmem>>) dst(%dma_wait3A_78 : memref<10240xf32, #tpu.memory_space<vmem_shared>>)
    %dma_wait3A_79 = arith.constant 0 : i32
    %dma_wait3A_80 = arith.constant 0 : i32
    %dma_wait3A_81 = tpu.memref_slice %arg4[%dma_wait3A_79, %dma_wait3A_80] : memref<125x80xi32, #tpu.memory_space<vmem>> -> memref<1x80xi32, #tpu.memory_space<vmem>>
    %dma_wait3A_82 = tpu.memref_squeeze %dma_wait3A_81 : memref<1x80xi32, #tpu.memory_space<vmem>> -> memref<80xi32, #tpu.memory_space<vmem>>
    %dma_wait3A_83 = arith.constant 0 : i32
    %dma_wait3A_84 = tpu.memref_slice %arg7[%dma_wait3A_83] : memref<10240xf32, #tpu.memory_space<vmem_shared>> -> memref<10240xf32, #tpu.memory_space<vmem_shared>>
    tpu.wait_indirect_dma semaphore(%arg8 : memref<!tpu.dma_semaphore, #tpu.memory_space<semaphore_mem>>) src(%arg5 : memref<80xf32, #tpu.memory_space<vmem>>) dst(%dma_wait3A_84 : memref<10240xf32, #tpu.memory_space<vmem_shared>>)
    %dma_wait3A_85 = arith.constant 0 : i32
    %dma_wait3A_86 = arith.constant 0 : i32
    %dma_wait3A_87 = tpu.memref_slice %arg4[%dma_wait3A_85, %dma_wait3A_86] : memref<125x80xi32, #tpu.memory_space<vmem>> -> memref<1x80xi32, #tpu.memory_space<vmem>>
    %dma_wait3A_88 = tpu.memref_squeeze %dma_wait3A_87 : memref<1x80xi32, #tpu.memory_space<vmem>> -> memref<80xi32, #tpu.memory_space<vmem>>
    %dma_wait3A_89 = arith.constant 0 : i32
    %dma_wait3A_90 = tpu.memref_slice %arg7[%dma_wait3A_89] : memref<10240xf32, #tpu.memory_space<vmem_shared>> -> memref<10240xf32, #tpu.memory_space<vmem_shared>>
    tpu.wait_indirect_dma semaphore(%arg8 : memref<!tpu.dma_semaphore, #tpu.memory_space<semaphore_mem>>) src(%arg5 : memref<80xf32, #tpu.memory_space<vmem>>) dst(%dma_wait3A_90 : memref<10240xf32, #tpu.memory_space<vmem_shared>>)
    %dma_wait3A_91 = arith.constant 0 : i32
    %dma_wait3A_92 = arith.constant 0 : i32
    %dma_wait3A_93 = tpu.memref_slice %arg4[%dma_wait3A_91, %dma_wait3A_92] : memref<125x80xi32, #tpu.memory_space<vmem>> -> memref<1x80xi32, #tpu.memory_space<vmem>>
    %dma_wait3A_94 = tpu.memref_squeeze %dma_wait3A_93 : memref<1x80xi32, #tpu.memory_space<vmem>> -> memref<80xi32, #tpu.memory_space<vmem>>
    %dma_wait3A_95 = arith.constant 0 : i32
    %dma_wait3A_96 = tpu.memref_slice %arg7[%dma_wait3A_95] : memref<10240xf32, #tpu.memory_space<vmem_shared>> -> memref<10240xf32, #tpu.memory_space<vmem_shared>>
    tpu.wait_indirect_dma semaphore(%arg8 : memref<!tpu.dma_semaphore, #tpu.memory_space<semaphore_mem>>) src(%arg5 : memref<80xf32, #tpu.memory_space<vmem>>) dst(%dma_wait3A_96 : memref<10240xf32, #tpu.memory_space<vmem_shared>>)
    %dma_wait3A_97 = arith.constant 0 : i32
    %dma_wait3A_98 = arith.constant 0 : i32
    %dma_wait3A_99 = tpu.memref_slice %arg4[%dma_wait3A_97, %dma_wait3A_98] : memref<125x80xi32, #tpu.memory_space<vmem>> -> memref<1x80xi32, #tpu.memory_space<vmem>>
    %dma_wait3A_100 = tpu.memref_squeeze %dma_wait3A_99 : memref<1x80xi32, #tpu.memory_space<vmem>> -> memref<80xi32, #tpu.memory_space<vmem>>
    %dma_wait3A_101 = arith.constant 0 : i32
    %dma_wait3A_102 = tpu.memref_slice %arg7[%dma_wait3A_101] : memref<10240xf32, #tpu.memory_space<vmem_shared>> -> memref<10240xf32, #tpu.memory_space<vmem_shared>>
    tpu.wait_indirect_dma semaphore(%arg8 : memref<!tpu.dma_semaphore, #tpu.memory_space<semaphore_mem>>) src(%arg5 : memref<80xf32, #tpu.memory_space<vmem>>) dst(%dma_wait3A_102 : memref<10240xf32, #tpu.memory_space<vmem_shared>>)
    %dma_wait3A_103 = arith.constant 0 : i32
    %dma_wait3A_104 = arith.constant 0 : i32
    %dma_wait3A_105 = tpu.memref_slice %arg4[%dma_wait3A_103, %dma_wait3A_104] : memref<125x80xi32, #tpu.memory_space<vmem>> -> memref<1x80xi32, #tpu.memory_space<vmem>>
    %dma_wait3A_106 = tpu.memref_squeeze %dma_wait3A_105 : memref<1x80xi32, #tpu.memory_space<vmem>> -> memref<80xi32, #tpu.memory_space<vmem>>
    %dma_wait3A_107 = arith.constant 0 : i32
    %dma_wait3A_108 = tpu.memref_slice %arg7[%dma_wait3A_107] : memref<10240xf32, #tpu.memory_space<vmem_shared>> -> memref<10240xf32, #tpu.memory_space<vmem_shared>>
    tpu.wait_indirect_dma semaphore(%arg8 : memref<!tpu.dma_semaphore, #tpu.memory_space<semaphore_mem>>) src(%arg5 : memref<80xf32, #tpu.memory_space<vmem>>) dst(%dma_wait3A_108 : memref<10240xf32, #tpu.memory_space<vmem_shared>>)
    %dma_wait3A_109 = arith.constant 0 : i32
    %dma_wait3A_110 = arith.constant 0 : i32
    %dma_wait3A_111 = tpu.memref_slice %arg4[%dma_wait3A_109, %dma_wait3A_110] : memref<125x80xi32, #tpu.memory_space<vmem>> -> memref<1x80xi32, #tpu.memory_space<vmem>>
    %dma_wait3A_112 = tpu.memref_squeeze %dma_wait3A_111 : memref<1x80xi32, #tpu.memory_space<vmem>> -> memref<80xi32, #tpu.memory_space<vmem>>
    %dma_wait3A_113 = arith.constant 0 : i32
    %dma_wait3A_114 = tpu.memref_slice %arg7[%dma_wait3A_113] : memref<10240xf32, #tpu.memory_space<vmem_shared>> -> memref<10240xf32, #tpu.memory_space<vmem_shared>>
    tpu.wait_indirect_dma semaphore(%arg8 : memref<!tpu.dma_semaphore, #tpu.memory_space<semaphore_mem>>) src(%arg5 : memref<80xf32, #tpu.memory_space<vmem>>) dst(%dma_wait3A_114 : memref<10240xf32, #tpu.memory_space<vmem_shared>>)
    %dma_wait3A_115 = arith.constant 0 : i32
    %dma_wait3A_116 = arith.constant 0 : i32
    %dma_wait3A_117 = tpu.memref_slice %arg4[%dma_wait3A_115, %dma_wait3A_116] : memref<125x80xi32, #tpu.memory_space<vmem>> -> memref<1x80xi32, #tpu.memory_space<vmem>>
    %dma_wait3A_118 = tpu.memref_squeeze %dma_wait3A_117 : memref<1x80xi32, #tpu.memory_space<vmem>> -> memref<80xi32, #tpu.memory_space<vmem>>
    %dma_wait3A_119 = arith.constant 0 : i32
    %dma_wait3A_120 = tpu.memref_slice %arg7[%dma_wait3A_119] : memref<10240xf32, #tpu.memory_space<vmem_shared>> -> memref<10240xf32, #tpu.memory_space<vmem_shared>>
    tpu.wait_indirect_dma semaphore(%arg8 : memref<!tpu.dma_semaphore, #tpu.memory_space<semaphore_mem>>) src(%arg5 : memref<80xf32, #tpu.memory_space<vmem>>) dst(%dma_wait3A_120 : memref<10240xf32, #tpu.memory_space<vmem_shared>>)
    %barrier3A_121 = arith.constant 0 : index
    tpu.barrier barrier_id(%barrier3A_121)
    %mul3A_122 = arith.constant 640 : i32
    %mul3A_123 = arith.muli %arg1, %mul3A_122 : i32
    %mul3A_124 = arith.constant 640 : i32
    %mul3A_125 = arith.muli %arg1, %mul3A_124 : i32
    "tpu.region"() ({
      %run_scoped3A = tpu.sem_alloc : memref<!tpu.dma_semaphore, #tpu.memory_space<semaphore_mem>>
      %dma_start3A = tpu.memref_slice %arg3[%arg0, %mul3A_125] : memref<2x10240xf32, #tpu.memory_space<hbm>> -> memref<1x640xf32, #tpu.memory_space<hbm>>
      %dma_start3A_126 = tpu.memref_squeeze %dma_start3A : memref<1x640xf32, #tpu.memory_space<hbm>> -> memref<640xf32, #tpu.memory_space<hbm>>
      %dma_start3A_127 = tpu.memref_slice %arg7[%mul3A_123] : memref<10240xf32, #tpu.memory_space<vmem_shared>> -> memref<640xf32, #tpu.memory_space<vmem_shared>>
      tpu.enqueue_dma source(%dma_start3A_127 : memref<640xf32, #tpu.memory_space<vmem_shared>>) target(%dma_start3A_126 : memref<640xf32, #tpu.memory_space<hbm>>) target_semaphore(%run_scoped3A : memref<!tpu.dma_semaphore, #tpu.memory_space<semaphore_mem>>)
      %dma_wait3A_128 = tpu.memref_slice %arg3[%arg0, %mul3A_125] : memref<2x10240xf32, #tpu.memory_space<hbm>> -> memref<1x640xf32, #tpu.memory_space<hbm>>
      %dma_wait3A_129 = tpu.memref_squeeze %dma_wait3A_128 : memref<1x640xf32, #tpu.memory_space<hbm>> -> memref<640xf32, #tpu.memory_space<hbm>>
      %dma_wait3A_130 = tpu.memref_slice %arg7[%mul3A_123] : memref<10240xf32, #tpu.memory_space<vmem_shared>> -> memref<640xf32, #tpu.memory_space<vmem_shared>>
      tpu.wait_dma2 semaphore(%run_scoped3A : memref<!tpu.dma_semaphore, #tpu.memory_space<semaphore_mem>>) src(%dma_wait3A_130 : memref<640xf32, #tpu.memory_space<vmem_shared>>) dst(%dma_wait3A_129 : memref<640xf32, #tpu.memory_space<hbm>>)
      tpu.yield
    }) : () -> ()
    return
  }
}

#map = affine_map<(d0, d1) -> (0, 0)>
#map1 = affine_map<(d0, d1) -> (0, 0, 0)>
module attributes {stable_mosaic.version = 14 : i64} {
  func.func @prop_kernel(%arg0: i32, %arg1: i32, %arg2: memref<10000x128xf32, #tpu.memory_space<hbm>>, %arg3: memref<32x125x80xi32, #tpu.memory_space<hbm>>, %arg4: memref<32x125x80xi32, #tpu.memory_space<hbm>>, %arg5: memref<2x10000x128xf32, #tpu.memory_space<hbm>>, %arg6: memref<125x80xi32, #tpu.memory_space<vmem>>, %arg7: memref<125x80xi32, #tpu.memory_space<vmem>>, %arg8: memref<80x128xf32, #tpu.memory_space<vmem>>, %arg9: memref<80x128xf32, #tpu.memory_space<vmem>>, %arg10: memref<80x128xf32, #tpu.memory_space<vmem>>, %arg11: memref<10000x128xf32, #tpu.memory_space<vmem_shared>>, %arg12: memref<!tpu.dma_semaphore, #tpu.memory_space<semaphore_mem>>, %arg13: memref<!tpu.dma_semaphore, #tpu.memory_space<semaphore_mem>>, %arg14: memref<!tpu.dma_semaphore, #tpu.memory_space<semaphore_mem>>, %arg15: memref<!tpu.dma_semaphore, #tpu.memory_space<semaphore_mem>>, %arg16: memref<!tpu.dma_semaphore, #tpu.memory_space<semaphore_mem>>, %arg17: memref<!tpu.dma_semaphore, #tpu.memory_space<semaphore_mem>>) attributes {dimension_semantics = [#tpu.dimension_semantics<core_parallel>, #tpu.dimension_semantics<subcore_parallel>], iteration_bounds = array<i64: 2, 16>, scalar_prefetch = 0 : i64, scratch_operands = 12 : i64, tpu.core_type = #tpu.core_type<sc_vector_subcore>, window_params = [{transform_indices = #map}, {transform_indices = #map1}, {transform_indices = #map1}, {transform_indices = #map1}]} {
    %mul3A = arith.constant 2 : i32
    %mul3A_0 = arith.muli %arg1, %mul3A : i32
    %add3A = arith.addi %mul3A_0, %arg0 : i32
    %broadcast_in_dim3A = arith.constant 0.000000e+00 : f32
    %broadcast_in_dim3A_1 = vector.broadcast %broadcast_in_dim3A : f32 to vector<16xf32>
    %scan3A = arith.constant 0 : i32
    %scan3A_2 = arith.constant 0 : i32
    %scan3A_3 = arith.constant 80 : i32
    %scan3A_4 = arith.addi %scan3A_2, %scan3A_3 : i32
    %scan3A_5 = arith.constant 1 : i32
    %scan3A_6 = scf.for %scan3A_99 = %scan3A_2 to %scan3A_4 step %scan3A_5 iter_args(%scan3A_100 = %scan3A) -> (i32)  : i32 {
      %swap3A = arith.index_cast %scan3A_99 : i32 to index
      %swap3A_101 = arith.constant 0 : index
      %swap3A_102 = tpu.vector_load %arg8[%swap3A, %swap3A_101] {strides = array<i32>} : memref<80x128xf32, #tpu.memory_space<vmem>>, vector<1x16xf32>,
      %swap3A_103 = vector.shape_cast %swap3A_102 : vector<1x16xf32> to vector<16xf32>
      %swap3A_104 = vector.shape_cast %broadcast_in_dim3A_1 : vector<16xf32> to vector<1x16xf32>
      tpu.vector_store %arg8[%swap3A, %swap3A_101], %swap3A_104 {strides = array<i32>} : memref<80x128xf32, #tpu.memory_space<vmem>>, vector<1x16xf32>,
      %swap3A_105 = arith.index_cast %scan3A_99 : i32 to index
      %swap3A_106 = arith.constant 16 : index
      %swap3A_107 = tpu.vector_load %arg8[%swap3A_105, %swap3A_106] {strides = array<i32>} : memref<80x128xf32, #tpu.memory_space<vmem>>, vector<1x16xf32>,
      %swap3A_108 = vector.shape_cast %swap3A_107 : vector<1x16xf32> to vector<16xf32>
      %swap3A_109 = vector.shape_cast %broadcast_in_dim3A_1 : vector<16xf32> to vector<1x16xf32>
      tpu.vector_store %arg8[%swap3A_105, %swap3A_106], %swap3A_109 {strides = array<i32>} : memref<80x128xf32, #tpu.memory_space<vmem>>, vector<1x16xf32>,
      %swap3A_110 = arith.index_cast %scan3A_99 : i32 to index
      %swap3A_111 = arith.constant 32 : index
      %swap3A_112 = tpu.vector_load %arg8[%swap3A_110, %swap3A_111] {strides = array<i32>} : memref<80x128xf32, #tpu.memory_space<vmem>>, vector<1x16xf32>,
      %swap3A_113 = vector.shape_cast %swap3A_112 : vector<1x16xf32> to vector<16xf32>
      %swap3A_114 = vector.shape_cast %broadcast_in_dim3A_1 : vector<16xf32> to vector<1x16xf32>
      tpu.vector_store %arg8[%swap3A_110, %swap3A_111], %swap3A_114 {strides = array<i32>} : memref<80x128xf32, #tpu.memory_space<vmem>>, vector<1x16xf32>,
      %swap3A_115 = arith.index_cast %scan3A_99 : i32 to index
      %swap3A_116 = arith.constant 48 : index
      %swap3A_117 = tpu.vector_load %arg8[%swap3A_115, %swap3A_116] {strides = array<i32>} : memref<80x128xf32, #tpu.memory_space<vmem>>, vector<1x16xf32>,
      %swap3A_118 = vector.shape_cast %swap3A_117 : vector<1x16xf32> to vector<16xf32>
      %swap3A_119 = vector.shape_cast %broadcast_in_dim3A_1 : vector<16xf32> to vector<1x16xf32>
      tpu.vector_store %arg8[%swap3A_115, %swap3A_116], %swap3A_119 {strides = array<i32>} : memref<80x128xf32, #tpu.memory_space<vmem>>, vector<1x16xf32>,
      %swap3A_120 = arith.index_cast %scan3A_99 : i32 to index
      %swap3A_121 = arith.constant 64 : index
      %swap3A_122 = tpu.vector_load %arg8[%swap3A_120, %swap3A_121] {strides = array<i32>} : memref<80x128xf32, #tpu.memory_space<vmem>>, vector<1x16xf32>,
      %swap3A_123 = vector.shape_cast %swap3A_122 : vector<1x16xf32> to vector<16xf32>
      %swap3A_124 = vector.shape_cast %broadcast_in_dim3A_1 : vector<16xf32> to vector<1x16xf32>
      tpu.vector_store %arg8[%swap3A_120, %swap3A_121], %swap3A_124 {strides = array<i32>} : memref<80x128xf32, #tpu.memory_space<vmem>>, vector<1x16xf32>,
      %swap3A_125 = arith.index_cast %scan3A_99 : i32 to index
      %swap3A_126 = arith.constant 80 : index
      %swap3A_127 = tpu.vector_load %arg8[%swap3A_125, %swap3A_126] {strides = array<i32>} : memref<80x128xf32, #tpu.memory_space<vmem>>, vector<1x16xf32>,
      %swap3A_128 = vector.shape_cast %swap3A_127 : vector<1x16xf32> to vector<16xf32>
      %swap3A_129 = vector.shape_cast %broadcast_in_dim3A_1 : vector<16xf32> to vector<1x16xf32>
      tpu.vector_store %arg8[%swap3A_125, %swap3A_126], %swap3A_129 {strides = array<i32>} : memref<80x128xf32, #tpu.memory_space<vmem>>, vector<1x16xf32>,
      %swap3A_130 = arith.index_cast %scan3A_99 : i32 to index
      %swap3A_131 = arith.constant 96 : index
      %swap3A_132 = tpu.vector_load %arg8[%swap3A_130, %swap3A_131] {strides = array<i32>} : memref<80x128xf32, #tpu.memory_space<vmem>>, vector<1x16xf32>,
      %swap3A_133 = vector.shape_cast %swap3A_132 : vector<1x16xf32> to vector<16xf32>
      %swap3A_134 = vector.shape_cast %broadcast_in_dim3A_1 : vector<16xf32> to vector<1x16xf32>
      tpu.vector_store %arg8[%swap3A_130, %swap3A_131], %swap3A_134 {strides = array<i32>} : memref<80x128xf32, #tpu.memory_space<vmem>>, vector<1x16xf32>,
      %swap3A_135 = arith.index_cast %scan3A_99 : i32 to index
      %swap3A_136 = arith.constant 112 : index
      %swap3A_137 = tpu.vector_load %arg8[%swap3A_135, %swap3A_136] {strides = array<i32>} : memref<80x128xf32, #tpu.memory_space<vmem>>, vector<1x16xf32>,
      %swap3A_138 = vector.shape_cast %swap3A_137 : vector<1x16xf32> to vector<16xf32>
      %swap3A_139 = vector.shape_cast %broadcast_in_dim3A_1 : vector<16xf32> to vector<1x16xf32>
      tpu.vector_store %arg8[%swap3A_135, %swap3A_136], %swap3A_139 {strides = array<i32>} : memref<80x128xf32, #tpu.memory_space<vmem>>, vector<1x16xf32>,
      %scan3A_140 = arith.constant 0 : i32
      scf.yield %scan3A_140 : i32
    }
    %scan3A_7 = arith.constant 80 : i32
    %scan3A_8 = arith.constant 0 : i32
    %scan3A_9 = arith.constant 0 : i32
    %scan3A_10 = arith.constant 7 : i32
    %scan3A_11 = arith.addi %scan3A_9, %scan3A_10 : i32
    %scan3A_12 = arith.constant 1 : i32
    %scan3A_13 = scf.for %scan3A_99 = %scan3A_9 to %scan3A_11 step %scan3A_12 iter_args(%scan3A_100 = %scan3A_8) -> (i32)  : i32 {
      %mul3A_101 = arith.constant 625 : i32
      %mul3A_102 = arith.muli %arg1, %mul3A_101 : i32
      %mul3A_103 = arith.constant 80 : i32
      %mul3A_104 = arith.muli %scan3A_99, %mul3A_103 : i32
      %add3A_105 = arith.addi %mul3A_102, %mul3A_104 : i32
      "tpu.region"() ({
        %run_scoped3A = tpu.sem_alloc : memref<!tpu.dma_semaphore, #tpu.memory_space<semaphore_mem>>
        %dma_start3A_107 = arith.constant 0 : i32
        %dma_start3A_108 = tpu.memref_slice %arg11[%add3A_105, %dma_start3A_107] : memref<10000x128xf32, #tpu.memory_space<vmem_shared>> -> memref<80x128xf32, #tpu.memory_space<vmem_shared>>
        %dma_start3A_109 = arith.constant 0 : i32
        %dma_start3A_110 = tpu.memref_slice %arg11[%add3A_105, %dma_start3A_109] : memref<10000x128xf32, #tpu.memory_space<vmem_shared>> -> memref<80x128xf32, #tpu.memory_space<vmem_shared>>
        tpu.enqueue_dma source(%arg8 : memref<80x128xf32, #tpu.memory_space<vmem>>) target(%dma_start3A_110 : memref<80x128xf32, #tpu.memory_space<vmem_shared>>) target_semaphore(%run_scoped3A : memref<!tpu.dma_semaphore, #tpu.memory_space<semaphore_mem>>)
        %dma_wait3A_111 = arith.constant 0 : i32
        %dma_wait3A_112 = tpu.memref_slice %arg11[%add3A_105, %dma_wait3A_111] : memref<10000x128xf32, #tpu.memory_space<vmem_shared>> -> memref<80x128xf32, #tpu.memory_space<vmem_shared>>
        %dma_wait3A_113 = arith.constant 0 : i32
        %dma_wait3A_114 = tpu.memref_slice %arg11[%add3A_105, %dma_wait3A_113] : memref<10000x128xf32, #tpu.memory_space<vmem_shared>> -> memref<80x128xf32, #tpu.memory_space<vmem_shared>>
        tpu.wait_dma2 semaphore(%run_scoped3A : memref<!tpu.dma_semaphore, #tpu.memory_space<semaphore_mem>>) src(%arg8 : memref<80x128xf32, #tpu.memory_space<vmem>>) dst(%dma_wait3A_114 : memref<80x128xf32, #tpu.memory_space<vmem_shared>>)
        tpu.yield
      }) : () -> ()
      %scan3A_106 = arith.constant 0 : i32
      scf.yield %scan3A_106 : i32
    }
    %scan3A_14 = arith.constant 7 : i32
    %mul3A_15 = arith.constant 625 : i32
    %mul3A_16 = arith.muli %arg1, %mul3A_15 : i32
    %add3A_17 = arith.constant 560 : i32
    %add3A_18 = arith.addi %mul3A_16, %add3A_17 : i32
    "tpu.region"() ({
      %run_scoped3A = tpu.sem_alloc : memref<!tpu.dma_semaphore, #tpu.memory_space<semaphore_mem>>
      %dma_start3A_99 = arith.constant 0 : i32
      %dma_start3A_100 = arith.constant 0 : i32
      %dma_start3A_101 = tpu.memref_slice %arg8[%dma_start3A_99, %dma_start3A_100] : memref<80x128xf32, #tpu.memory_space<vmem>> -> memref<65x128xf32, #tpu.memory_space<vmem>>
      %dma_start3A_102 = arith.constant 0 : i32
      %dma_start3A_103 = tpu.memref_slice %arg11[%add3A_18, %dma_start3A_102] : memref<10000x128xf32, #tpu.memory_space<vmem_shared>> -> memref<65x128xf32, #tpu.memory_space<vmem_shared>>
      %dma_start3A_104 = arith.constant 0 : i32
      %dma_start3A_105 = tpu.memref_slice %arg11[%add3A_18, %dma_start3A_104] : memref<10000x128xf32, #tpu.memory_space<vmem_shared>> -> memref<65x128xf32, #tpu.memory_space<vmem_shared>>
      %dma_start3A_106 = arith.constant 0 : i32
      %dma_start3A_107 = arith.constant 0 : i32
      %dma_start3A_108 = tpu.memref_slice %arg8[%dma_start3A_106, %dma_start3A_107] : memref<80x128xf32, #tpu.memory_space<vmem>> -> memref<65x128xf32, #tpu.memory_space<vmem>>
      tpu.enqueue_dma source(%dma_start3A_108 : memref<65x128xf32, #tpu.memory_space<vmem>>) target(%dma_start3A_105 : memref<65x128xf32, #tpu.memory_space<vmem_shared>>) target_semaphore(%run_scoped3A : memref<!tpu.dma_semaphore, #tpu.memory_space<semaphore_mem>>)
      %dma_wait3A_109 = arith.constant 0 : i32
      %dma_wait3A_110 = arith.constant 0 : i32
      %dma_wait3A_111 = tpu.memref_slice %arg8[%dma_wait3A_109, %dma_wait3A_110] : memref<80x128xf32, #tpu.memory_space<vmem>> -> memref<65x128xf32, #tpu.memory_space<vmem>>
      %dma_wait3A_112 = arith.constant 0 : i32
      %dma_wait3A_113 = tpu.memref_slice %arg11[%add3A_18, %dma_wait3A_112] : memref<10000x128xf32, #tpu.memory_space<vmem_shared>> -> memref<65x128xf32, #tpu.memory_space<vmem_shared>>
      %dma_wait3A_114 = arith.constant 0 : i32
      %dma_wait3A_115 = tpu.memref_slice %arg11[%add3A_18, %dma_wait3A_114] : memref<10000x128xf32, #tpu.memory_space<vmem_shared>> -> memref<65x128xf32, #tpu.memory_space<vmem_shared>>
      %dma_wait3A_116 = arith.constant 0 : i32
      %dma_wait3A_117 = arith.constant 0 : i32
      %dma_wait3A_118 = tpu.memref_slice %arg8[%dma_wait3A_116, %dma_wait3A_117] : memref<80x128xf32, #tpu.memory_space<vmem>> -> memref<65x128xf32, #tpu.memory_space<vmem>>
      tpu.wait_dma2 semaphore(%run_scoped3A : memref<!tpu.dma_semaphore, #tpu.memory_space<semaphore_mem>>) src(%dma_wait3A_118 : memref<65x128xf32, #tpu.memory_space<vmem>>) dst(%dma_wait3A_115 : memref<65x128xf32, #tpu.memory_space<vmem_shared>>)
      tpu.yield
    }) : () -> ()
    "tpu.region"() ({
      %run_scoped3A = tpu.sem_alloc : memref<!tpu.dma_semaphore, #tpu.memory_space<semaphore_mem>>
      %dma_start3A_99 = arith.constant 0 : i32
      %dma_start3A_100 = arith.constant 0 : i32
      %dma_start3A_101 = tpu.memref_slice %arg3[%add3A, %dma_start3A_99, %dma_start3A_100] : memref<32x125x80xi32, #tpu.memory_space<hbm>> -> memref<1x125x80xi32, #tpu.memory_space<hbm>>
      %dma_start3A_102 = tpu.memref_squeeze %dma_start3A_101 : memref<1x125x80xi32, #tpu.memory_space<hbm>> -> memref<125x80xi32, #tpu.memory_space<hbm>>
      %dma_start3A_103 = arith.constant 0 : i32
      %dma_start3A_104 = arith.constant 0 : i32
      %dma_start3A_105 = tpu.memref_slice %arg3[%add3A, %dma_start3A_103, %dma_start3A_104] : memref<32x125x80xi32, #tpu.memory_space<hbm>> -> memref<1x125x80xi32, #tpu.memory_space<hbm>>
      %dma_start3A_106 = tpu.memref_squeeze %dma_start3A_105 : memref<1x125x80xi32, #tpu.memory_space<hbm>> -> memref<125x80xi32, #tpu.memory_space<hbm>>
      tpu.enqueue_dma source(%dma_start3A_106 : memref<125x80xi32, #tpu.memory_space<hbm>>) target(%arg6 : memref<125x80xi32, #tpu.memory_space<vmem>>) target_semaphore(%run_scoped3A : memref<!tpu.dma_semaphore, #tpu.memory_space<semaphore_mem>>)
      %dma_wait3A_107 = arith.constant 0 : i32
      %dma_wait3A_108 = arith.constant 0 : i32
      %dma_wait3A_109 = tpu.memref_slice %arg3[%add3A, %dma_wait3A_107, %dma_wait3A_108] : memref<32x125x80xi32, #tpu.memory_space<hbm>> -> memref<1x125x80xi32, #tpu.memory_space<hbm>>
      %dma_wait3A_110 = tpu.memref_squeeze %dma_wait3A_109 : memref<1x125x80xi32, #tpu.memory_space<hbm>> -> memref<125x80xi32, #tpu.memory_space<hbm>>
      %dma_wait3A_111 = arith.constant 0 : i32
      %dma_wait3A_112 = arith.constant 0 : i32
      %dma_wait3A_113 = tpu.memref_slice %arg3[%add3A, %dma_wait3A_111, %dma_wait3A_112] : memref<32x125x80xi32, #tpu.memory_space<hbm>> -> memref<1x125x80xi32, #tpu.memory_space<hbm>>
      %dma_wait3A_114 = tpu.memref_squeeze %dma_wait3A_113 : memref<1x125x80xi32, #tpu.memory_space<hbm>> -> memref<125x80xi32, #tpu.memory_space<hbm>>
      tpu.wait_dma2 semaphore(%run_scoped3A : memref<!tpu.dma_semaphore, #tpu.memory_space<semaphore_mem>>) src(%dma_wait3A_114 : memref<125x80xi32, #tpu.memory_space<hbm>>) dst(%arg6 : memref<125x80xi32, #tpu.memory_space<vmem>>)
      tpu.yield
    }) : () -> ()
    "tpu.region"() ({
      %run_scoped3A = tpu.sem_alloc : memref<!tpu.dma_semaphore, #tpu.memory_space<semaphore_mem>>
      %dma_start3A_99 = arith.constant 0 : i32
      %dma_start3A_100 = arith.constant 0 : i32
      %dma_start3A_101 = tpu.memref_slice %arg4[%add3A, %dma_start3A_99, %dma_start3A_100] : memref<32x125x80xi32, #tpu.memory_space<hbm>> -> memref<1x125x80xi32, #tpu.memory_space<hbm>>
      %dma_start3A_102 = tpu.memref_squeeze %dma_start3A_101 : memref<1x125x80xi32, #tpu.memory_space<hbm>> -> memref<125x80xi32, #tpu.memory_space<hbm>>
      %dma_start3A_103 = arith.constant 0 : i32
      %dma_start3A_104 = arith.constant 0 : i32
      %dma_start3A_105 = tpu.memref_slice %arg4[%add3A, %dma_start3A_103, %dma_start3A_104] : memref<32x125x80xi32, #tpu.memory_space<hbm>> -> memref<1x125x80xi32, #tpu.memory_space<hbm>>
      %dma_start3A_106 = tpu.memref_squeeze %dma_start3A_105 : memref<1x125x80xi32, #tpu.memory_space<hbm>> -> memref<125x80xi32, #tpu.memory_space<hbm>>
      tpu.enqueue_dma source(%dma_start3A_106 : memref<125x80xi32, #tpu.memory_space<hbm>>) target(%arg7 : memref<125x80xi32, #tpu.memory_space<vmem>>) target_semaphore(%run_scoped3A : memref<!tpu.dma_semaphore, #tpu.memory_space<semaphore_mem>>)
      %dma_wait3A_107 = arith.constant 0 : i32
      %dma_wait3A_108 = arith.constant 0 : i32
      %dma_wait3A_109 = tpu.memref_slice %arg4[%add3A, %dma_wait3A_107, %dma_wait3A_108] : memref<32x125x80xi32, #tpu.memory_space<hbm>> -> memref<1x125x80xi32, #tpu.memory_space<hbm>>
      %dma_wait3A_110 = tpu.memref_squeeze %dma_wait3A_109 : memref<1x125x80xi32, #tpu.memory_space<hbm>> -> memref<125x80xi32, #tpu.memory_space<hbm>>
      %dma_wait3A_111 = arith.constant 0 : i32
      %dma_wait3A_112 = arith.constant 0 : i32
      %dma_wait3A_113 = tpu.memref_slice %arg4[%add3A, %dma_wait3A_111, %dma_wait3A_112] : memref<32x125x80xi32, #tpu.memory_space<hbm>> -> memref<1x125x80xi32, #tpu.memory_space<hbm>>
      %dma_wait3A_114 = tpu.memref_squeeze %dma_wait3A_113 : memref<1x125x80xi32, #tpu.memory_space<hbm>> -> memref<125x80xi32, #tpu.memory_space<hbm>>
      tpu.wait_dma2 semaphore(%run_scoped3A : memref<!tpu.dma_semaphore, #tpu.memory_space<semaphore_mem>>) src(%dma_wait3A_114 : memref<125x80xi32, #tpu.memory_space<hbm>>) dst(%arg7 : memref<125x80xi32, #tpu.memory_space<vmem>>)
      tpu.yield
    }) : () -> ()
    %dma_start3A = arith.constant 0 : i32
    %dma_start3A_19 = arith.constant 0 : i32
    %dma_start3A_20 = tpu.memref_slice %arg6[%dma_start3A, %dma_start3A_19] : memref<125x80xi32, #tpu.memory_space<vmem>> -> memref<1x80xi32, #tpu.memory_space<vmem>>
    %dma_start3A_21 = tpu.memref_squeeze %dma_start3A_20 : memref<1x80xi32, #tpu.memory_space<vmem>> -> memref<80xi32, #tpu.memory_space<vmem>>
    %dma_start3A_22 = arith.constant 0 : i32
    %dma_start3A_23 = arith.constant 0 : i32
    %dma_start3A_24 = tpu.memref_slice %arg2[%dma_start3A_22, %dma_start3A_23] : memref<10000x128xf32, #tpu.memory_space<hbm>> -> memref<10000x128xf32, #tpu.memory_space<hbm>>
    tpu.enqueue_indirect_dma source(%dma_start3A_24 : memref<10000x128xf32, #tpu.memory_space<hbm>>) target(%arg8 : memref<80x128xf32, #tpu.memory_space<vmem>>) offsets(%dma_start3A_21 : memref<80xi32, #tpu.memory_space<vmem>>) semaphore(%arg12 : memref<!tpu.dma_semaphore, #tpu.memory_space<semaphore_mem>>)
    %barrier3A = arith.constant 0 : index
    tpu.barrier barrier_id(%barrier3A)
    %scan3A_25 = arith.constant 0 : i32
    %scan3A_26 = arith.constant 0 : i32
    %scan3A_27 = arith.constant 41 : i32
    %scan3A_28 = arith.addi %scan3A_26, %scan3A_27 : i32
    %scan3A_29 = arith.constant 1 : i32
    %scan3A_30 = scf.for %scan3A_99 = %scan3A_26 to %scan3A_28 step %scan3A_29 iter_args(%scan3A_100 = %scan3A_25) -> (i32)  : i32 {
      %mul3A_101 = arith.constant 3 : i32
      %mul3A_102 = arith.muli %scan3A_99, %mul3A_101 : i32
      %add3A_103 = arith.constant 0 : i32
      %add3A_104 = arith.addi %mul3A_102, %add3A_103 : i32
      %ge3A = arith.constant 2 : i32
      %ge3A_105 = arith.cmpi sge, %add3A_104, %ge3A : i32
      %convert_element_type3A = arith.extui %ge3A_105 : i1 to i32
      %cond3A = arith.constant 0 : i32
      %cond3A_106 = arith.cmpi ne, %convert_element_type3A, %cond3A : i32
      scf.if %cond3A_106 {
        %dma_wait3A_185 = arith.constant 0 : i32
        %dma_wait3A_186 = arith.constant 0 : i32
        %dma_wait3A_187 = tpu.memref_slice %arg7[%dma_wait3A_185, %dma_wait3A_186] : memref<125x80xi32, #tpu.memory_space<vmem>> -> memref<1x80xi32, #tpu.memory_space<vmem>>
        %dma_wait3A_188 = tpu.memref_squeeze %dma_wait3A_187 : memref<1x80xi32, #tpu.memory_space<vmem>> -> memref<80xi32, #tpu.memory_space<vmem>>
        %dma_wait3A_189 = arith.constant 0 : i32
        %dma_wait3A_190 = arith.constant 0 : i32
        %dma_wait3A_191 = tpu.memref_slice %arg11[%dma_wait3A_189, %dma_wait3A_190] : memref<10000x128xf32, #tpu.memory_space<vmem_shared>> -> memref<10000x128xf32, #tpu.memory_space<vmem_shared>>
        tpu.wait_indirect_dma semaphore(%arg16 : memref<!tpu.dma_semaphore, #tpu.memory_space<semaphore_mem>>) src(%arg9 : memref<80x128xf32, #tpu.memory_space<vmem>>) dst(%dma_wait3A_191 : memref<10000x128xf32, #tpu.memory_space<vmem_shared>>)
      } else {
      }
      %add3A_107 = arith.constant 1 : i32
      %add3A_108 = arith.addi %add3A_104, %add3A_107 : i32
      %lt3A = arith.constant 125 : i32
      %lt3A_109 = arith.cmpi slt, %add3A_108, %lt3A : i32
      %convert_element_type3A_110 = arith.extui %lt3A_109 : i1 to i32
      %cond3A_111 = arith.constant 0 : i32
      %cond3A_112 = arith.cmpi ne, %convert_element_type3A_110, %cond3A_111 : i32
      scf.if %cond3A_112 {
        %add3A_185 = arith.constant 1 : i32
        %add3A_186 = arith.addi %add3A_104, %add3A_185 : i32
        %dma_start3A_187 = arith.constant 0 : i32
        %dma_start3A_188 = tpu.memref_slice %arg6[%add3A_186, %dma_start3A_187] : memref<125x80xi32, #tpu.memory_space<vmem>> -> memref<1x80xi32, #tpu.memory_space<vmem>>
        %dma_start3A_189 = tpu.memref_squeeze %dma_start3A_188 : memref<1x80xi32, #tpu.memory_space<vmem>> -> memref<80xi32, #tpu.memory_space<vmem>>
        %dma_start3A_190 = arith.constant 0 : i32
        %dma_start3A_191 = arith.constant 0 : i32
        %dma_start3A_192 = tpu.memref_slice %arg2[%dma_start3A_190, %dma_start3A_191] : memref<10000x128xf32, #tpu.memory_space<hbm>> -> memref<10000x128xf32, #tpu.memory_space<hbm>>
        tpu.enqueue_indirect_dma source(%dma_start3A_192 : memref<10000x128xf32, #tpu.memory_space<hbm>>) target(%arg9 : memref<80x128xf32, #tpu.memory_space<vmem>>) offsets(%dma_start3A_189 : memref<80xi32, #tpu.memory_space<vmem>>) semaphore(%arg13 : memref<!tpu.dma_semaphore, #tpu.memory_space<semaphore_mem>>)
      } else {
      }
      %dma_wait3A_113 = arith.constant 0 : i32
      %dma_wait3A_114 = arith.constant 0 : i32
      %dma_wait3A_115 = tpu.memref_slice %arg6[%dma_wait3A_113, %dma_wait3A_114] : memref<125x80xi32, #tpu.memory_space<vmem>> -> memref<1x80xi32, #tpu.memory_space<vmem>>
      %dma_wait3A_116 = tpu.memref_squeeze %dma_wait3A_115 : memref<1x80xi32, #tpu.memory_space<vmem>> -> memref<80xi32, #tpu.memory_space<vmem>>
      %dma_wait3A_117 = arith.constant 0 : i32
      %dma_wait3A_118 = arith.constant 0 : i32
      %dma_wait3A_119 = tpu.memref_slice %arg2[%dma_wait3A_117, %dma_wait3A_118] : memref<10000x128xf32, #tpu.memory_space<hbm>> -> memref<10000x128xf32, #tpu.memory_space<hbm>>
      tpu.wait_indirect_dma semaphore(%arg12 : memref<!tpu.dma_semaphore, #tpu.memory_space<semaphore_mem>>) src(%dma_wait3A_119 : memref<10000x128xf32, #tpu.memory_space<hbm>>) dst(%arg8 : memref<80x128xf32, #tpu.memory_space<vmem>>)
      %dma_start3A_120 = arith.constant 0 : i32
      %dma_start3A_121 = tpu.memref_slice %arg7[%add3A_104, %dma_start3A_120] : memref<125x80xi32, #tpu.memory_space<vmem>> -> memref<1x80xi32, #tpu.memory_space<vmem>>
      %dma_start3A_122 = tpu.memref_squeeze %dma_start3A_121 : memref<1x80xi32, #tpu.memory_space<vmem>> -> memref<80xi32, #tpu.memory_space<vmem>>
      %dma_start3A_123 = arith.constant 0 : i32
      %dma_start3A_124 = arith.constant 0 : i32
      %dma_start3A_125 = tpu.memref_slice %arg11[%dma_start3A_123, %dma_start3A_124] : memref<10000x128xf32, #tpu.memory_space<vmem_shared>> -> memref<10000x128xf32, #tpu.memory_space<vmem_shared>>
      tpu.enqueue_indirect_dma source(%arg8 : memref<80x128xf32, #tpu.memory_space<vmem>>) target(%dma_start3A_125 : memref<10000x128xf32, #tpu.memory_space<vmem_shared>>) offsets(%dma_start3A_122 : memref<80xi32, #tpu.memory_space<vmem>>) semaphore(%arg15 : memref<!tpu.dma_semaphore, #tpu.memory_space<semaphore_mem>>) {add = true}
      %mul3A_126 = arith.constant 3 : i32
      %mul3A_127 = arith.muli %scan3A_99, %mul3A_126 : i32
      %add3A_128 = arith.constant 1 : i32
      %add3A_129 = arith.addi %mul3A_127, %add3A_128 : i32
      %ge3A_130 = arith.constant 2 : i32
      %ge3A_131 = arith.cmpi sge, %add3A_129, %ge3A_130 : i32
      %convert_element_type3A_132 = arith.extui %ge3A_131 : i1 to i32
      %cond3A_133 = arith.constant 0 : i32
      %cond3A_134 = arith.cmpi ne, %convert_element_type3A_132, %cond3A_133 : i32
      scf.if %cond3A_134 {
        %dma_wait3A_185 = arith.constant 0 : i32
        %dma_wait3A_186 = arith.constant 0 : i32
        %dma_wait3A_187 = tpu.memref_slice %arg7[%dma_wait3A_185, %dma_wait3A_186] : memref<125x80xi32, #tpu.memory_space<vmem>> -> memref<1x80xi32, #tpu.memory_space<vmem>>
        %dma_wait3A_188 = tpu.memref_squeeze %dma_wait3A_187 : memref<1x80xi32, #tpu.memory_space<vmem>> -> memref<80xi32, #tpu.memory_space<vmem>>
        %dma_wait3A_189 = arith.constant 0 : i32
        %dma_wait3A_190 = arith.constant 0 : i32
        %dma_wait3A_191 = tpu.memref_slice %arg11[%dma_wait3A_189, %dma_wait3A_190] : memref<10000x128xf32, #tpu.memory_space<vmem_shared>> -> memref<10000x128xf32, #tpu.memory_space<vmem_shared>>
        tpu.wait_indirect_dma semaphore(%arg17 : memref<!tpu.dma_semaphore, #tpu.memory_space<semaphore_mem>>) src(%arg10 : memref<80x128xf32, #tpu.memory_space<vmem>>) dst(%dma_wait3A_191 : memref<10000x128xf32, #tpu.memory_space<vmem_shared>>)
      } else {
      }
      %add3A_135 = arith.constant 1 : i32
      %add3A_136 = arith.addi %add3A_129, %add3A_135 : i32
      %lt3A_137 = arith.constant 125 : i32
      %lt3A_138 = arith.cmpi slt, %add3A_136, %lt3A_137 : i32
      %convert_element_type3A_139 = arith.extui %lt3A_138 : i1 to i32
      %cond3A_140 = arith.constant 0 : i32
      %cond3A_141 = arith.cmpi ne, %convert_element_type3A_139, %cond3A_140 : i32
      scf.if %cond3A_141 {
        %add3A_185 = arith.constant 1 : i32
        %add3A_186 = arith.addi %add3A_129, %add3A_185 : i32
        %dma_start3A_187 = arith.constant 0 : i32
        %dma_start3A_188 = tpu.memref_slice %arg6[%add3A_186, %dma_start3A_187] : memref<125x80xi32, #tpu.memory_space<vmem>> -> memref<1x80xi32, #tpu.memory_space<vmem>>
        %dma_start3A_189 = tpu.memref_squeeze %dma_start3A_188 : memref<1x80xi32, #tpu.memory_space<vmem>> -> memref<80xi32, #tpu.memory_space<vmem>>
        %dma_start3A_190 = arith.constant 0 : i32
        %dma_start3A_191 = arith.constant 0 : i32
        %dma_start3A_192 = tpu.memref_slice %arg2[%dma_start3A_190, %dma_start3A_191] : memref<10000x128xf32, #tpu.memory_space<hbm>> -> memref<10000x128xf32, #tpu.memory_space<hbm>>
        tpu.enqueue_indirect_dma source(%dma_start3A_192 : memref<10000x128xf32, #tpu.memory_space<hbm>>) target(%arg10 : memref<80x128xf32, #tpu.memory_space<vmem>>) offsets(%dma_start3A_189 : memref<80xi32, #tpu.memory_space<vmem>>) semaphore(%arg14 : memref<!tpu.dma_semaphore, #tpu.memory_space<semaphore_mem>>)
      } else {
      }
      %dma_wait3A_142 = arith.constant 0 : i32
      %dma_wait3A_143 = arith.constant 0 : i32
      %dma_wait3A_144 = tpu.memref_slice %arg6[%dma_wait3A_142, %dma_wait3A_143] : memref<125x80xi32, #tpu.memory_space<vmem>> -> memref<1x80xi32, #tpu.memory_space<vmem>>
      %dma_wait3A_145 = tpu.memref_squeeze %dma_wait3A_144 : memref<1x80xi32, #tpu.memory_space<vmem>> -> memref<80xi32, #tpu.memory_space<vmem>>
      %dma_wait3A_146 = arith.constant 0 : i32
      %dma_wait3A_147 = arith.constant 0 : i32
      %dma_wait3A_148 = tpu.memref_slice %arg2[%dma_wait3A_146, %dma_wait3A_147] : memref<10000x128xf32, #tpu.memory_space<hbm>> -> memref<10000x128xf32, #tpu.memory_space<hbm>>
      tpu.wait_indirect_dma semaphore(%arg13 : memref<!tpu.dma_semaphore, #tpu.memory_space<semaphore_mem>>) src(%dma_wait3A_148 : memref<10000x128xf32, #tpu.memory_space<hbm>>) dst(%arg9 : memref<80x128xf32, #tpu.memory_space<vmem>>)
      %dma_start3A_149 = arith.constant 0 : i32
      %dma_start3A_150 = tpu.memref_slice %arg7[%add3A_129, %dma_start3A_149] : memref<125x80xi32, #tpu.memory_space<vmem>> -> memref<1x80xi32, #tpu.memory_space<vmem>>
      %dma_start3A_151 = tpu.memref_squeeze %dma_start3A_150 : memref<1x80xi32, #tpu.memory_space<vmem>> -> memref<80xi32, #tpu.memory_space<vmem>>
      %dma_start3A_152 = arith.constant 0 : i32
      %dma_start3A_153 = arith.constant 0 : i32
      %dma_start3A_154 = tpu.memref_slice %arg11[%dma_start3A_152, %dma_start3A_153] : memref<10000x128xf32, #tpu.memory_space<vmem_shared>> -> memref<10000x128xf32, #tpu.memory_space<vmem_shared>>
      tpu.enqueue_indirect_dma source(%arg9 : memref<80x128xf32, #tpu.memory_space<vmem>>) target(%dma_start3A_154 : memref<10000x128xf32, #tpu.memory_space<vmem_shared>>) offsets(%dma_start3A_151 : memref<80xi32, #tpu.memory_space<vmem>>) semaphore(%arg16 : memref<!tpu.dma_semaphore, #tpu.memory_space<semaphore_mem>>) {add = true}
      %mul3A_155 = arith.constant 3 : i32
      %mul3A_156 = arith.muli %scan3A_99, %mul3A_155 : i32
      %add3A_157 = arith.constant 2 : i32
      %add3A_158 = arith.addi %mul3A_156, %add3A_157 : i32
      %ge3A_159 = arith.constant 2 : i32
      %ge3A_160 = arith.cmpi sge, %add3A_158, %ge3A_159 : i32
      %convert_element_type3A_161 = arith.extui %ge3A_160 : i1 to i32
      %cond3A_162 = arith.constant 0 : i32
      %cond3A_163 = arith.cmpi ne, %convert_element_type3A_161, %cond3A_162 : i32
      scf.if %cond3A_163 {
        %dma_wait3A_185 = arith.constant 0 : i32
        %dma_wait3A_186 = arith.constant 0 : i32
        %dma_wait3A_187 = tpu.memref_slice %arg7[%dma_wait3A_185, %dma_wait3A_186] : memref<125x80xi32, #tpu.memory_space<vmem>> -> memref<1x80xi32, #tpu.memory_space<vmem>>
        %dma_wait3A_188 = tpu.memref_squeeze %dma_wait3A_187 : memref<1x80xi32, #tpu.memory_space<vmem>> -> memref<80xi32, #tpu.memory_space<vmem>>
        %dma_wait3A_189 = arith.constant 0 : i32
        %dma_wait3A_190 = arith.constant 0 : i32
        %dma_wait3A_191 = tpu.memref_slice %arg11[%dma_wait3A_189, %dma_wait3A_190] : memref<10000x128xf32, #tpu.memory_space<vmem_shared>> -> memref<10000x128xf32, #tpu.memory_space<vmem_shared>>
        tpu.wait_indirect_dma semaphore(%arg15 : memref<!tpu.dma_semaphore, #tpu.memory_space<semaphore_mem>>) src(%arg8 : memref<80x128xf32, #tpu.memory_space<vmem>>) dst(%dma_wait3A_191 : memref<10000x128xf32, #tpu.memory_space<vmem_shared>>)
      } else {
      }
      %add3A_164 = arith.constant 1 : i32
      %add3A_165 = arith.addi %add3A_158, %add3A_164 : i32
      %lt3A_166 = arith.constant 125 : i32
      %lt3A_167 = arith.cmpi slt, %add3A_165, %lt3A_166 : i32
      %convert_element_type3A_168 = arith.extui %lt3A_167 : i1 to i32
      %cond3A_169 = arith.constant 0 : i32
      %cond3A_170 = arith.cmpi ne, %convert_element_type3A_168, %cond3A_169 : i32
      scf.if %cond3A_170 {
        %add3A_185 = arith.constant 1 : i32
        %add3A_186 = arith.addi %add3A_158, %add3A_185 : i32
        %dma_start3A_187 = arith.constant 0 : i32
        %dma_start3A_188 = tpu.memref_slice %arg6[%add3A_186, %dma_start3A_187] : memref<125x80xi32, #tpu.memory_space<vmem>> -> memref<1x80xi32, #tpu.memory_space<vmem>>
        %dma_start3A_189 = tpu.memref_squeeze %dma_start3A_188 : memref<1x80xi32, #tpu.memory_space<vmem>> -> memref<80xi32, #tpu.memory_space<vmem>>
        %dma_start3A_190 = arith.constant 0 : i32
        %dma_start3A_191 = arith.constant 0 : i32
        %dma_start3A_192 = tpu.memref_slice %arg2[%dma_start3A_190, %dma_start3A_191] : memref<10000x128xf32, #tpu.memory_space<hbm>> -> memref<10000x128xf32, #tpu.memory_space<hbm>>
        tpu.enqueue_indirect_dma source(%dma_start3A_192 : memref<10000x128xf32, #tpu.memory_space<hbm>>) target(%arg8 : memref<80x128xf32, #tpu.memory_space<vmem>>) offsets(%dma_start3A_189 : memref<80xi32, #tpu.memory_space<vmem>>) semaphore(%arg12 : memref<!tpu.dma_semaphore, #tpu.memory_space<semaphore_mem>>)
      } else {
      }
      %dma_wait3A_171 = arith.constant 0 : i32
      %dma_wait3A_172 = arith.constant 0 : i32
      %dma_wait3A_173 = tpu.memref_slice %arg6[%dma_wait3A_171, %dma_wait3A_172] : memref<125x80xi32, #tpu.memory_space<vmem>> -> memref<1x80xi32, #tpu.memory_space<vmem>>
      %dma_wait3A_174 = tpu.memref_squeeze %dma_wait3A_173 : memref<1x80xi32, #tpu.memory_space<vmem>> -> memref<80xi32, #tpu.memory_space<vmem>>
      %dma_wait3A_175 = arith.constant 0 : i32
      %dma_wait3A_176 = arith.constant 0 : i32
      %dma_wait3A_177 = tpu.memref_slice %arg2[%dma_wait3A_175, %dma_wait3A_176] : memref<10000x128xf32, #tpu.memory_space<hbm>> -> memref<10000x128xf32, #tpu.memory_space<hbm>>
      tpu.wait_indirect_dma semaphore(%arg14 : memref<!tpu.dma_semaphore, #tpu.memory_space<semaphore_mem>>) src(%dma_wait3A_177 : memref<10000x128xf32, #tpu.memory_space<hbm>>) dst(%arg10 : memref<80x128xf32, #tpu.memory_space<vmem>>)
      %dma_start3A_178 = arith.constant 0 : i32
      %dma_start3A_179 = tpu.memref_slice %arg7[%add3A_158, %dma_start3A_178] : memref<125x80xi32, #tpu.memory_space<vmem>> -> memref<1x80xi32, #tpu.memory_space<vmem>>
      %dma_start3A_180 = tpu.memref_squeeze %dma_start3A_179 : memref<1x80xi32, #tpu.memory_space<vmem>> -> memref<80xi32, #tpu.memory_space<vmem>>
      %dma_start3A_181 = arith.constant 0 : i32
      %dma_start3A_182 = arith.constant 0 : i32
      %dma_start3A_183 = tpu.memref_slice %arg11[%dma_start3A_181, %dma_start3A_182] : memref<10000x128xf32, #tpu.memory_space<vmem_shared>> -> memref<10000x128xf32, #tpu.memory_space<vmem_shared>>
      tpu.enqueue_indirect_dma source(%arg10 : memref<80x128xf32, #tpu.memory_space<vmem>>) target(%dma_start3A_183 : memref<10000x128xf32, #tpu.memory_space<vmem_shared>>) offsets(%dma_start3A_180 : memref<80xi32, #tpu.memory_space<vmem>>) semaphore(%arg17 : memref<!tpu.dma_semaphore, #tpu.memory_space<semaphore_mem>>) {add = true}
      %scan3A_184 = arith.constant 0 : i32
      scf.yield %scan3A_184 : i32
    }
    %scan3A_31 = arith.constant 41 : i32
    %dma_wait3A = arith.constant 0 : i32
    %dma_wait3A_32 = arith.constant 0 : i32
    %dma_wait3A_33 = tpu.memref_slice %arg7[%dma_wait3A, %dma_wait3A_32] : memref<125x80xi32, #tpu.memory_space<vmem>> -> memref<1x80xi32, #tpu.memory_space<vmem>>
    %dma_wait3A_34 = tpu.memref_squeeze %dma_wait3A_33 : memref<1x80xi32, #tpu.memory_space<vmem>> -> memref<80xi32, #tpu.memory_space<vmem>>
    %dma_wait3A_35 = arith.constant 0 : i32
    %dma_wait3A_36 = arith.constant 0 : i32
    %dma_wait3A_37 = tpu.memref_slice %arg11[%dma_wait3A_35, %dma_wait3A_36] : memref<10000x128xf32, #tpu.memory_space<vmem_shared>> -> memref<10000x128xf32, #tpu.memory_space<vmem_shared>>
    tpu.wait_indirect_dma semaphore(%arg16 : memref<!tpu.dma_semaphore, #tpu.memory_space<semaphore_mem>>) src(%arg9 : memref<80x128xf32, #tpu.memory_space<vmem>>) dst(%dma_wait3A_37 : memref<10000x128xf32, #tpu.memory_space<vmem_shared>>)
    %dma_start3A_38 = arith.constant 124 : i32
    %dma_start3A_39 = arith.constant 0 : i32
    %dma_start3A_40 = tpu.memref_slice %arg6[%dma_start3A_38, %dma_start3A_39] : memref<125x80xi32, #tpu.memory_space<vmem>> -> memref<1x80xi32, #tpu.memory_space<vmem>>
    %dma_start3A_41 = tpu.memref_squeeze %dma_start3A_40 : memref<1x80xi32, #tpu.memory_space<vmem>> -> memref<80xi32, #tpu.memory_space<vmem>>
    %dma_start3A_42 = arith.constant 0 : i32
    %dma_start3A_43 = arith.constant 0 : i32
    %dma_start3A_44 = tpu.memref_slice %arg2[%dma_start3A_42, %dma_start3A_43] : memref<10000x128xf32, #tpu.memory_space<hbm>> -> memref<10000x128xf32, #tpu.memory_space<hbm>>
    tpu.enqueue_indirect_dma source(%dma_start3A_44 : memref<10000x128xf32, #tpu.memory_space<hbm>>) target(%arg9 : memref<80x128xf32, #tpu.memory_space<vmem>>) offsets(%dma_start3A_41 : memref<80xi32, #tpu.memory_space<vmem>>) semaphore(%arg13 : memref<!tpu.dma_semaphore, #tpu.memory_space<semaphore_mem>>)
    %dma_wait3A_45 = arith.constant 0 : i32
    %dma_wait3A_46 = arith.constant 0 : i32
    %dma_wait3A_47 = tpu.memref_slice %arg6[%dma_wait3A_45, %dma_wait3A_46] : memref<125x80xi32, #tpu.memory_space<vmem>> -> memref<1x80xi32, #tpu.memory_space<vmem>>
    %dma_wait3A_48 = tpu.memref_squeeze %dma_wait3A_47 : memref<1x80xi32, #tpu.memory_space<vmem>> -> memref<80xi32, #tpu.memory_space<vmem>>
    %dma_wait3A_49 = arith.constant 0 : i32
    %dma_wait3A_50 = arith.constant 0 : i32
    %dma_wait3A_51 = tpu.memref_slice %arg2[%dma_wait3A_49, %dma_wait3A_50] : memref<10000x128xf32, #tpu.memory_space<hbm>> -> memref<10000x128xf32, #tpu.memory_space<hbm>>
    tpu.wait_indirect_dma semaphore(%arg12 : memref<!tpu.dma_semaphore, #tpu.memory_space<semaphore_mem>>) src(%dma_wait3A_51 : memref<10000x128xf32, #tpu.memory_space<hbm>>) dst(%arg8 : memref<80x128xf32, #tpu.memory_space<vmem>>)
    %dma_start3A_52 = arith.constant 123 : i32
    %dma_start3A_53 = arith.constant 0 : i32
    %dma_start3A_54 = tpu.memref_slice %arg7[%dma_start3A_52, %dma_start3A_53] : memref<125x80xi32, #tpu.memory_space<vmem>> -> memref<1x80xi32, #tpu.memory_space<vmem>>
    %dma_start3A_55 = tpu.memref_squeeze %dma_start3A_54 : memref<1x80xi32, #tpu.memory_space<vmem>> -> memref<80xi32, #tpu.memory_space<vmem>>
    %dma_start3A_56 = arith.constant 0 : i32
    %dma_start3A_57 = arith.constant 0 : i32
    %dma_start3A_58 = tpu.memref_slice %arg11[%dma_start3A_56, %dma_start3A_57] : memref<10000x128xf32, #tpu.memory_space<vmem_shared>> -> memref<10000x128xf32, #tpu.memory_space<vmem_shared>>
    tpu.enqueue_indirect_dma source(%arg8 : memref<80x128xf32, #tpu.memory_space<vmem>>) target(%dma_start3A_58 : memref<10000x128xf32, #tpu.memory_space<vmem_shared>>) offsets(%dma_start3A_55 : memref<80xi32, #tpu.memory_space<vmem>>) semaphore(%arg15 : memref<!tpu.dma_semaphore, #tpu.memory_space<semaphore_mem>>) {add = true}
    %dma_wait3A_59 = arith.constant 0 : i32
    %dma_wait3A_60 = arith.constant 0 : i32
    %dma_wait3A_61 = tpu.memref_slice %arg7[%dma_wait3A_59, %dma_wait3A_60] : memref<125x80xi32, #tpu.memory_space<vmem>> -> memref<1x80xi32, #tpu.memory_space<vmem>>
    %dma_wait3A_62 = tpu.memref_squeeze %dma_wait3A_61 : memref<1x80xi32, #tpu.memory_space<vmem>> -> memref<80xi32, #tpu.memory_space<vmem>>
    %dma_wait3A_63 = arith.constant 0 : i32
    %dma_wait3A_64 = arith.constant 0 : i32
    %dma_wait3A_65 = tpu.memref_slice %arg11[%dma_wait3A_63, %dma_wait3A_64] : memref<10000x128xf32, #tpu.memory_space<vmem_shared>> -> memref<10000x128xf32, #tpu.memory_space<vmem_shared>>
    tpu.wait_indirect_dma semaphore(%arg17 : memref<!tpu.dma_semaphore, #tpu.memory_space<semaphore_mem>>) src(%arg10 : memref<80x128xf32, #tpu.memory_space<vmem>>) dst(%dma_wait3A_65 : memref<10000x128xf32, #tpu.memory_space<vmem_shared>>)
    %dma_wait3A_66 = arith.constant 0 : i32
    %dma_wait3A_67 = arith.constant 0 : i32
    %dma_wait3A_68 = tpu.memref_slice %arg6[%dma_wait3A_66, %dma_wait3A_67] : memref<125x80xi32, #tpu.memory_space<vmem>> -> memref<1x80xi32, #tpu.memory_space<vmem>>
    %dma_wait3A_69 = tpu.memref_squeeze %dma_wait3A_68 : memref<1x80xi32, #tpu.memory_space<vmem>> -> memref<80xi32, #tpu.memory_space<vmem>>
    %dma_wait3A_70 = arith.constant 0 : i32
    %dma_wait3A_71 = arith.constant 0 : i32
    %dma_wait3A_72 = tpu.memref_slice %arg2[%dma_wait3A_70, %dma_wait3A_71] : memref<10000x128xf32, #tpu.memory_space<hbm>> -> memref<10000x128xf32, #tpu.memory_space<hbm>>
    tpu.wait_indirect_dma semaphore(%arg13 : memref<!tpu.dma_semaphore, #tpu.memory_space<semaphore_mem>>) src(%dma_wait3A_72 : memref<10000x128xf32, #tpu.memory_space<hbm>>) dst(%arg9 : memref<80x128xf32, #tpu.memory_space<vmem>>)
    %dma_start3A_73 = arith.constant 124 : i32
    %dma_start3A_74 = arith.constant 0 : i32
    %dma_start3A_75 = tpu.memref_slice %arg7[%dma_start3A_73, %dma_start3A_74] : memref<125x80xi32, #tpu.memory_space<vmem>> -> memref<1x80xi32, #tpu.memory_space<vmem>>
    %dma_start3A_76 = tpu.memref_squeeze %dma_start3A_75 : memref<1x80xi32, #tpu.memory_space<vmem>> -> memref<80xi32, #tpu.memory_space<vmem>>
    %dma_start3A_77 = arith.constant 0 : i32
    %dma_start3A_78 = arith.constant 0 : i32
    %dma_start3A_79 = tpu.memref_slice %arg11[%dma_start3A_77, %dma_start3A_78] : memref<10000x128xf32, #tpu.memory_space<vmem_shared>> -> memref<10000x128xf32, #tpu.memory_space<vmem_shared>>
    tpu.enqueue_indirect_dma source(%arg9 : memref<80x128xf32, #tpu.memory_space<vmem>>) target(%dma_start3A_79 : memref<10000x128xf32, #tpu.memory_space<vmem_shared>>) offsets(%dma_start3A_76 : memref<80xi32, #tpu.memory_space<vmem>>) semaphore(%arg16 : memref<!tpu.dma_semaphore, #tpu.memory_space<semaphore_mem>>) {add = true}
    %dma_wait3A_80 = arith.constant 0 : i32
    %dma_wait3A_81 = arith.constant 0 : i32
    %dma_wait3A_82 = tpu.memref_slice %arg7[%dma_wait3A_80, %dma_wait3A_81] : memref<125x80xi32, #tpu.memory_space<vmem>> -> memref<1x80xi32, #tpu.memory_space<vmem>>
    %dma_wait3A_83 = tpu.memref_squeeze %dma_wait3A_82 : memref<1x80xi32, #tpu.memory_space<vmem>> -> memref<80xi32, #tpu.memory_space<vmem>>
    %dma_wait3A_84 = arith.constant 0 : i32
    %dma_wait3A_85 = arith.constant 0 : i32
    %dma_wait3A_86 = tpu.memref_slice %arg11[%dma_wait3A_84, %dma_wait3A_85] : memref<10000x128xf32, #tpu.memory_space<vmem_shared>> -> memref<10000x128xf32, #tpu.memory_space<vmem_shared>>
    tpu.wait_indirect_dma semaphore(%arg15 : memref<!tpu.dma_semaphore, #tpu.memory_space<semaphore_mem>>) src(%arg8 : memref<80x128xf32, #tpu.memory_space<vmem>>) dst(%dma_wait3A_86 : memref<10000x128xf32, #tpu.memory_space<vmem_shared>>)
    %dma_wait3A_87 = arith.constant 0 : i32
    %dma_wait3A_88 = arith.constant 0 : i32
    %dma_wait3A_89 = tpu.memref_slice %arg7[%dma_wait3A_87, %dma_wait3A_88] : memref<125x80xi32, #tpu.memory_space<vmem>> -> memref<1x80xi32, #tpu.memory_space<vmem>>
    %dma_wait3A_90 = tpu.memref_squeeze %dma_wait3A_89 : memref<1x80xi32, #tpu.memory_space<vmem>> -> memref<80xi32, #tpu.memory_space<vmem>>
    %dma_wait3A_91 = arith.constant 0 : i32
    %dma_wait3A_92 = arith.constant 0 : i32
    %dma_wait3A_93 = tpu.memref_slice %arg11[%dma_wait3A_91, %dma_wait3A_92] : memref<10000x128xf32, #tpu.memory_space<vmem_shared>> -> memref<10000x128xf32, #tpu.memory_space<vmem_shared>>
    tpu.wait_indirect_dma semaphore(%arg16 : memref<!tpu.dma_semaphore, #tpu.memory_space<semaphore_mem>>) src(%arg9 : memref<80x128xf32, #tpu.memory_space<vmem>>) dst(%dma_wait3A_93 : memref<10000x128xf32, #tpu.memory_space<vmem_shared>>)
    %barrier3A_94 = arith.constant 0 : index
    tpu.barrier barrier_id(%barrier3A_94)
    %mul3A_95 = arith.constant 625 : i32
    %mul3A_96 = arith.muli %arg1, %mul3A_95 : i32
    %mul3A_97 = arith.constant 625 : i32
    %mul3A_98 = arith.muli %arg1, %mul3A_97 : i32
    "tpu.region"() ({
      %run_scoped3A = tpu.sem_alloc : memref<!tpu.dma_semaphore, #tpu.memory_space<semaphore_mem>>
      %dma_start3A_99 = arith.constant 0 : i32
      %dma_start3A_100 = tpu.memref_slice %arg5[%arg0, %mul3A_98, %dma_start3A_99] : memref<2x10000x128xf32, #tpu.memory_space<hbm>> -> memref<1x625x128xf32, #tpu.memory_space<hbm>>
      %dma_start3A_101 = tpu.memref_squeeze %dma_start3A_100 : memref<1x625x128xf32, #tpu.memory_space<hbm>> -> memref<625x128xf32, #tpu.memory_space<hbm>>
      %dma_start3A_102 = arith.constant 0 : i32
      %dma_start3A_103 = tpu.memref_slice %arg11[%mul3A_96, %dma_start3A_102] : memref<10000x128xf32, #tpu.memory_space<vmem_shared>> -> memref<625x128xf32, #tpu.memory_space<vmem_shared>>
      tpu.enqueue_dma source(%dma_start3A_103 : memref<625x128xf32, #tpu.memory_space<vmem_shared>>) target(%dma_start3A_101 : memref<625x128xf32, #tpu.memory_space<hbm>>) target_semaphore(%run_scoped3A : memref<!tpu.dma_semaphore, #tpu.memory_space<semaphore_mem>>)
      %dma_wait3A_104 = arith.constant 0 : i32
      %dma_wait3A_105 = tpu.memref_slice %arg5[%arg0, %mul3A_98, %dma_wait3A_104] : memref<2x10000x128xf32, #tpu.memory_space<hbm>> -> memref<1x625x128xf32, #tpu.memory_space<hbm>>
      %dma_wait3A_106 = tpu.memref_squeeze %dma_wait3A_105 : memref<1x625x128xf32, #tpu.memory_space<hbm>> -> memref<625x128xf32, #tpu.memory_space<hbm>>
      %dma_wait3A_107 = arith.constant 0 : i32
      %dma_wait3A_108 = tpu.memref_slice %arg11[%mul3A_96, %dma_wait3A_107] : memref<10000x128xf32, #tpu.memory_space<vmem_shared>> -> memref<625x128xf32, #tpu.memory_space<vmem_shared>>
      tpu.wait_dma2 semaphore(%run_scoped3A : memref<!tpu.dma_semaphore, #tpu.memory_space<semaphore_mem>>) src(%dma_wait3A_108 : memref<625x128xf32, #tpu.memory_space<vmem_shared>>) dst(%dma_wait3A_106 : memref<625x128xf32, #tpu.memory_space<hbm>>)
      tpu.yield
    }) : () -> ()
    return
  }
}

#map = affine_map<(d0, d1) -> (0, 0)>
#map1 = affine_map<(d0, d1) -> (0, 0, 0)>
module attributes {stable_mosaic.version = 14 : i64} {
  func.func @prop_kernel(%arg0: i32, %arg1: i32, %arg2: memref<10000x48xf32, #tpu.memory_space<hbm>>, %arg3: memref<32x125x80xi32, #tpu.memory_space<hbm>>, %arg4: memref<32x125x80xi32, #tpu.memory_space<hbm>>, %arg5: memref<2x10000x48xf32, #tpu.memory_space<hbm>>, %arg6: memref<125x80xi32, #tpu.memory_space<vmem>>, %arg7: memref<125x80xi32, #tpu.memory_space<vmem>>, %arg8: memref<80x48xf32, #tpu.memory_space<vmem>>, %arg9: memref<80x48xf32, #tpu.memory_space<vmem>>, %arg10: memref<80x48xf32, #tpu.memory_space<vmem>>, %arg11: memref<80x48xf32, #tpu.memory_space<vmem>>, %arg12: memref<80x48xf32, #tpu.memory_space<vmem>>, %arg13: memref<80x48xf32, #tpu.memory_space<vmem>>, %arg14: memref<10000x48xf32, #tpu.memory_space<vmem_shared>>, %arg15: memref<!tpu.dma_semaphore, #tpu.memory_space<semaphore_mem>>, %arg16: memref<!tpu.dma_semaphore, #tpu.memory_space<semaphore_mem>>, %arg17: memref<!tpu.dma_semaphore, #tpu.memory_space<semaphore_mem>>, %arg18: memref<!tpu.dma_semaphore, #tpu.memory_space<semaphore_mem>>, %arg19: memref<!tpu.dma_semaphore, #tpu.memory_space<semaphore_mem>>, %arg20: memref<!tpu.dma_semaphore, #tpu.memory_space<semaphore_mem>>, %arg21: memref<!tpu.dma_semaphore, #tpu.memory_space<semaphore_mem>>, %arg22: memref<!tpu.dma_semaphore, #tpu.memory_space<semaphore_mem>>, %arg23: memref<!tpu.dma_semaphore, #tpu.memory_space<semaphore_mem>>, %arg24: memref<!tpu.dma_semaphore, #tpu.memory_space<semaphore_mem>>, %arg25: memref<!tpu.dma_semaphore, #tpu.memory_space<semaphore_mem>>, %arg26: memref<!tpu.dma_semaphore, #tpu.memory_space<semaphore_mem>>) attributes {dimension_semantics = [#tpu.dimension_semantics<core_parallel>, #tpu.dimension_semantics<subcore_parallel>], iteration_bounds = array<i64: 2, 16>, scalar_prefetch = 0 : i64, scratch_operands = 21 : i64, tpu.core_type = #tpu.core_type<sc_vector_subcore>, window_params = [{transform_indices = #map}, {transform_indices = #map1}, {transform_indices = #map1}, {transform_indices = #map1}]} {
    %mul3A = arith.constant 2 : i32
    %mul3A_0 = arith.muli %arg1, %mul3A : i32
    %add3A = arith.addi %mul3A_0, %arg0 : i32
    %broadcast_in_dim3A = arith.constant 0.000000e+00 : f32
    %broadcast_in_dim3A_1 = vector.broadcast %broadcast_in_dim3A : f32 to vector<16xf32>
    %scan3A = arith.constant 0 : i32
    %scan3A_2 = arith.constant 0 : i32
    %scan3A_3 = arith.constant 80 : i32
    %scan3A_4 = arith.addi %scan3A_2, %scan3A_3 : i32
    %scan3A_5 = arith.constant 1 : i32
    %scan3A_6 = scf.for %scan3A_183 = %scan3A_2 to %scan3A_4 step %scan3A_5 iter_args(%scan3A_184 = %scan3A) -> (i32)  : i32 {
      %swap3A = arith.index_cast %scan3A_183 : i32 to index
      %swap3A_185 = arith.constant 0 : index
      %swap3A_186 = tpu.vector_load %arg8[%swap3A, %swap3A_185] {strides = array<i32>} : memref<80x48xf32, #tpu.memory_space<vmem>>, vector<1x16xf32>,
      %swap3A_187 = vector.shape_cast %swap3A_186 : vector<1x16xf32> to vector<16xf32>
      %swap3A_188 = vector.shape_cast %broadcast_in_dim3A_1 : vector<16xf32> to vector<1x16xf32>
      tpu.vector_store %arg8[%swap3A, %swap3A_185], %swap3A_188 {strides = array<i32>} : memref<80x48xf32, #tpu.memory_space<vmem>>, vector<1x16xf32>,
      %swap3A_189 = arith.index_cast %scan3A_183 : i32 to index
      %swap3A_190 = arith.constant 16 : index
      %swap3A_191 = tpu.vector_load %arg8[%swap3A_189, %swap3A_190] {strides = array<i32>} : memref<80x48xf32, #tpu.memory_space<vmem>>, vector<1x16xf32>,
      %swap3A_192 = vector.shape_cast %swap3A_191 : vector<1x16xf32> to vector<16xf32>
      %swap3A_193 = vector.shape_cast %broadcast_in_dim3A_1 : vector<16xf32> to vector<1x16xf32>
      tpu.vector_store %arg8[%swap3A_189, %swap3A_190], %swap3A_193 {strides = array<i32>} : memref<80x48xf32, #tpu.memory_space<vmem>>, vector<1x16xf32>,
      %swap3A_194 = arith.index_cast %scan3A_183 : i32 to index
      %swap3A_195 = arith.constant 32 : index
      %swap3A_196 = tpu.vector_load %arg8[%swap3A_194, %swap3A_195] {strides = array<i32>} : memref<80x48xf32, #tpu.memory_space<vmem>>, vector<1x16xf32>,
      %swap3A_197 = vector.shape_cast %swap3A_196 : vector<1x16xf32> to vector<16xf32>
      %swap3A_198 = vector.shape_cast %broadcast_in_dim3A_1 : vector<16xf32> to vector<1x16xf32>
      tpu.vector_store %arg8[%swap3A_194, %swap3A_195], %swap3A_198 {strides = array<i32>} : memref<80x48xf32, #tpu.memory_space<vmem>>, vector<1x16xf32>,
      %scan3A_199 = arith.constant 0 : i32
      scf.yield %scan3A_199 : i32
    }
    %scan3A_7 = arith.constant 80 : i32
    %scan3A_8 = arith.constant 0 : i32
    %scan3A_9 = arith.constant 0 : i32
    %scan3A_10 = arith.constant 7 : i32
    %scan3A_11 = arith.addi %scan3A_9, %scan3A_10 : i32
    %scan3A_12 = arith.constant 1 : i32
    %scan3A_13 = scf.for %scan3A_183 = %scan3A_9 to %scan3A_11 step %scan3A_12 iter_args(%scan3A_184 = %scan3A_8) -> (i32)  : i32 {
      %mul3A_185 = arith.constant 625 : i32
      %mul3A_186 = arith.muli %arg1, %mul3A_185 : i32
      %mul3A_187 = arith.constant 80 : i32
      %mul3A_188 = arith.muli %scan3A_183, %mul3A_187 : i32
      %add3A_189 = arith.addi %mul3A_186, %mul3A_188 : i32
      "tpu.region"() ({
        %run_scoped3A = tpu.sem_alloc : memref<!tpu.dma_semaphore, #tpu.memory_space<semaphore_mem>>
        %dma_start3A_191 = arith.constant 0 : i32
        %dma_start3A_192 = tpu.memref_slice %arg14[%add3A_189, %dma_start3A_191] : memref<10000x48xf32, #tpu.memory_space<vmem_shared>> -> memref<80x48xf32, #tpu.memory_space<vmem_shared>>
        %dma_start3A_193 = arith.constant 0 : i32
        %dma_start3A_194 = tpu.memref_slice %arg14[%add3A_189, %dma_start3A_193] : memref<10000x48xf32, #tpu.memory_space<vmem_shared>> -> memref<80x48xf32, #tpu.memory_space<vmem_shared>>
        tpu.enqueue_dma source(%arg8 : memref<80x48xf32, #tpu.memory_space<vmem>>) target(%dma_start3A_194 : memref<80x48xf32, #tpu.memory_space<vmem_shared>>) target_semaphore(%run_scoped3A : memref<!tpu.dma_semaphore, #tpu.memory_space<semaphore_mem>>)
        %dma_wait3A_195 = arith.constant 0 : i32
        %dma_wait3A_196 = tpu.memref_slice %arg14[%add3A_189, %dma_wait3A_195] : memref<10000x48xf32, #tpu.memory_space<vmem_shared>> -> memref<80x48xf32, #tpu.memory_space<vmem_shared>>
        %dma_wait3A_197 = arith.constant 0 : i32
        %dma_wait3A_198 = tpu.memref_slice %arg14[%add3A_189, %dma_wait3A_197] : memref<10000x48xf32, #tpu.memory_space<vmem_shared>> -> memref<80x48xf32, #tpu.memory_space<vmem_shared>>
        tpu.wait_dma2 semaphore(%run_scoped3A : memref<!tpu.dma_semaphore, #tpu.memory_space<semaphore_mem>>) src(%arg8 : memref<80x48xf32, #tpu.memory_space<vmem>>) dst(%dma_wait3A_198 : memref<80x48xf32, #tpu.memory_space<vmem_shared>>)
        tpu.yield
      }) : () -> ()
      %scan3A_190 = arith.constant 0 : i32
      scf.yield %scan3A_190 : i32
    }
    %scan3A_14 = arith.constant 7 : i32
    %mul3A_15 = arith.constant 625 : i32
    %mul3A_16 = arith.muli %arg1, %mul3A_15 : i32
    %add3A_17 = arith.constant 560 : i32
    %add3A_18 = arith.addi %mul3A_16, %add3A_17 : i32
    "tpu.region"() ({
      %run_scoped3A = tpu.sem_alloc : memref<!tpu.dma_semaphore, #tpu.memory_space<semaphore_mem>>
      %dma_start3A_183 = arith.constant 0 : i32
      %dma_start3A_184 = arith.constant 0 : i32
      %dma_start3A_185 = tpu.memref_slice %arg8[%dma_start3A_183, %dma_start3A_184] : memref<80x48xf32, #tpu.memory_space<vmem>> -> memref<65x48xf32, #tpu.memory_space<vmem>>
      %dma_start3A_186 = arith.constant 0 : i32
      %dma_start3A_187 = tpu.memref_slice %arg14[%add3A_18, %dma_start3A_186] : memref<10000x48xf32, #tpu.memory_space<vmem_shared>> -> memref<65x48xf32, #tpu.memory_space<vmem_shared>>
      %dma_start3A_188 = arith.constant 0 : i32
      %dma_start3A_189 = tpu.memref_slice %arg14[%add3A_18, %dma_start3A_188] : memref<10000x48xf32, #tpu.memory_space<vmem_shared>> -> memref<65x48xf32, #tpu.memory_space<vmem_shared>>
      %dma_start3A_190 = arith.constant 0 : i32
      %dma_start3A_191 = arith.constant 0 : i32
      %dma_start3A_192 = tpu.memref_slice %arg8[%dma_start3A_190, %dma_start3A_191] : memref<80x48xf32, #tpu.memory_space<vmem>> -> memref<65x48xf32, #tpu.memory_space<vmem>>
      tpu.enqueue_dma source(%dma_start3A_192 : memref<65x48xf32, #tpu.memory_space<vmem>>) target(%dma_start3A_189 : memref<65x48xf32, #tpu.memory_space<vmem_shared>>) target_semaphore(%run_scoped3A : memref<!tpu.dma_semaphore, #tpu.memory_space<semaphore_mem>>)
      %dma_wait3A_193 = arith.constant 0 : i32
      %dma_wait3A_194 = arith.constant 0 : i32
      %dma_wait3A_195 = tpu.memref_slice %arg8[%dma_wait3A_193, %dma_wait3A_194] : memref<80x48xf32, #tpu.memory_space<vmem>> -> memref<65x48xf32, #tpu.memory_space<vmem>>
      %dma_wait3A_196 = arith.constant 0 : i32
      %dma_wait3A_197 = tpu.memref_slice %arg14[%add3A_18, %dma_wait3A_196] : memref<10000x48xf32, #tpu.memory_space<vmem_shared>> -> memref<65x48xf32, #tpu.memory_space<vmem_shared>>
      %dma_wait3A_198 = arith.constant 0 : i32
      %dma_wait3A_199 = tpu.memref_slice %arg14[%add3A_18, %dma_wait3A_198] : memref<10000x48xf32, #tpu.memory_space<vmem_shared>> -> memref<65x48xf32, #tpu.memory_space<vmem_shared>>
      %dma_wait3A_200 = arith.constant 0 : i32
      %dma_wait3A_201 = arith.constant 0 : i32
      %dma_wait3A_202 = tpu.memref_slice %arg8[%dma_wait3A_200, %dma_wait3A_201] : memref<80x48xf32, #tpu.memory_space<vmem>> -> memref<65x48xf32, #tpu.memory_space<vmem>>
      tpu.wait_dma2 semaphore(%run_scoped3A : memref<!tpu.dma_semaphore, #tpu.memory_space<semaphore_mem>>) src(%dma_wait3A_202 : memref<65x48xf32, #tpu.memory_space<vmem>>) dst(%dma_wait3A_199 : memref<65x48xf32, #tpu.memory_space<vmem_shared>>)
      tpu.yield
    }) : () -> ()
    "tpu.region"() ({
      %run_scoped3A = tpu.sem_alloc : memref<!tpu.dma_semaphore, #tpu.memory_space<semaphore_mem>>
      %dma_start3A_183 = arith.constant 0 : i32
      %dma_start3A_184 = arith.constant 0 : i32
      %dma_start3A_185 = tpu.memref_slice %arg3[%add3A, %dma_start3A_183, %dma_start3A_184] : memref<32x125x80xi32, #tpu.memory_space<hbm>> -> memref<1x125x80xi32, #tpu.memory_space<hbm>>
      %dma_start3A_186 = tpu.memref_squeeze %dma_start3A_185 : memref<1x125x80xi32, #tpu.memory_space<hbm>> -> memref<125x80xi32, #tpu.memory_space<hbm>>
      %dma_start3A_187 = arith.constant 0 : i32
      %dma_start3A_188 = arith.constant 0 : i32
      %dma_start3A_189 = tpu.memref_slice %arg3[%add3A, %dma_start3A_187, %dma_start3A_188] : memref<32x125x80xi32, #tpu.memory_space<hbm>> -> memref<1x125x80xi32, #tpu.memory_space<hbm>>
      %dma_start3A_190 = tpu.memref_squeeze %dma_start3A_189 : memref<1x125x80xi32, #tpu.memory_space<hbm>> -> memref<125x80xi32, #tpu.memory_space<hbm>>
      tpu.enqueue_dma source(%dma_start3A_190 : memref<125x80xi32, #tpu.memory_space<hbm>>) target(%arg6 : memref<125x80xi32, #tpu.memory_space<vmem>>) target_semaphore(%run_scoped3A : memref<!tpu.dma_semaphore, #tpu.memory_space<semaphore_mem>>)
      %dma_wait3A_191 = arith.constant 0 : i32
      %dma_wait3A_192 = arith.constant 0 : i32
      %dma_wait3A_193 = tpu.memref_slice %arg3[%add3A, %dma_wait3A_191, %dma_wait3A_192] : memref<32x125x80xi32, #tpu.memory_space<hbm>> -> memref<1x125x80xi32, #tpu.memory_space<hbm>>
      %dma_wait3A_194 = tpu.memref_squeeze %dma_wait3A_193 : memref<1x125x80xi32, #tpu.memory_space<hbm>> -> memref<125x80xi32, #tpu.memory_space<hbm>>
      %dma_wait3A_195 = arith.constant 0 : i32
      %dma_wait3A_196 = arith.constant 0 : i32
      %dma_wait3A_197 = tpu.memref_slice %arg3[%add3A, %dma_wait3A_195, %dma_wait3A_196] : memref<32x125x80xi32, #tpu.memory_space<hbm>> -> memref<1x125x80xi32, #tpu.memory_space<hbm>>
      %dma_wait3A_198 = tpu.memref_squeeze %dma_wait3A_197 : memref<1x125x80xi32, #tpu.memory_space<hbm>> -> memref<125x80xi32, #tpu.memory_space<hbm>>
      tpu.wait_dma2 semaphore(%run_scoped3A : memref<!tpu.dma_semaphore, #tpu.memory_space<semaphore_mem>>) src(%dma_wait3A_198 : memref<125x80xi32, #tpu.memory_space<hbm>>) dst(%arg6 : memref<125x80xi32, #tpu.memory_space<vmem>>)
      tpu.yield
    }) : () -> ()
    "tpu.region"() ({
      %run_scoped3A = tpu.sem_alloc : memref<!tpu.dma_semaphore, #tpu.memory_space<semaphore_mem>>
      %dma_start3A_183 = arith.constant 0 : i32
      %dma_start3A_184 = arith.constant 0 : i32
      %dma_start3A_185 = tpu.memref_slice %arg4[%add3A, %dma_start3A_183, %dma_start3A_184] : memref<32x125x80xi32, #tpu.memory_space<hbm>> -> memref<1x125x80xi32, #tpu.memory_space<hbm>>
      %dma_start3A_186 = tpu.memref_squeeze %dma_start3A_185 : memref<1x125x80xi32, #tpu.memory_space<hbm>> -> memref<125x80xi32, #tpu.memory_space<hbm>>
      %dma_start3A_187 = arith.constant 0 : i32
      %dma_start3A_188 = arith.constant 0 : i32
      %dma_start3A_189 = tpu.memref_slice %arg4[%add3A, %dma_start3A_187, %dma_start3A_188] : memref<32x125x80xi32, #tpu.memory_space<hbm>> -> memref<1x125x80xi32, #tpu.memory_space<hbm>>
      %dma_start3A_190 = tpu.memref_squeeze %dma_start3A_189 : memref<1x125x80xi32, #tpu.memory_space<hbm>> -> memref<125x80xi32, #tpu.memory_space<hbm>>
      tpu.enqueue_dma source(%dma_start3A_190 : memref<125x80xi32, #tpu.memory_space<hbm>>) target(%arg7 : memref<125x80xi32, #tpu.memory_space<vmem>>) target_semaphore(%run_scoped3A : memref<!tpu.dma_semaphore, #tpu.memory_space<semaphore_mem>>)
      %dma_wait3A_191 = arith.constant 0 : i32
      %dma_wait3A_192 = arith.constant 0 : i32
      %dma_wait3A_193 = tpu.memref_slice %arg4[%add3A, %dma_wait3A_191, %dma_wait3A_192] : memref<32x125x80xi32, #tpu.memory_space<hbm>> -> memref<1x125x80xi32, #tpu.memory_space<hbm>>
      %dma_wait3A_194 = tpu.memref_squeeze %dma_wait3A_193 : memref<1x125x80xi32, #tpu.memory_space<hbm>> -> memref<125x80xi32, #tpu.memory_space<hbm>>
      %dma_wait3A_195 = arith.constant 0 : i32
      %dma_wait3A_196 = arith.constant 0 : i32
      %dma_wait3A_197 = tpu.memref_slice %arg4[%add3A, %dma_wait3A_195, %dma_wait3A_196] : memref<32x125x80xi32, #tpu.memory_space<hbm>> -> memref<1x125x80xi32, #tpu.memory_space<hbm>>
      %dma_wait3A_198 = tpu.memref_squeeze %dma_wait3A_197 : memref<1x125x80xi32, #tpu.memory_space<hbm>> -> memref<125x80xi32, #tpu.memory_space<hbm>>
      tpu.wait_dma2 semaphore(%run_scoped3A : memref<!tpu.dma_semaphore, #tpu.memory_space<semaphore_mem>>) src(%dma_wait3A_198 : memref<125x80xi32, #tpu.memory_space<hbm>>) dst(%arg7 : memref<125x80xi32, #tpu.memory_space<vmem>>)
      tpu.yield
    }) : () -> ()
    %dma_start3A = arith.constant 0 : i32
    %dma_start3A_19 = arith.constant 0 : i32
    %dma_start3A_20 = tpu.memref_slice %arg6[%dma_start3A, %dma_start3A_19] : memref<125x80xi32, #tpu.memory_space<vmem>> -> memref<1x80xi32, #tpu.memory_space<vmem>>
    %dma_start3A_21 = tpu.memref_squeeze %dma_start3A_20 : memref<1x80xi32, #tpu.memory_space<vmem>> -> memref<80xi32, #tpu.memory_space<vmem>>
    %dma_start3A_22 = arith.constant 0 : i32
    %dma_start3A_23 = arith.constant 0 : i32
    %dma_start3A_24 = tpu.memref_slice %arg2[%dma_start3A_22, %dma_start3A_23] : memref<10000x48xf32, #tpu.memory_space<hbm>> -> memref<10000x48xf32, #tpu.memory_space<hbm>>
    tpu.enqueue_indirect_dma source(%dma_start3A_24 : memref<10000x48xf32, #tpu.memory_space<hbm>>) target(%arg8 : memref<80x48xf32, #tpu.memory_space<vmem>>) offsets(%dma_start3A_21 : memref<80xi32, #tpu.memory_space<vmem>>) semaphore(%arg15 : memref<!tpu.dma_semaphore, #tpu.memory_space<semaphore_mem>>)
    %dma_start3A_25 = arith.constant 1 : i32
    %dma_start3A_26 = arith.constant 0 : i32
    %dma_start3A_27 = tpu.memref_slice %arg6[%dma_start3A_25, %dma_start3A_26] : memref<125x80xi32, #tpu.memory_space<vmem>> -> memref<1x80xi32, #tpu.memory_space<vmem>>
    %dma_start3A_28 = tpu.memref_squeeze %dma_start3A_27 : memref<1x80xi32, #tpu.memory_space<vmem>> -> memref<80xi32, #tpu.memory_space<vmem>>
    %dma_start3A_29 = arith.constant 0 : i32
    %dma_start3A_30 = arith.constant 0 : i32
    %dma_start3A_31 = tpu.memref_slice %arg2[%dma_start3A_29, %dma_start3A_30] : memref<10000x48xf32, #tpu.memory_space<hbm>> -> memref<10000x48xf32, #tpu.memory_space<hbm>>
    tpu.enqueue_indirect_dma source(%dma_start3A_31 : memref<10000x48xf32, #tpu.memory_space<hbm>>) target(%arg9 : memref<80x48xf32, #tpu.memory_space<vmem>>) offsets(%dma_start3A_28 : memref<80xi32, #tpu.memory_space<vmem>>) semaphore(%arg16 : memref<!tpu.dma_semaphore, #tpu.memory_space<semaphore_mem>>)
    %dma_start3A_32 = arith.constant 2 : i32
    %dma_start3A_33 = arith.constant 0 : i32
    %dma_start3A_34 = tpu.memref_slice %arg6[%dma_start3A_32, %dma_start3A_33] : memref<125x80xi32, #tpu.memory_space<vmem>> -> memref<1x80xi32, #tpu.memory_space<vmem>>
    %dma_start3A_35 = tpu.memref_squeeze %dma_start3A_34 : memref<1x80xi32, #tpu.memory_space<vmem>> -> memref<80xi32, #tpu.memory_space<vmem>>
    %dma_start3A_36 = arith.constant 0 : i32
    %dma_start3A_37 = arith.constant 0 : i32
    %dma_start3A_38 = tpu.memref_slice %arg2[%dma_start3A_36, %dma_start3A_37] : memref<10000x48xf32, #tpu.memory_space<hbm>> -> memref<10000x48xf32, #tpu.memory_space<hbm>>
    tpu.enqueue_indirect_dma source(%dma_start3A_38 : memref<10000x48xf32, #tpu.memory_space<hbm>>) target(%arg10 : memref<80x48xf32, #tpu.memory_space<vmem>>) offsets(%dma_start3A_35 : memref<80xi32, #tpu.memory_space<vmem>>) semaphore(%arg17 : memref<!tpu.dma_semaphore, #tpu.memory_space<semaphore_mem>>)
    %dma_start3A_39 = arith.constant 3 : i32
    %dma_start3A_40 = arith.constant 0 : i32
    %dma_start3A_41 = tpu.memref_slice %arg6[%dma_start3A_39, %dma_start3A_40] : memref<125x80xi32, #tpu.memory_space<vmem>> -> memref<1x80xi32, #tpu.memory_space<vmem>>
    %dma_start3A_42 = tpu.memref_squeeze %dma_start3A_41 : memref<1x80xi32, #tpu.memory_space<vmem>> -> memref<80xi32, #tpu.memory_space<vmem>>
    %dma_start3A_43 = arith.constant 0 : i32
    %dma_start3A_44 = arith.constant 0 : i32
    %dma_start3A_45 = tpu.memref_slice %arg2[%dma_start3A_43, %dma_start3A_44] : memref<10000x48xf32, #tpu.memory_space<hbm>> -> memref<10000x48xf32, #tpu.memory_space<hbm>>
    tpu.enqueue_indirect_dma source(%dma_start3A_45 : memref<10000x48xf32, #tpu.memory_space<hbm>>) target(%arg11 : memref<80x48xf32, #tpu.memory_space<vmem>>) offsets(%dma_start3A_42 : memref<80xi32, #tpu.memory_space<vmem>>) semaphore(%arg18 : memref<!tpu.dma_semaphore, #tpu.memory_space<semaphore_mem>>)
    %barrier3A = arith.constant 0 : index
    tpu.barrier barrier_id(%barrier3A)
    %scan3A_46 = arith.constant 0 : i32
    %scan3A_47 = arith.constant 0 : i32
    %scan3A_48 = arith.constant 20 : i32
    %scan3A_49 = arith.addi %scan3A_47, %scan3A_48 : i32
    %scan3A_50 = arith.constant 1 : i32
    %scan3A_51 = scf.for %scan3A_183 = %scan3A_47 to %scan3A_49 step %scan3A_50 iter_args(%scan3A_184 = %scan3A_46) -> (i32)  : i32 {
      %mul3A_185 = arith.constant 6 : i32
      %mul3A_186 = arith.muli %scan3A_183, %mul3A_185 : i32
      %add3A_187 = arith.constant 0 : i32
      %add3A_188 = arith.addi %mul3A_186, %add3A_187 : i32
      %ge3A = arith.constant 2 : i32
      %ge3A_189 = arith.cmpi sge, %add3A_188, %ge3A : i32
      %convert_element_type3A = arith.extui %ge3A_189 : i1 to i32
      %cond3A = arith.constant 0 : i32
      %cond3A_190 = arith.cmpi ne, %convert_element_type3A, %cond3A : i32
      scf.if %cond3A_190 {
        %dma_wait3A_356 = arith.constant 0 : i32
        %dma_wait3A_357 = arith.constant 0 : i32
        %dma_wait3A_358 = tpu.memref_slice %arg7[%dma_wait3A_356, %dma_wait3A_357] : memref<125x80xi32, #tpu.memory_space<vmem>> -> memref<1x80xi32, #tpu.memory_space<vmem>>
        %dma_wait3A_359 = tpu.memref_squeeze %dma_wait3A_358 : memref<1x80xi32, #tpu.memory_space<vmem>> -> memref<80xi32, #tpu.memory_space<vmem>>
        %dma_wait3A_360 = arith.constant 0 : i32
        %dma_wait3A_361 = arith.constant 0 : i32
        %dma_wait3A_362 = tpu.memref_slice %arg14[%dma_wait3A_360, %dma_wait3A_361] : memref<10000x48xf32, #tpu.memory_space<vmem_shared>> -> memref<10000x48xf32, #tpu.memory_space<vmem_shared>>
        tpu.wait_indirect_dma semaphore(%arg25 : memref<!tpu.dma_semaphore, #tpu.memory_space<semaphore_mem>>) src(%arg12 : memref<80x48xf32, #tpu.memory_space<vmem>>) dst(%dma_wait3A_362 : memref<10000x48xf32, #tpu.memory_space<vmem_shared>>)
      } else {
      }
      %add3A_191 = arith.constant 4 : i32
      %add3A_192 = arith.addi %add3A_188, %add3A_191 : i32
      %lt3A = arith.constant 125 : i32
      %lt3A_193 = arith.cmpi slt, %add3A_192, %lt3A : i32
      %convert_element_type3A_194 = arith.extui %lt3A_193 : i1 to i32
      %cond3A_195 = arith.constant 0 : i32
      %cond3A_196 = arith.cmpi ne, %convert_element_type3A_194, %cond3A_195 : i32
      scf.if %cond3A_196 {
        %add3A_356 = arith.constant 4 : i32
        %add3A_357 = arith.addi %add3A_188, %add3A_356 : i32
        %dma_start3A_358 = arith.constant 0 : i32
        %dma_start3A_359 = tpu.memref_slice %arg6[%add3A_357, %dma_start3A_358] : memref<125x80xi32, #tpu.memory_space<vmem>> -> memref<1x80xi32, #tpu.memory_space<vmem>>
        %dma_start3A_360 = tpu.memref_squeeze %dma_start3A_359 : memref<1x80xi32, #tpu.memory_space<vmem>> -> memref<80xi32, #tpu.memory_space<vmem>>
        %dma_start3A_361 = arith.constant 0 : i32
        %dma_start3A_362 = arith.constant 0 : i32
        %dma_start3A_363 = tpu.memref_slice %arg2[%dma_start3A_361, %dma_start3A_362] : memref<10000x48xf32, #tpu.memory_space<hbm>> -> memref<10000x48xf32, #tpu.memory_space<hbm>>
        tpu.enqueue_indirect_dma source(%dma_start3A_363 : memref<10000x48xf32, #tpu.memory_space<hbm>>) target(%arg12 : memref<80x48xf32, #tpu.memory_space<vmem>>) offsets(%dma_start3A_360 : memref<80xi32, #tpu.memory_space<vmem>>) semaphore(%arg19 : memref<!tpu.dma_semaphore, #tpu.memory_space<semaphore_mem>>)
      } else {
      }
      %dma_wait3A_197 = arith.constant 0 : i32
      %dma_wait3A_198 = arith.constant 0 : i32
      %dma_wait3A_199 = tpu.memref_slice %arg6[%dma_wait3A_197, %dma_wait3A_198] : memref<125x80xi32, #tpu.memory_space<vmem>> -> memref<1x80xi32, #tpu.memory_space<vmem>>
      %dma_wait3A_200 = tpu.memref_squeeze %dma_wait3A_199 : memref<1x80xi32, #tpu.memory_space<vmem>> -> memref<80xi32, #tpu.memory_space<vmem>>
      %dma_wait3A_201 = arith.constant 0 : i32
      %dma_wait3A_202 = arith.constant 0 : i32
      %dma_wait3A_203 = tpu.memref_slice %arg2[%dma_wait3A_201, %dma_wait3A_202] : memref<10000x48xf32, #tpu.memory_space<hbm>> -> memref<10000x48xf32, #tpu.memory_space<hbm>>
      tpu.wait_indirect_dma semaphore(%arg15 : memref<!tpu.dma_semaphore, #tpu.memory_space<semaphore_mem>>) src(%dma_wait3A_203 : memref<10000x48xf32, #tpu.memory_space<hbm>>) dst(%arg8 : memref<80x48xf32, #tpu.memory_space<vmem>>)
      %dma_start3A_204 = arith.constant 0 : i32
      %dma_start3A_205 = tpu.memref_slice %arg7[%add3A_188, %dma_start3A_204] : memref<125x80xi32, #tpu.memory_space<vmem>> -> memref<1x80xi32, #tpu.memory_space<vmem>>
      %dma_start3A_206 = tpu.memref_squeeze %dma_start3A_205 : memref<1x80xi32, #tpu.memory_space<vmem>> -> memref<80xi32, #tpu.memory_space<vmem>>
      %dma_start3A_207 = arith.constant 0 : i32
      %dma_start3A_208 = arith.constant 0 : i32
      %dma_start3A_209 = tpu.memref_slice %arg14[%dma_start3A_207, %dma_start3A_208] : memref<10000x48xf32, #tpu.memory_space<vmem_shared>> -> memref<10000x48xf32, #tpu.memory_space<vmem_shared>>
      tpu.enqueue_indirect_dma source(%arg8 : memref<80x48xf32, #tpu.memory_space<vmem>>) target(%dma_start3A_209 : memref<10000x48xf32, #tpu.memory_space<vmem_shared>>) offsets(%dma_start3A_206 : memref<80xi32, #tpu.memory_space<vmem>>) semaphore(%arg21 : memref<!tpu.dma_semaphore, #tpu.memory_space<semaphore_mem>>) {add = true}
      %mul3A_210 = arith.constant 6 : i32
      %mul3A_211 = arith.muli %scan3A_183, %mul3A_210 : i32
      %add3A_212 = arith.constant 1 : i32
      %add3A_213 = arith.addi %mul3A_211, %add3A_212 : i32
      %ge3A_214 = arith.constant 2 : i32
      %ge3A_215 = arith.cmpi sge, %add3A_213, %ge3A_214 : i32
      %convert_element_type3A_216 = arith.extui %ge3A_215 : i1 to i32
      %cond3A_217 = arith.constant 0 : i32
      %cond3A_218 = arith.cmpi ne, %convert_element_type3A_216, %cond3A_217 : i32
      scf.if %cond3A_218 {
        %dma_wait3A_356 = arith.constant 0 : i32
        %dma_wait3A_357 = arith.constant 0 : i32
        %dma_wait3A_358 = tpu.memref_slice %arg7[%dma_wait3A_356, %dma_wait3A_357] : memref<125x80xi32, #tpu.memory_space<vmem>> -> memref<1x80xi32, #tpu.memory_space<vmem>>
        %dma_wait3A_359 = tpu.memref_squeeze %dma_wait3A_358 : memref<1x80xi32, #tpu.memory_space<vmem>> -> memref<80xi32, #tpu.memory_space<vmem>>
        %dma_wait3A_360 = arith.constant 0 : i32
        %dma_wait3A_361 = arith.constant 0 : i32
        %dma_wait3A_362 = tpu.memref_slice %arg14[%dma_wait3A_360, %dma_wait3A_361] : memref<10000x48xf32, #tpu.memory_space<vmem_shared>> -> memref<10000x48xf32, #tpu.memory_space<vmem_shared>>
        tpu.wait_indirect_dma semaphore(%arg26 : memref<!tpu.dma_semaphore, #tpu.memory_space<semaphore_mem>>) src(%arg13 : memref<80x48xf32, #tpu.memory_space<vmem>>) dst(%dma_wait3A_362 : memref<10000x48xf32, #tpu.memory_space<vmem_shared>>)
      } else {
      }
      %add3A_219 = arith.constant 4 : i32
      %add3A_220 = arith.addi %add3A_213, %add3A_219 : i32
      %lt3A_221 = arith.constant 125 : i32
      %lt3A_222 = arith.cmpi slt, %add3A_220, %lt3A_221 : i32
      %convert_element_type3A_223 = arith.extui %lt3A_222 : i1 to i32
      %cond3A_224 = arith.constant 0 : i32
      %cond3A_225 = arith.cmpi ne, %convert_element_type3A_223, %cond3A_224 : i32
      scf.if %cond3A_225 {
        %add3A_356 = arith.constant 4 : i32
        %add3A_357 = arith.addi %add3A_213, %add3A_356 : i32
        %dma_start3A_358 = arith.constant 0 : i32
        %dma_start3A_359 = tpu.memref_slice %arg6[%add3A_357, %dma_start3A_358] : memref<125x80xi32, #tpu.memory_space<vmem>> -> memref<1x80xi32, #tpu.memory_space<vmem>>
        %dma_start3A_360 = tpu.memref_squeeze %dma_start3A_359 : memref<1x80xi32, #tpu.memory_space<vmem>> -> memref<80xi32, #tpu.memory_space<vmem>>
        %dma_start3A_361 = arith.constant 0 : i32
        %dma_start3A_362 = arith.constant 0 : i32
        %dma_start3A_363 = tpu.memref_slice %arg2[%dma_start3A_361, %dma_start3A_362] : memref<10000x48xf32, #tpu.memory_space<hbm>> -> memref<10000x48xf32, #tpu.memory_space<hbm>>
        tpu.enqueue_indirect_dma source(%dma_start3A_363 : memref<10000x48xf32, #tpu.memory_space<hbm>>) target(%arg13 : memref<80x48xf32, #tpu.memory_space<vmem>>) offsets(%dma_start3A_360 : memref<80xi32, #tpu.memory_space<vmem>>) semaphore(%arg20 : memref<!tpu.dma_semaphore, #tpu.memory_space<semaphore_mem>>)
      } else {
      }
      %dma_wait3A_226 = arith.constant 0 : i32
      %dma_wait3A_227 = arith.constant 0 : i32
      %dma_wait3A_228 = tpu.memref_slice %arg6[%dma_wait3A_226, %dma_wait3A_227] : memref<125x80xi32, #tpu.memory_space<vmem>> -> memref<1x80xi32, #tpu.memory_space<vmem>>
      %dma_wait3A_229 = tpu.memref_squeeze %dma_wait3A_228 : memref<1x80xi32, #tpu.memory_space<vmem>> -> memref<80xi32, #tpu.memory_space<vmem>>
      %dma_wait3A_230 = arith.constant 0 : i32
      %dma_wait3A_231 = arith.constant 0 : i32
      %dma_wait3A_232 = tpu.memref_slice %arg2[%dma_wait3A_230, %dma_wait3A_231] : memref<10000x48xf32, #tpu.memory_space<hbm>> -> memref<10000x48xf32, #tpu.memory_space<hbm>>
      tpu.wait_indirect_dma semaphore(%arg16 : memref<!tpu.dma_semaphore, #tpu.memory_space<semaphore_mem>>) src(%dma_wait3A_232 : memref<10000x48xf32, #tpu.memory_space<hbm>>) dst(%arg9 : memref<80x48xf32, #tpu.memory_space<vmem>>)
      %dma_start3A_233 = arith.constant 0 : i32
      %dma_start3A_234 = tpu.memref_slice %arg7[%add3A_213, %dma_start3A_233] : memref<125x80xi32, #tpu.memory_space<vmem>> -> memref<1x80xi32, #tpu.memory_space<vmem>>
      %dma_start3A_235 = tpu.memref_squeeze %dma_start3A_234 : memref<1x80xi32, #tpu.memory_space<vmem>> -> memref<80xi32, #tpu.memory_space<vmem>>
      %dma_start3A_236 = arith.constant 0 : i32
      %dma_start3A_237 = arith.constant 0 : i32
      %dma_start3A_238 = tpu.memref_slice %arg14[%dma_start3A_236, %dma_start3A_237] : memref<10000x48xf32, #tpu.memory_space<vmem_shared>> -> memref<10000x48xf32, #tpu.memory_space<vmem_shared>>
      tpu.enqueue_indirect_dma source(%arg9 : memref<80x48xf32, #tpu.memory_space<vmem>>) target(%dma_start3A_238 : memref<10000x48xf32, #tpu.memory_space<vmem_shared>>) offsets(%dma_start3A_235 : memref<80xi32, #tpu.memory_space<vmem>>) semaphore(%arg22 : memref<!tpu.dma_semaphore, #tpu.memory_space<semaphore_mem>>) {add = true}
      %mul3A_239 = arith.constant 6 : i32
      %mul3A_240 = arith.muli %scan3A_183, %mul3A_239 : i32
      %add3A_241 = arith.constant 2 : i32
      %add3A_242 = arith.addi %mul3A_240, %add3A_241 : i32
      %ge3A_243 = arith.constant 2 : i32
      %ge3A_244 = arith.cmpi sge, %add3A_242, %ge3A_243 : i32
      %convert_element_type3A_245 = arith.extui %ge3A_244 : i1 to i32
      %cond3A_246 = arith.constant 0 : i32
      %cond3A_247 = arith.cmpi ne, %convert_element_type3A_245, %cond3A_246 : i32
      scf.if %cond3A_247 {
        %dma_wait3A_356 = arith.constant 0 : i32
        %dma_wait3A_357 = arith.constant 0 : i32
        %dma_wait3A_358 = tpu.memref_slice %arg7[%dma_wait3A_356, %dma_wait3A_357] : memref<125x80xi32, #tpu.memory_space<vmem>> -> memref<1x80xi32, #tpu.memory_space<vmem>>
        %dma_wait3A_359 = tpu.memref_squeeze %dma_wait3A_358 : memref<1x80xi32, #tpu.memory_space<vmem>> -> memref<80xi32, #tpu.memory_space<vmem>>
        %dma_wait3A_360 = arith.constant 0 : i32
        %dma_wait3A_361 = arith.constant 0 : i32
        %dma_wait3A_362 = tpu.memref_slice %arg14[%dma_wait3A_360, %dma_wait3A_361] : memref<10000x48xf32, #tpu.memory_space<vmem_shared>> -> memref<10000x48xf32, #tpu.memory_space<vmem_shared>>
        tpu.wait_indirect_dma semaphore(%arg21 : memref<!tpu.dma_semaphore, #tpu.memory_space<semaphore_mem>>) src(%arg8 : memref<80x48xf32, #tpu.memory_space<vmem>>) dst(%dma_wait3A_362 : memref<10000x48xf32, #tpu.memory_space<vmem_shared>>)
      } else {
      }
      %add3A_248 = arith.constant 4 : i32
      %add3A_249 = arith.addi %add3A_242, %add3A_248 : i32
      %lt3A_250 = arith.constant 125 : i32
      %lt3A_251 = arith.cmpi slt, %add3A_249, %lt3A_250 : i32
      %convert_element_type3A_252 = arith.extui %lt3A_251 : i1 to i32
      %cond3A_253 = arith.constant 0 : i32
      %cond3A_254 = arith.cmpi ne, %convert_element_type3A_252, %cond3A_253 : i32
      scf.if %cond3A_254 {
        %add3A_356 = arith.constant 4 : i32
        %add3A_357 = arith.addi %add3A_242, %add3A_356 : i32
        %dma_start3A_358 = arith.constant 0 : i32
        %dma_start3A_359 = tpu.memref_slice %arg6[%add3A_357, %dma_start3A_358] : memref<125x80xi32, #tpu.memory_space<vmem>> -> memref<1x80xi32, #tpu.memory_space<vmem>>
        %dma_start3A_360 = tpu.memref_squeeze %dma_start3A_359 : memref<1x80xi32, #tpu.memory_space<vmem>> -> memref<80xi32, #tpu.memory_space<vmem>>
        %dma_start3A_361 = arith.constant 0 : i32
        %dma_start3A_362 = arith.constant 0 : i32
        %dma_start3A_363 = tpu.memref_slice %arg2[%dma_start3A_361, %dma_start3A_362] : memref<10000x48xf32, #tpu.memory_space<hbm>> -> memref<10000x48xf32, #tpu.memory_space<hbm>>
        tpu.enqueue_indirect_dma source(%dma_start3A_363 : memref<10000x48xf32, #tpu.memory_space<hbm>>) target(%arg8 : memref<80x48xf32, #tpu.memory_space<vmem>>) offsets(%dma_start3A_360 : memref<80xi32, #tpu.memory_space<vmem>>) semaphore(%arg15 : memref<!tpu.dma_semaphore, #tpu.memory_space<semaphore_mem>>)
      } else {
      }
      %dma_wait3A_255 = arith.constant 0 : i32
      %dma_wait3A_256 = arith.constant 0 : i32
      %dma_wait3A_257 = tpu.memref_slice %arg6[%dma_wait3A_255, %dma_wait3A_256] : memref<125x80xi32, #tpu.memory_space<vmem>> -> memref<1x80xi32, #tpu.memory_space<vmem>>
      %dma_wait3A_258 = tpu.memref_squeeze %dma_wait3A_257 : memref<1x80xi32, #tpu.memory_space<vmem>> -> memref<80xi32, #tpu.memory_space<vmem>>
      %dma_wait3A_259 = arith.constant 0 : i32
      %dma_wait3A_260 = arith.constant 0 : i32
      %dma_wait3A_261 = tpu.memref_slice %arg2[%dma_wait3A_259, %dma_wait3A_260] : memref<10000x48xf32, #tpu.memory_space<hbm>> -> memref<10000x48xf32, #tpu.memory_space<hbm>>
      tpu.wait_indirect_dma semaphore(%arg17 : memref<!tpu.dma_semaphore, #tpu.memory_space<semaphore_mem>>) src(%dma_wait3A_261 : memref<10000x48xf32, #tpu.memory_space<hbm>>) dst(%arg10 : memref<80x48xf32, #tpu.memory_space<vmem>>)
      %dma_start3A_262 = arith.constant 0 : i32
      %dma_start3A_263 = tpu.memref_slice %arg7[%add3A_242, %dma_start3A_262] : memref<125x80xi32, #tpu.memory_space<vmem>> -> memref<1x80xi32, #tpu.memory_space<vmem>>
      %dma_start3A_264 = tpu.memref_squeeze %dma_start3A_263 : memref<1x80xi32, #tpu.memory_space<vmem>> -> memref<80xi32, #tpu.memory_space<vmem>>
      %dma_start3A_265 = arith.constant 0 : i32
      %dma_start3A_266 = arith.constant 0 : i32
      %dma_start3A_267 = tpu.memref_slice %arg14[%dma_start3A_265, %dma_start3A_266] : memref<10000x48xf32, #tpu.memory_space<vmem_shared>> -> memref<10000x48xf32, #tpu.memory_space<vmem_shared>>
      tpu.enqueue_indirect_dma source(%arg10 : memref<80x48xf32, #tpu.memory_space<vmem>>) target(%dma_start3A_267 : memref<10000x48xf32, #tpu.memory_space<vmem_shared>>) offsets(%dma_start3A_264 : memref<80xi32, #tpu.memory_space<vmem>>) semaphore(%arg23 : memref<!tpu.dma_semaphore, #tpu.memory_space<semaphore_mem>>) {add = true}
      %mul3A_268 = arith.constant 6 : i32
      %mul3A_269 = arith.muli %scan3A_183, %mul3A_268 : i32
      %add3A_270 = arith.constant 3 : i32
      %add3A_271 = arith.addi %mul3A_269, %add3A_270 : i32
      %ge3A_272 = arith.constant 2 : i32
      %ge3A_273 = arith.cmpi sge, %add3A_271, %ge3A_272 : i32
      %convert_element_type3A_274 = arith.extui %ge3A_273 : i1 to i32
      %cond3A_275 = arith.constant 0 : i32
      %cond3A_276 = arith.cmpi ne, %convert_element_type3A_274, %cond3A_275 : i32
      scf.if %cond3A_276 {
        %dma_wait3A_356 = arith.constant 0 : i32
        %dma_wait3A_357 = arith.constant 0 : i32
        %dma_wait3A_358 = tpu.memref_slice %arg7[%dma_wait3A_356, %dma_wait3A_357] : memref<125x80xi32, #tpu.memory_space<vmem>> -> memref<1x80xi32, #tpu.memory_space<vmem>>
        %dma_wait3A_359 = tpu.memref_squeeze %dma_wait3A_358 : memref<1x80xi32, #tpu.memory_space<vmem>> -> memref<80xi32, #tpu.memory_space<vmem>>
        %dma_wait3A_360 = arith.constant 0 : i32
        %dma_wait3A_361 = arith.constant 0 : i32
        %dma_wait3A_362 = tpu.memref_slice %arg14[%dma_wait3A_360, %dma_wait3A_361] : memref<10000x48xf32, #tpu.memory_space<vmem_shared>> -> memref<10000x48xf32, #tpu.memory_space<vmem_shared>>
        tpu.wait_indirect_dma semaphore(%arg22 : memref<!tpu.dma_semaphore, #tpu.memory_space<semaphore_mem>>) src(%arg9 : memref<80x48xf32, #tpu.memory_space<vmem>>) dst(%dma_wait3A_362 : memref<10000x48xf32, #tpu.memory_space<vmem_shared>>)
      } else {
      }
      %add3A_277 = arith.constant 4 : i32
      %add3A_278 = arith.addi %add3A_271, %add3A_277 : i32
      %lt3A_279 = arith.constant 125 : i32
      %lt3A_280 = arith.cmpi slt, %add3A_278, %lt3A_279 : i32
      %convert_element_type3A_281 = arith.extui %lt3A_280 : i1 to i32
      %cond3A_282 = arith.constant 0 : i32
      %cond3A_283 = arith.cmpi ne, %convert_element_type3A_281, %cond3A_282 : i32
      scf.if %cond3A_283 {
        %add3A_356 = arith.constant 4 : i32
        %add3A_357 = arith.addi %add3A_271, %add3A_356 : i32
        %dma_start3A_358 = arith.constant 0 : i32
        %dma_start3A_359 = tpu.memref_slice %arg6[%add3A_357, %dma_start3A_358] : memref<125x80xi32, #tpu.memory_space<vmem>> -> memref<1x80xi32, #tpu.memory_space<vmem>>
        %dma_start3A_360 = tpu.memref_squeeze %dma_start3A_359 : memref<1x80xi32, #tpu.memory_space<vmem>> -> memref<80xi32, #tpu.memory_space<vmem>>
        %dma_start3A_361 = arith.constant 0 : i32
        %dma_start3A_362 = arith.constant 0 : i32
        %dma_start3A_363 = tpu.memref_slice %arg2[%dma_start3A_361, %dma_start3A_362] : memref<10000x48xf32, #tpu.memory_space<hbm>> -> memref<10000x48xf32, #tpu.memory_space<hbm>>
        tpu.enqueue_indirect_dma source(%dma_start3A_363 : memref<10000x48xf32, #tpu.memory_space<hbm>>) target(%arg9 : memref<80x48xf32, #tpu.memory_space<vmem>>) offsets(%dma_start3A_360 : memref<80xi32, #tpu.memory_space<vmem>>) semaphore(%arg16 : memref<!tpu.dma_semaphore, #tpu.memory_space<semaphore_mem>>)
      } else {
      }
      %dma_wait3A_284 = arith.constant 0 : i32
      %dma_wait3A_285 = arith.constant 0 : i32
      %dma_wait3A_286 = tpu.memref_slice %arg6[%dma_wait3A_284, %dma_wait3A_285] : memref<125x80xi32, #tpu.memory_space<vmem>> -> memref<1x80xi32, #tpu.memory_space<vmem>>
      %dma_wait3A_287 = tpu.memref_squeeze %dma_wait3A_286 : memref<1x80xi32, #tpu.memory_space<vmem>> -> memref<80xi32, #tpu.memory_space<vmem>>
      %dma_wait3A_288 = arith.constant 0 : i32
      %dma_wait3A_289 = arith.constant 0 : i32
      %dma_wait3A_290 = tpu.memref_slice %arg2[%dma_wait3A_288, %dma_wait3A_289] : memref<10000x48xf32, #tpu.memory_space<hbm>> -> memref<10000x48xf32, #tpu.memory_space<hbm>>
      tpu.wait_indirect_dma semaphore(%arg18 : memref<!tpu.dma_semaphore, #tpu.memory_space<semaphore_mem>>) src(%dma_wait3A_290 : memref<10000x48xf32, #tpu.memory_space<hbm>>) dst(%arg11 : memref<80x48xf32, #tpu.memory_space<vmem>>)
      %dma_start3A_291 = arith.constant 0 : i32
      %dma_start3A_292 = tpu.memref_slice %arg7[%add3A_271, %dma_start3A_291] : memref<125x80xi32, #tpu.memory_space<vmem>> -> memref<1x80xi32, #tpu.memory_space<vmem>>
      %dma_start3A_293 = tpu.memref_squeeze %dma_start3A_292 : memref<1x80xi32, #tpu.memory_space<vmem>> -> memref<80xi32, #tpu.memory_space<vmem>>
      %dma_start3A_294 = arith.constant 0 : i32
      %dma_start3A_295 = arith.constant 0 : i32
      %dma_start3A_296 = tpu.memref_slice %arg14[%dma_start3A_294, %dma_start3A_295] : memref<10000x48xf32, #tpu.memory_space<vmem_shared>> -> memref<10000x48xf32, #tpu.memory_space<vmem_shared>>
      tpu.enqueue_indirect_dma source(%arg11 : memref<80x48xf32, #tpu.memory_space<vmem>>) target(%dma_start3A_296 : memref<10000x48xf32, #tpu.memory_space<vmem_shared>>) offsets(%dma_start3A_293 : memref<80xi32, #tpu.memory_space<vmem>>) semaphore(%arg24 : memref<!tpu.dma_semaphore, #tpu.memory_space<semaphore_mem>>) {add = true}
      %mul3A_297 = arith.constant 6 : i32
      %mul3A_298 = arith.muli %scan3A_183, %mul3A_297 : i32
      %add3A_299 = arith.constant 4 : i32
      %add3A_300 = arith.addi %mul3A_298, %add3A_299 : i32
      %ge3A_301 = arith.constant 2 : i32
      %ge3A_302 = arith.cmpi sge, %add3A_300, %ge3A_301 : i32
      %convert_element_type3A_303 = arith.extui %ge3A_302 : i1 to i32
      %cond3A_304 = arith.constant 0 : i32
      %cond3A_305 = arith.cmpi ne, %convert_element_type3A_303, %cond3A_304 : i32
      scf.if %cond3A_305 {
        %dma_wait3A_356 = arith.constant 0 : i32
        %dma_wait3A_357 = arith.constant 0 : i32
        %dma_wait3A_358 = tpu.memref_slice %arg7[%dma_wait3A_356, %dma_wait3A_357] : memref<125x80xi32, #tpu.memory_space<vmem>> -> memref<1x80xi32, #tpu.memory_space<vmem>>
        %dma_wait3A_359 = tpu.memref_squeeze %dma_wait3A_358 : memref<1x80xi32, #tpu.memory_space<vmem>> -> memref<80xi32, #tpu.memory_space<vmem>>
        %dma_wait3A_360 = arith.constant 0 : i32
        %dma_wait3A_361 = arith.constant 0 : i32
        %dma_wait3A_362 = tpu.memref_slice %arg14[%dma_wait3A_360, %dma_wait3A_361] : memref<10000x48xf32, #tpu.memory_space<vmem_shared>> -> memref<10000x48xf32, #tpu.memory_space<vmem_shared>>
        tpu.wait_indirect_dma semaphore(%arg23 : memref<!tpu.dma_semaphore, #tpu.memory_space<semaphore_mem>>) src(%arg10 : memref<80x48xf32, #tpu.memory_space<vmem>>) dst(%dma_wait3A_362 : memref<10000x48xf32, #tpu.memory_space<vmem_shared>>)
      } else {
      }
      %add3A_306 = arith.constant 4 : i32
      %add3A_307 = arith.addi %add3A_300, %add3A_306 : i32
      %lt3A_308 = arith.constant 125 : i32
      %lt3A_309 = arith.cmpi slt, %add3A_307, %lt3A_308 : i32
      %convert_element_type3A_310 = arith.extui %lt3A_309 : i1 to i32
      %cond3A_311 = arith.constant 0 : i32
      %cond3A_312 = arith.cmpi ne, %convert_element_type3A_310, %cond3A_311 : i32
      scf.if %cond3A_312 {
        %add3A_356 = arith.constant 4 : i32
        %add3A_357 = arith.addi %add3A_300, %add3A_356 : i32
        %dma_start3A_358 = arith.constant 0 : i32
        %dma_start3A_359 = tpu.memref_slice %arg6[%add3A_357, %dma_start3A_358] : memref<125x80xi32, #tpu.memory_space<vmem>> -> memref<1x80xi32, #tpu.memory_space<vmem>>
        %dma_start3A_360 = tpu.memref_squeeze %dma_start3A_359 : memref<1x80xi32, #tpu.memory_space<vmem>> -> memref<80xi32, #tpu.memory_space<vmem>>
        %dma_start3A_361 = arith.constant 0 : i32
        %dma_start3A_362 = arith.constant 0 : i32
        %dma_start3A_363 = tpu.memref_slice %arg2[%dma_start3A_361, %dma_start3A_362] : memref<10000x48xf32, #tpu.memory_space<hbm>> -> memref<10000x48xf32, #tpu.memory_space<hbm>>
        tpu.enqueue_indirect_dma source(%dma_start3A_363 : memref<10000x48xf32, #tpu.memory_space<hbm>>) target(%arg10 : memref<80x48xf32, #tpu.memory_space<vmem>>) offsets(%dma_start3A_360 : memref<80xi32, #tpu.memory_space<vmem>>) semaphore(%arg17 : memref<!tpu.dma_semaphore, #tpu.memory_space<semaphore_mem>>)
      } else {
      }
      %dma_wait3A_313 = arith.constant 0 : i32
      %dma_wait3A_314 = arith.constant 0 : i32
      %dma_wait3A_315 = tpu.memref_slice %arg6[%dma_wait3A_313, %dma_wait3A_314] : memref<125x80xi32, #tpu.memory_space<vmem>> -> memref<1x80xi32, #tpu.memory_space<vmem>>
      %dma_wait3A_316 = tpu.memref_squeeze %dma_wait3A_315 : memref<1x80xi32, #tpu.memory_space<vmem>> -> memref<80xi32, #tpu.memory_space<vmem>>
      %dma_wait3A_317 = arith.constant 0 : i32
      %dma_wait3A_318 = arith.constant 0 : i32
      %dma_wait3A_319 = tpu.memref_slice %arg2[%dma_wait3A_317, %dma_wait3A_318] : memref<10000x48xf32, #tpu.memory_space<hbm>> -> memref<10000x48xf32, #tpu.memory_space<hbm>>
      tpu.wait_indirect_dma semaphore(%arg19 : memref<!tpu.dma_semaphore, #tpu.memory_space<semaphore_mem>>) src(%dma_wait3A_319 : memref<10000x48xf32, #tpu.memory_space<hbm>>) dst(%arg12 : memref<80x48xf32, #tpu.memory_space<vmem>>)
      %dma_start3A_320 = arith.constant 0 : i32
      %dma_start3A_321 = tpu.memref_slice %arg7[%add3A_300, %dma_start3A_320] : memref<125x80xi32, #tpu.memory_space<vmem>> -> memref<1x80xi32, #tpu.memory_space<vmem>>
      %dma_start3A_322 = tpu.memref_squeeze %dma_start3A_321 : memref<1x80xi32, #tpu.memory_space<vmem>> -> memref<80xi32, #tpu.memory_space<vmem>>
      %dma_start3A_323 = arith.constant 0 : i32
      %dma_start3A_324 = arith.constant 0 : i32
      %dma_start3A_325 = tpu.memref_slice %arg14[%dma_start3A_323, %dma_start3A_324] : memref<10000x48xf32, #tpu.memory_space<vmem_shared>> -> memref<10000x48xf32, #tpu.memory_space<vmem_shared>>
      tpu.enqueue_indirect_dma source(%arg12 : memref<80x48xf32, #tpu.memory_space<vmem>>) target(%dma_start3A_325 : memref<10000x48xf32, #tpu.memory_space<vmem_shared>>) offsets(%dma_start3A_322 : memref<80xi32, #tpu.memory_space<vmem>>) semaphore(%arg25 : memref<!tpu.dma_semaphore, #tpu.memory_space<semaphore_mem>>) {add = true}
      %mul3A_326 = arith.constant 6 : i32
      %mul3A_327 = arith.muli %scan3A_183, %mul3A_326 : i32
      %add3A_328 = arith.constant 5 : i32
      %add3A_329 = arith.addi %mul3A_327, %add3A_328 : i32
      %ge3A_330 = arith.constant 2 : i32
      %ge3A_331 = arith.cmpi sge, %add3A_329, %ge3A_330 : i32
      %convert_element_type3A_332 = arith.extui %ge3A_331 : i1 to i32
      %cond3A_333 = arith.constant 0 : i32
      %cond3A_334 = arith.cmpi ne, %convert_element_type3A_332, %cond3A_333 : i32
      scf.if %cond3A_334 {
        %dma_wait3A_356 = arith.constant 0 : i32
        %dma_wait3A_357 = arith.constant 0 : i32
        %dma_wait3A_358 = tpu.memref_slice %arg7[%dma_wait3A_356, %dma_wait3A_357] : memref<125x80xi32, #tpu.memory_space<vmem>> -> memref<1x80xi32, #tpu.memory_space<vmem>>
        %dma_wait3A_359 = tpu.memref_squeeze %dma_wait3A_358 : memref<1x80xi32, #tpu.memory_space<vmem>> -> memref<80xi32, #tpu.memory_space<vmem>>
        %dma_wait3A_360 = arith.constant 0 : i32
        %dma_wait3A_361 = arith.constant 0 : i32
        %dma_wait3A_362 = tpu.memref_slice %arg14[%dma_wait3A_360, %dma_wait3A_361] : memref<10000x48xf32, #tpu.memory_space<vmem_shared>> -> memref<10000x48xf32, #tpu.memory_space<vmem_shared>>
        tpu.wait_indirect_dma semaphore(%arg24 : memref<!tpu.dma_semaphore, #tpu.memory_space<semaphore_mem>>) src(%arg11 : memref<80x48xf32, #tpu.memory_space<vmem>>) dst(%dma_wait3A_362 : memref<10000x48xf32, #tpu.memory_space<vmem_shared>>)
      } else {
      }
      %add3A_335 = arith.constant 4 : i32
      %add3A_336 = arith.addi %add3A_329, %add3A_335 : i32
      %lt3A_337 = arith.constant 125 : i32
      %lt3A_338 = arith.cmpi slt, %add3A_336, %lt3A_337 : i32
      %convert_element_type3A_339 = arith.extui %lt3A_338 : i1 to i32
      %cond3A_340 = arith.constant 0 : i32
      %cond3A_341 = arith.cmpi ne, %convert_element_type3A_339, %cond3A_340 : i32
      scf.if %cond3A_341 {
        %add3A_356 = arith.constant 4 : i32
        %add3A_357 = arith.addi %add3A_329, %add3A_356 : i32
        %dma_start3A_358 = arith.constant 0 : i32
        %dma_start3A_359 = tpu.memref_slice %arg6[%add3A_357, %dma_start3A_358] : memref<125x80xi32, #tpu.memory_space<vmem>> -> memref<1x80xi32, #tpu.memory_space<vmem>>
        %dma_start3A_360 = tpu.memref_squeeze %dma_start3A_359 : memref<1x80xi32, #tpu.memory_space<vmem>> -> memref<80xi32, #tpu.memory_space<vmem>>
        %dma_start3A_361 = arith.constant 0 : i32
        %dma_start3A_362 = arith.constant 0 : i32
        %dma_start3A_363 = tpu.memref_slice %arg2[%dma_start3A_361, %dma_start3A_362] : memref<10000x48xf32, #tpu.memory_space<hbm>> -> memref<10000x48xf32, #tpu.memory_space<hbm>>
        tpu.enqueue_indirect_dma source(%dma_start3A_363 : memref<10000x48xf32, #tpu.memory_space<hbm>>) target(%arg11 : memref<80x48xf32, #tpu.memory_space<vmem>>) offsets(%dma_start3A_360 : memref<80xi32, #tpu.memory_space<vmem>>) semaphore(%arg18 : memref<!tpu.dma_semaphore, #tpu.memory_space<semaphore_mem>>)
      } else {
      }
      %dma_wait3A_342 = arith.constant 0 : i32
      %dma_wait3A_343 = arith.constant 0 : i32
      %dma_wait3A_344 = tpu.memref_slice %arg6[%dma_wait3A_342, %dma_wait3A_343] : memref<125x80xi32, #tpu.memory_space<vmem>> -> memref<1x80xi32, #tpu.memory_space<vmem>>
      %dma_wait3A_345 = tpu.memref_squeeze %dma_wait3A_344 : memref<1x80xi32, #tpu.memory_space<vmem>> -> memref<80xi32, #tpu.memory_space<vmem>>
      %dma_wait3A_346 = arith.constant 0 : i32
      %dma_wait3A_347 = arith.constant 0 : i32
      %dma_wait3A_348 = tpu.memref_slice %arg2[%dma_wait3A_346, %dma_wait3A_347] : memref<10000x48xf32, #tpu.memory_space<hbm>> -> memref<10000x48xf32, #tpu.memory_space<hbm>>
      tpu.wait_indirect_dma semaphore(%arg20 : memref<!tpu.dma_semaphore, #tpu.memory_space<semaphore_mem>>) src(%dma_wait3A_348 : memref<10000x48xf32, #tpu.memory_space<hbm>>) dst(%arg13 : memref<80x48xf32, #tpu.memory_space<vmem>>)
      %dma_start3A_349 = arith.constant 0 : i32
      %dma_start3A_350 = tpu.memref_slice %arg7[%add3A_329, %dma_start3A_349] : memref<125x80xi32, #tpu.memory_space<vmem>> -> memref<1x80xi32, #tpu.memory_space<vmem>>
      %dma_start3A_351 = tpu.memref_squeeze %dma_start3A_350 : memref<1x80xi32, #tpu.memory_space<vmem>> -> memref<80xi32, #tpu.memory_space<vmem>>
      %dma_start3A_352 = arith.constant 0 : i32
      %dma_start3A_353 = arith.constant 0 : i32
      %dma_start3A_354 = tpu.memref_slice %arg14[%dma_start3A_352, %dma_start3A_353] : memref<10000x48xf32, #tpu.memory_space<vmem_shared>> -> memref<10000x48xf32, #tpu.memory_space<vmem_shared>>
      tpu.enqueue_indirect_dma source(%arg13 : memref<80x48xf32, #tpu.memory_space<vmem>>) target(%dma_start3A_354 : memref<10000x48xf32, #tpu.memory_space<vmem_shared>>) offsets(%dma_start3A_351 : memref<80xi32, #tpu.memory_space<vmem>>) semaphore(%arg26 : memref<!tpu.dma_semaphore, #tpu.memory_space<semaphore_mem>>) {add = true}
      %scan3A_355 = arith.constant 0 : i32
      scf.yield %scan3A_355 : i32
    }
    %scan3A_52 = arith.constant 20 : i32
    %dma_wait3A = arith.constant 0 : i32
    %dma_wait3A_53 = arith.constant 0 : i32
    %dma_wait3A_54 = tpu.memref_slice %arg7[%dma_wait3A, %dma_wait3A_53] : memref<125x80xi32, #tpu.memory_space<vmem>> -> memref<1x80xi32, #tpu.memory_space<vmem>>
    %dma_wait3A_55 = tpu.memref_squeeze %dma_wait3A_54 : memref<1x80xi32, #tpu.memory_space<vmem>> -> memref<80xi32, #tpu.memory_space<vmem>>
    %dma_wait3A_56 = arith.constant 0 : i32
    %dma_wait3A_57 = arith.constant 0 : i32
    %dma_wait3A_58 = tpu.memref_slice %arg14[%dma_wait3A_56, %dma_wait3A_57] : memref<10000x48xf32, #tpu.memory_space<vmem_shared>> -> memref<10000x48xf32, #tpu.memory_space<vmem_shared>>
    tpu.wait_indirect_dma semaphore(%arg25 : memref<!tpu.dma_semaphore, #tpu.memory_space<semaphore_mem>>) src(%arg12 : memref<80x48xf32, #tpu.memory_space<vmem>>) dst(%dma_wait3A_58 : memref<10000x48xf32, #tpu.memory_space<vmem_shared>>)
    %dma_start3A_59 = arith.constant 124 : i32
    %dma_start3A_60 = arith.constant 0 : i32
    %dma_start3A_61 = tpu.memref_slice %arg6[%dma_start3A_59, %dma_start3A_60] : memref<125x80xi32, #tpu.memory_space<vmem>> -> memref<1x80xi32, #tpu.memory_space<vmem>>
    %dma_start3A_62 = tpu.memref_squeeze %dma_start3A_61 : memref<1x80xi32, #tpu.memory_space<vmem>> -> memref<80xi32, #tpu.memory_space<vmem>>
    %dma_start3A_63 = arith.constant 0 : i32
    %dma_start3A_64 = arith.constant 0 : i32
    %dma_start3A_65 = tpu.memref_slice %arg2[%dma_start3A_63, %dma_start3A_64] : memref<10000x48xf32, #tpu.memory_space<hbm>> -> memref<10000x48xf32, #tpu.memory_space<hbm>>
    tpu.enqueue_indirect_dma source(%dma_start3A_65 : memref<10000x48xf32, #tpu.memory_space<hbm>>) target(%arg12 : memref<80x48xf32, #tpu.memory_space<vmem>>) offsets(%dma_start3A_62 : memref<80xi32, #tpu.memory_space<vmem>>) semaphore(%arg19 : memref<!tpu.dma_semaphore, #tpu.memory_space<semaphore_mem>>)
    %dma_wait3A_66 = arith.constant 0 : i32
    %dma_wait3A_67 = arith.constant 0 : i32
    %dma_wait3A_68 = tpu.memref_slice %arg6[%dma_wait3A_66, %dma_wait3A_67] : memref<125x80xi32, #tpu.memory_space<vmem>> -> memref<1x80xi32, #tpu.memory_space<vmem>>
    %dma_wait3A_69 = tpu.memref_squeeze %dma_wait3A_68 : memref<1x80xi32, #tpu.memory_space<vmem>> -> memref<80xi32, #tpu.memory_space<vmem>>
    %dma_wait3A_70 = arith.constant 0 : i32
    %dma_wait3A_71 = arith.constant 0 : i32
    %dma_wait3A_72 = tpu.memref_slice %arg2[%dma_wait3A_70, %dma_wait3A_71] : memref<10000x48xf32, #tpu.memory_space<hbm>> -> memref<10000x48xf32, #tpu.memory_space<hbm>>
    tpu.wait_indirect_dma semaphore(%arg15 : memref<!tpu.dma_semaphore, #tpu.memory_space<semaphore_mem>>) src(%dma_wait3A_72 : memref<10000x48xf32, #tpu.memory_space<hbm>>) dst(%arg8 : memref<80x48xf32, #tpu.memory_space<vmem>>)
    %dma_start3A_73 = arith.constant 120 : i32
    %dma_start3A_74 = arith.constant 0 : i32
    %dma_start3A_75 = tpu.memref_slice %arg7[%dma_start3A_73, %dma_start3A_74] : memref<125x80xi32, #tpu.memory_space<vmem>> -> memref<1x80xi32, #tpu.memory_space<vmem>>
    %dma_start3A_76 = tpu.memref_squeeze %dma_start3A_75 : memref<1x80xi32, #tpu.memory_space<vmem>> -> memref<80xi32, #tpu.memory_space<vmem>>
    %dma_start3A_77 = arith.constant 0 : i32
    %dma_start3A_78 = arith.constant 0 : i32
    %dma_start3A_79 = tpu.memref_slice %arg14[%dma_start3A_77, %dma_start3A_78] : memref<10000x48xf32, #tpu.memory_space<vmem_shared>> -> memref<10000x48xf32, #tpu.memory_space<vmem_shared>>
    tpu.enqueue_indirect_dma source(%arg8 : memref<80x48xf32, #tpu.memory_space<vmem>>) target(%dma_start3A_79 : memref<10000x48xf32, #tpu.memory_space<vmem_shared>>) offsets(%dma_start3A_76 : memref<80xi32, #tpu.memory_space<vmem>>) semaphore(%arg21 : memref<!tpu.dma_semaphore, #tpu.memory_space<semaphore_mem>>) {add = true}
    %dma_wait3A_80 = arith.constant 0 : i32
    %dma_wait3A_81 = arith.constant 0 : i32
    %dma_wait3A_82 = tpu.memref_slice %arg7[%dma_wait3A_80, %dma_wait3A_81] : memref<125x80xi32, #tpu.memory_space<vmem>> -> memref<1x80xi32, #tpu.memory_space<vmem>>
    %dma_wait3A_83 = tpu.memref_squeeze %dma_wait3A_82 : memref<1x80xi32, #tpu.memory_space<vmem>> -> memref<80xi32, #tpu.memory_space<vmem>>
    %dma_wait3A_84 = arith.constant 0 : i32
    %dma_wait3A_85 = arith.constant 0 : i32
    %dma_wait3A_86 = tpu.memref_slice %arg14[%dma_wait3A_84, %dma_wait3A_85] : memref<10000x48xf32, #tpu.memory_space<vmem_shared>> -> memref<10000x48xf32, #tpu.memory_space<vmem_shared>>
    tpu.wait_indirect_dma semaphore(%arg26 : memref<!tpu.dma_semaphore, #tpu.memory_space<semaphore_mem>>) src(%arg13 : memref<80x48xf32, #tpu.memory_space<vmem>>) dst(%dma_wait3A_86 : memref<10000x48xf32, #tpu.memory_space<vmem_shared>>)
    %dma_wait3A_87 = arith.constant 0 : i32
    %dma_wait3A_88 = arith.constant 0 : i32
    %dma_wait3A_89 = tpu.memref_slice %arg6[%dma_wait3A_87, %dma_wait3A_88] : memref<125x80xi32, #tpu.memory_space<vmem>> -> memref<1x80xi32, #tpu.memory_space<vmem>>
    %dma_wait3A_90 = tpu.memref_squeeze %dma_wait3A_89 : memref<1x80xi32, #tpu.memory_space<vmem>> -> memref<80xi32, #tpu.memory_space<vmem>>
    %dma_wait3A_91 = arith.constant 0 : i32
    %dma_wait3A_92 = arith.constant 0 : i32
    %dma_wait3A_93 = tpu.memref_slice %arg2[%dma_wait3A_91, %dma_wait3A_92] : memref<10000x48xf32, #tpu.memory_space<hbm>> -> memref<10000x48xf32, #tpu.memory_space<hbm>>
    tpu.wait_indirect_dma semaphore(%arg16 : memref<!tpu.dma_semaphore, #tpu.memory_space<semaphore_mem>>) src(%dma_wait3A_93 : memref<10000x48xf32, #tpu.memory_space<hbm>>) dst(%arg9 : memref<80x48xf32, #tpu.memory_space<vmem>>)
    %dma_start3A_94 = arith.constant 121 : i32
    %dma_start3A_95 = arith.constant 0 : i32
    %dma_start3A_96 = tpu.memref_slice %arg7[%dma_start3A_94, %dma_start3A_95] : memref<125x80xi32, #tpu.memory_space<vmem>> -> memref<1x80xi32, #tpu.memory_space<vmem>>
    %dma_start3A_97 = tpu.memref_squeeze %dma_start3A_96 : memref<1x80xi32, #tpu.memory_space<vmem>> -> memref<80xi32, #tpu.memory_space<vmem>>
    %dma_start3A_98 = arith.constant 0 : i32
    %dma_start3A_99 = arith.constant 0 : i32
    %dma_start3A_100 = tpu.memref_slice %arg14[%dma_start3A_98, %dma_start3A_99] : memref<10000x48xf32, #tpu.memory_space<vmem_shared>> -> memref<10000x48xf32, #tpu.memory_space<vmem_shared>>
    tpu.enqueue_indirect_dma source(%arg9 : memref<80x48xf32, #tpu.memory_space<vmem>>) target(%dma_start3A_100 : memref<10000x48xf32, #tpu.memory_space<vmem_shared>>) offsets(%dma_start3A_97 : memref<80xi32, #tpu.memory_space<vmem>>) semaphore(%arg22 : memref<!tpu.dma_semaphore, #tpu.memory_space<semaphore_mem>>) {add = true}
    %dma_wait3A_101 = arith.constant 0 : i32
    %dma_wait3A_102 = arith.constant 0 : i32
    %dma_wait3A_103 = tpu.memref_slice %arg7[%dma_wait3A_101, %dma_wait3A_102] : memref<125x80xi32, #tpu.memory_space<vmem>> -> memref<1x80xi32, #tpu.memory_space<vmem>>
    %dma_wait3A_104 = tpu.memref_squeeze %dma_wait3A_103 : memref<1x80xi32, #tpu.memory_space<vmem>> -> memref<80xi32, #tpu.memory_space<vmem>>
    %dma_wait3A_105 = arith.constant 0 : i32
    %dma_wait3A_106 = arith.constant 0 : i32
    %dma_wait3A_107 = tpu.memref_slice %arg14[%dma_wait3A_105, %dma_wait3A_106] : memref<10000x48xf32, #tpu.memory_space<vmem_shared>> -> memref<10000x48xf32, #tpu.memory_space<vmem_shared>>
    tpu.wait_indirect_dma semaphore(%arg21 : memref<!tpu.dma_semaphore, #tpu.memory_space<semaphore_mem>>) src(%arg8 : memref<80x48xf32, #tpu.memory_space<vmem>>) dst(%dma_wait3A_107 : memref<10000x48xf32, #tpu.memory_space<vmem_shared>>)
    %dma_wait3A_108 = arith.constant 0 : i32
    %dma_wait3A_109 = arith.constant 0 : i32
    %dma_wait3A_110 = tpu.memref_slice %arg6[%dma_wait3A_108, %dma_wait3A_109] : memref<125x80xi32, #tpu.memory_space<vmem>> -> memref<1x80xi32, #tpu.memory_space<vmem>>
    %dma_wait3A_111 = tpu.memref_squeeze %dma_wait3A_110 : memref<1x80xi32, #tpu.memory_space<vmem>> -> memref<80xi32, #tpu.memory_space<vmem>>
    %dma_wait3A_112 = arith.constant 0 : i32
    %dma_wait3A_113 = arith.constant 0 : i32
    %dma_wait3A_114 = tpu.memref_slice %arg2[%dma_wait3A_112, %dma_wait3A_113] : memref<10000x48xf32, #tpu.memory_space<hbm>> -> memref<10000x48xf32, #tpu.memory_space<hbm>>
    tpu.wait_indirect_dma semaphore(%arg17 : memref<!tpu.dma_semaphore, #tpu.memory_space<semaphore_mem>>) src(%dma_wait3A_114 : memref<10000x48xf32, #tpu.memory_space<hbm>>) dst(%arg10 : memref<80x48xf32, #tpu.memory_space<vmem>>)
    %dma_start3A_115 = arith.constant 122 : i32
    %dma_start3A_116 = arith.constant 0 : i32
    %dma_start3A_117 = tpu.memref_slice %arg7[%dma_start3A_115, %dma_start3A_116] : memref<125x80xi32, #tpu.memory_space<vmem>> -> memref<1x80xi32, #tpu.memory_space<vmem>>
    %dma_start3A_118 = tpu.memref_squeeze %dma_start3A_117 : memref<1x80xi32, #tpu.memory_space<vmem>> -> memref<80xi32, #tpu.memory_space<vmem>>
    %dma_start3A_119 = arith.constant 0 : i32
    %dma_start3A_120 = arith.constant 0 : i32
    %dma_start3A_121 = tpu.memref_slice %arg14[%dma_start3A_119, %dma_start3A_120] : memref<10000x48xf32, #tpu.memory_space<vmem_shared>> -> memref<10000x48xf32, #tpu.memory_space<vmem_shared>>
    tpu.enqueue_indirect_dma source(%arg10 : memref<80x48xf32, #tpu.memory_space<vmem>>) target(%dma_start3A_121 : memref<10000x48xf32, #tpu.memory_space<vmem_shared>>) offsets(%dma_start3A_118 : memref<80xi32, #tpu.memory_space<vmem>>) semaphore(%arg23 : memref<!tpu.dma_semaphore, #tpu.memory_space<semaphore_mem>>) {add = true}
    %dma_wait3A_122 = arith.constant 0 : i32
    %dma_wait3A_123 = arith.constant 0 : i32
    %dma_wait3A_124 = tpu.memref_slice %arg7[%dma_wait3A_122, %dma_wait3A_123] : memref<125x80xi32, #tpu.memory_space<vmem>> -> memref<1x80xi32, #tpu.memory_space<vmem>>
    %dma_wait3A_125 = tpu.memref_squeeze %dma_wait3A_124 : memref<1x80xi32, #tpu.memory_space<vmem>> -> memref<80xi32, #tpu.memory_space<vmem>>
    %dma_wait3A_126 = arith.constant 0 : i32
    %dma_wait3A_127 = arith.constant 0 : i32
    %dma_wait3A_128 = tpu.memref_slice %arg14[%dma_wait3A_126, %dma_wait3A_127] : memref<10000x48xf32, #tpu.memory_space<vmem_shared>> -> memref<10000x48xf32, #tpu.memory_space<vmem_shared>>
    tpu.wait_indirect_dma semaphore(%arg22 : memref<!tpu.dma_semaphore, #tpu.memory_space<semaphore_mem>>) src(%arg9 : memref<80x48xf32, #tpu.memory_space<vmem>>) dst(%dma_wait3A_128 : memref<10000x48xf32, #tpu.memory_space<vmem_shared>>)
    %dma_wait3A_129 = arith.constant 0 : i32
    %dma_wait3A_130 = arith.constant 0 : i32
    %dma_wait3A_131 = tpu.memref_slice %arg6[%dma_wait3A_129, %dma_wait3A_130] : memref<125x80xi32, #tpu.memory_space<vmem>> -> memref<1x80xi32, #tpu.memory_space<vmem>>
    %dma_wait3A_132 = tpu.memref_squeeze %dma_wait3A_131 : memref<1x80xi32, #tpu.memory_space<vmem>> -> memref<80xi32, #tpu.memory_space<vmem>>
    %dma_wait3A_133 = arith.constant 0 : i32
    %dma_wait3A_134 = arith.constant 0 : i32
    %dma_wait3A_135 = tpu.memref_slice %arg2[%dma_wait3A_133, %dma_wait3A_134] : memref<10000x48xf32, #tpu.memory_space<hbm>> -> memref<10000x48xf32, #tpu.memory_space<hbm>>
    tpu.wait_indirect_dma semaphore(%arg18 : memref<!tpu.dma_semaphore, #tpu.memory_space<semaphore_mem>>) src(%dma_wait3A_135 : memref<10000x48xf32, #tpu.memory_space<hbm>>) dst(%arg11 : memref<80x48xf32, #tpu.memory_space<vmem>>)
    %dma_start3A_136 = arith.constant 123 : i32
    %dma_start3A_137 = arith.constant 0 : i32
    %dma_start3A_138 = tpu.memref_slice %arg7[%dma_start3A_136, %dma_start3A_137] : memref<125x80xi32, #tpu.memory_space<vmem>> -> memref<1x80xi32, #tpu.memory_space<vmem>>
    %dma_start3A_139 = tpu.memref_squeeze %dma_start3A_138 : memref<1x80xi32, #tpu.memory_space<vmem>> -> memref<80xi32, #tpu.memory_space<vmem>>
    %dma_start3A_140 = arith.constant 0 : i32
    %dma_start3A_141 = arith.constant 0 : i32
    %dma_start3A_142 = tpu.memref_slice %arg14[%dma_start3A_140, %dma_start3A_141] : memref<10000x48xf32, #tpu.memory_space<vmem_shared>> -> memref<10000x48xf32, #tpu.memory_space<vmem_shared>>
    tpu.enqueue_indirect_dma source(%arg11 : memref<80x48xf32, #tpu.memory_space<vmem>>) target(%dma_start3A_142 : memref<10000x48xf32, #tpu.memory_space<vmem_shared>>) offsets(%dma_start3A_139 : memref<80xi32, #tpu.memory_space<vmem>>) semaphore(%arg24 : memref<!tpu.dma_semaphore, #tpu.memory_space<semaphore_mem>>) {add = true}
    %dma_wait3A_143 = arith.constant 0 : i32
    %dma_wait3A_144 = arith.constant 0 : i32
    %dma_wait3A_145 = tpu.memref_slice %arg7[%dma_wait3A_143, %dma_wait3A_144] : memref<125x80xi32, #tpu.memory_space<vmem>> -> memref<1x80xi32, #tpu.memory_space<vmem>>
    %dma_wait3A_146 = tpu.memref_squeeze %dma_wait3A_145 : memref<1x80xi32, #tpu.memory_space<vmem>> -> memref<80xi32, #tpu.memory_space<vmem>>
    %dma_wait3A_147 = arith.constant 0 : i32
    %dma_wait3A_148 = arith.constant 0 : i32
    %dma_wait3A_149 = tpu.memref_slice %arg14[%dma_wait3A_147, %dma_wait3A_148] : memref<10000x48xf32, #tpu.memory_space<vmem_shared>> -> memref<10000x48xf32, #tpu.memory_space<vmem_shared>>
    tpu.wait_indirect_dma semaphore(%arg23 : memref<!tpu.dma_semaphore, #tpu.memory_space<semaphore_mem>>) src(%arg10 : memref<80x48xf32, #tpu.memory_space<vmem>>) dst(%dma_wait3A_149 : memref<10000x48xf32, #tpu.memory_space<vmem_shared>>)
    %dma_wait3A_150 = arith.constant 0 : i32
    %dma_wait3A_151 = arith.constant 0 : i32
    %dma_wait3A_152 = tpu.memref_slice %arg6[%dma_wait3A_150, %dma_wait3A_151] : memref<125x80xi32, #tpu.memory_space<vmem>> -> memref<1x80xi32, #tpu.memory_space<vmem>>
    %dma_wait3A_153 = tpu.memref_squeeze %dma_wait3A_152 : memref<1x80xi32, #tpu.memory_space<vmem>> -> memref<80xi32, #tpu.memory_space<vmem>>
    %dma_wait3A_154 = arith.constant 0 : i32
    %dma_wait3A_155 = arith.constant 0 : i32
    %dma_wait3A_156 = tpu.memref_slice %arg2[%dma_wait3A_154, %dma_wait3A_155] : memref<10000x48xf32, #tpu.memory_space<hbm>> -> memref<10000x48xf32, #tpu.memory_space<hbm>>
    tpu.wait_indirect_dma semaphore(%arg19 : memref<!tpu.dma_semaphore, #tpu.memory_space<semaphore_mem>>) src(%dma_wait3A_156 : memref<10000x48xf32, #tpu.memory_space<hbm>>) dst(%arg12 : memref<80x48xf32, #tpu.memory_space<vmem>>)
    %dma_start3A_157 = arith.constant 124 : i32
    %dma_start3A_158 = arith.constant 0 : i32
    %dma_start3A_159 = tpu.memref_slice %arg7[%dma_start3A_157, %dma_start3A_158] : memref<125x80xi32, #tpu.memory_space<vmem>> -> memref<1x80xi32, #tpu.memory_space<vmem>>
    %dma_start3A_160 = tpu.memref_squeeze %dma_start3A_159 : memref<1x80xi32, #tpu.memory_space<vmem>> -> memref<80xi32, #tpu.memory_space<vmem>>
    %dma_start3A_161 = arith.constant 0 : i32
    %dma_start3A_162 = arith.constant 0 : i32
    %dma_start3A_163 = tpu.memref_slice %arg14[%dma_start3A_161, %dma_start3A_162] : memref<10000x48xf32, #tpu.memory_space<vmem_shared>> -> memref<10000x48xf32, #tpu.memory_space<vmem_shared>>
    tpu.enqueue_indirect_dma source(%arg12 : memref<80x48xf32, #tpu.memory_space<vmem>>) target(%dma_start3A_163 : memref<10000x48xf32, #tpu.memory_space<vmem_shared>>) offsets(%dma_start3A_160 : memref<80xi32, #tpu.memory_space<vmem>>) semaphore(%arg25 : memref<!tpu.dma_semaphore, #tpu.memory_space<semaphore_mem>>) {add = true}
    %dma_wait3A_164 = arith.constant 0 : i32
    %dma_wait3A_165 = arith.constant 0 : i32
    %dma_wait3A_166 = tpu.memref_slice %arg7[%dma_wait3A_164, %dma_wait3A_165] : memref<125x80xi32, #tpu.memory_space<vmem>> -> memref<1x80xi32, #tpu.memory_space<vmem>>
    %dma_wait3A_167 = tpu.memref_squeeze %dma_wait3A_166 : memref<1x80xi32, #tpu.memory_space<vmem>> -> memref<80xi32, #tpu.memory_space<vmem>>
    %dma_wait3A_168 = arith.constant 0 : i32
    %dma_wait3A_169 = arith.constant 0 : i32
    %dma_wait3A_170 = tpu.memref_slice %arg14[%dma_wait3A_168, %dma_wait3A_169] : memref<10000x48xf32, #tpu.memory_space<vmem_shared>> -> memref<10000x48xf32, #tpu.memory_space<vmem_shared>>
    tpu.wait_indirect_dma semaphore(%arg24 : memref<!tpu.dma_semaphore, #tpu.memory_space<semaphore_mem>>) src(%arg11 : memref<80x48xf32, #tpu.memory_space<vmem>>) dst(%dma_wait3A_170 : memref<10000x48xf32, #tpu.memory_space<vmem_shared>>)
    %dma_wait3A_171 = arith.constant 0 : i32
    %dma_wait3A_172 = arith.constant 0 : i32
    %dma_wait3A_173 = tpu.memref_slice %arg7[%dma_wait3A_171, %dma_wait3A_172] : memref<125x80xi32, #tpu.memory_space<vmem>> -> memref<1x80xi32, #tpu.memory_space<vmem>>
    %dma_wait3A_174 = tpu.memref_squeeze %dma_wait3A_173 : memref<1x80xi32, #tpu.memory_space<vmem>> -> memref<80xi32, #tpu.memory_space<vmem>>
    %dma_wait3A_175 = arith.constant 0 : i32
    %dma_wait3A_176 = arith.constant 0 : i32
    %dma_wait3A_177 = tpu.memref_slice %arg14[%dma_wait3A_175, %dma_wait3A_176] : memref<10000x48xf32, #tpu.memory_space<vmem_shared>> -> memref<10000x48xf32, #tpu.memory_space<vmem_shared>>
    tpu.wait_indirect_dma semaphore(%arg25 : memref<!tpu.dma_semaphore, #tpu.memory_space<semaphore_mem>>) src(%arg12 : memref<80x48xf32, #tpu.memory_space<vmem>>) dst(%dma_wait3A_177 : memref<10000x48xf32, #tpu.memory_space<vmem_shared>>)
    %barrier3A_178 = arith.constant 0 : index
    tpu.barrier barrier_id(%barrier3A_178)
    %mul3A_179 = arith.constant 625 : i32
    %mul3A_180 = arith.muli %arg1, %mul3A_179 : i32
    %mul3A_181 = arith.constant 625 : i32
    %mul3A_182 = arith.muli %arg1, %mul3A_181 : i32
    "tpu.region"() ({
      %run_scoped3A = tpu.sem_alloc : memref<!tpu.dma_semaphore, #tpu.memory_space<semaphore_mem>>
      %dma_start3A_183 = arith.constant 0 : i32
      %dma_start3A_184 = tpu.memref_slice %arg5[%arg0, %mul3A_182, %dma_start3A_183] : memref<2x10000x48xf32, #tpu.memory_space<hbm>> -> memref<1x625x48xf32, #tpu.memory_space<hbm>>
      %dma_start3A_185 = tpu.memref_squeeze %dma_start3A_184 : memref<1x625x48xf32, #tpu.memory_space<hbm>> -> memref<625x48xf32, #tpu.memory_space<hbm>>
      %dma_start3A_186 = arith.constant 0 : i32
      %dma_start3A_187 = tpu.memref_slice %arg14[%mul3A_180, %dma_start3A_186] : memref<10000x48xf32, #tpu.memory_space<vmem_shared>> -> memref<625x48xf32, #tpu.memory_space<vmem_shared>>
      tpu.enqueue_dma source(%dma_start3A_187 : memref<625x48xf32, #tpu.memory_space<vmem_shared>>) target(%dma_start3A_185 : memref<625x48xf32, #tpu.memory_space<hbm>>) target_semaphore(%run_scoped3A : memref<!tpu.dma_semaphore, #tpu.memory_space<semaphore_mem>>)
      %dma_wait3A_188 = arith.constant 0 : i32
      %dma_wait3A_189 = tpu.memref_slice %arg5[%arg0, %mul3A_182, %dma_wait3A_188] : memref<2x10000x48xf32, #tpu.memory_space<hbm>> -> memref<1x625x48xf32, #tpu.memory_space<hbm>>
      %dma_wait3A_190 = tpu.memref_squeeze %dma_wait3A_189 : memref<1x625x48xf32, #tpu.memory_space<hbm>> -> memref<625x48xf32, #tpu.memory_space<hbm>>
      %dma_wait3A_191 = arith.constant 0 : i32
      %dma_wait3A_192 = tpu.memref_slice %arg14[%mul3A_180, %dma_wait3A_191] : memref<10000x48xf32, #tpu.memory_space<vmem_shared>> -> memref<625x48xf32, #tpu.memory_space<vmem_shared>>
      tpu.wait_dma2 semaphore(%run_scoped3A : memref<!tpu.dma_semaphore, #tpu.memory_space<semaphore_mem>>) src(%dma_wait3A_192 : memref<625x48xf32, #tpu.memory_space<vmem_shared>>) dst(%dma_wait3A_190 : memref<625x48xf32, #tpu.memory_space<hbm>>)
      tpu.yield
    }) : () -> ()
    return
  }
}

module attributes {stable_mosaic.version = 14 : i64} {
  func.func @_scale_body(%arg0: i32, %arg1: memref<2x5000x1xf32, #tpu.memory_space<vmem>>, %arg2: memref<5000x128xf32, #tpu.memory_space<vmem>>, %arg3: memref<5000x1xf32, #tpu.memory_space<vmem>>, %arg4: memref<5000x128xf32, #tpu.memory_space<vmem>>) attributes {dimension_semantics = [#tpu.dimension_semantics<arbitrary>], iteration_bounds = array<i64: 2>, scalar_prefetch = 0 : i64, scratch_operands = 0 : i64, tpu.core_type = #tpu.core_type<tc>, window_params = [{transform_indices = @transform_0, window_bounds = array<i64: 2, 5000, 1>}, {transform_indices = @transform_1, window_bounds = array<i64: 5000, 128>}, {transform_indices = @transform_2, window_bounds = array<i64: 5000, 1>}, {transform_indices = @transform_3, window_bounds = array<i64: 5000, 128>}]} {
    %get3A = arith.constant 0 : index
    %get3A_0 = arith.constant 0 : index
    %get3A_1 = arith.constant 0 : index
    %get3A_2 = vector.load %arg1[%get3A, %get3A_0, %get3A_1] : memref<2x5000x1xf32, #tpu.memory_space<vmem>>, vector<1x5000x1xf32>
    %get3A_3 = vector.shape_cast %get3A_2 : vector<1x5000x1xf32> to vector<5000x1xf32>
    %get3A_4 = arith.constant 1 : index
    %get3A_5 = arith.constant 0 : index
    %get3A_6 = arith.constant 0 : index
    %get3A_7 = vector.load %arg1[%get3A_4, %get3A_5, %get3A_6] : memref<2x5000x1xf32, #tpu.memory_space<vmem>>, vector<1x5000x1xf32>
    %get3A_8 = vector.shape_cast %get3A_7 : vector<1x5000x1xf32> to vector<5000x1xf32>
    %add3A = arith.addf %get3A_3, %get3A_8 : vector<5000x1xf32>
    %add3A_9 = arith.constant 1.000000e+00 : f32
    %add3A_10 = vector.broadcast %add3A_9 : f32 to vector<5000x1xf32>
    %add3A_11 = arith.addf %add3A, %add3A_10 : vector<5000x1xf32>
    %rsqrt3A = math.rsqrt %add3A_11 : vector<5000x1xf32>
    %swap3A = arith.constant 0 : index
    %swap3A_12 = arith.constant 0 : index
    %swap3A_13 = vector.load %arg3[%swap3A, %swap3A_12] : memref<5000x1xf32, #tpu.memory_space<vmem>>, vector<5000x1xf32>
    tpu.vector_store %arg3[%swap3A, %swap3A_12], %rsqrt3A {strides = array<i32>} : memref<5000x1xf32, #tpu.memory_space<vmem>>, vector<5000x1xf32>,
    %get3A_14 = arith.constant 0 : index
    %get3A_15 = arith.constant 0 : index
    %get3A_16 = vector.load %arg2[%get3A_14, %get3A_15] : memref<5000x128xf32, #tpu.memory_space<vmem>>, vector<5000x128xf32>
    %mul3A = vector.broadcast %rsqrt3A : vector<5000x1xf32> to vector<5000x128xf32>
    %mul3A_17 = arith.mulf %get3A_16, %mul3A : vector<5000x128xf32>
    %swap3A_18 = arith.constant 0 : index
    %swap3A_19 = arith.constant 0 : index
    %swap3A_20 = vector.load %arg4[%swap3A_18, %swap3A_19] : memref<5000x128xf32, #tpu.memory_space<vmem>>, vector<5000x128xf32>
    tpu.vector_store %arg4[%swap3A_18, %swap3A_19], %mul3A_17 {strides = array<i32>} : memref<5000x128xf32, #tpu.memory_space<vmem>>, vector<5000x128xf32>,
    return
  }
  func.func @transform_0(%arg0: i32) -> (i32, i32, i32) {
    %c0_i32 = arith.constant 0 : i32
    %c0_i32_0 = arith.constant 0 : i32
    %c0_i32_1 = arith.constant 0 : i32
    return %c0_i32, %arg0, %c0_i32_0 : i32, i32, i32
  }
  func.func @transform_1(%arg0: i32) -> (i32, i32) {
    %c0_i32 = arith.constant 0 : i32
    %c0_i32_0 = arith.constant 0 : i32
    return %arg0, %c0_i32 : i32, i32
  }
  func.func @transform_2(%arg0: i32) -> (i32, i32) {
    %c0_i32 = arith.constant 0 : i32
    %c0_i32_0 = arith.constant 0 : i32
    return %arg0, %c0_i32 : i32, i32
  }
  func.func @transform_3(%arg0: i32) -> (i32, i32) {
    %c0_i32 = arith.constant 0 : i32
    %c0_i32_0 = arith.constant 0 : i32
    return %arg0, %c0_i32 : i32, i32
  }
}

module attributes {stable_mosaic.version = 14 : i64} {
  func.func @_mlp_body(%arg0: i32, %arg1: memref<2x5000x128xf32, #tpu.memory_space<vmem>>, %arg2: memref<5000x128xf32, #tpu.memory_space<vmem>>, %arg3: memref<5000x1xf32, #tpu.memory_space<vmem>>, %arg4: memref<128x256xf32, #tpu.memory_space<vmem>>, %arg5: memref<1x256xf32, #tpu.memory_space<vmem>>, %arg6: memref<256x48xf32, #tpu.memory_space<vmem>>, %arg7: memref<5000x48xf32, #tpu.memory_space<vmem>>) attributes {dimension_semantics = [#tpu.dimension_semantics<arbitrary>], iteration_bounds = array<i64: 2>, scalar_prefetch = 0 : i64, scratch_operands = 0 : i64, tpu.core_type = #tpu.core_type<tc>, window_params = [{transform_indices = @transform_0, window_bounds = array<i64: 2, 5000, 128>}, {transform_indices = @transform_1, window_bounds = array<i64: 5000, 128>}, {transform_indices = @transform_2, window_bounds = array<i64: 5000, 1>}, {pipeline_mode = #tpu.pipeline_mode<synchronous>, transform_indices = @transform_3, window_bounds = array<i64: 128, 256>}, {pipeline_mode = #tpu.pipeline_mode<synchronous>, transform_indices = @transform_4, window_bounds = array<i64: 1, 256>}, {pipeline_mode = #tpu.pipeline_mode<synchronous>, transform_indices = @transform_5, window_bounds = array<i64: 256, 48>}, {transform_indices = @transform_6, window_bounds = array<i64: 5000, 48>}]} {
    %get3A = arith.constant 0 : index
    %get3A_0 = arith.constant 0 : index
    %get3A_1 = arith.constant 0 : index
    %get3A_2 = vector.load %arg1[%get3A, %get3A_0, %get3A_1] : memref<2x5000x128xf32, #tpu.memory_space<vmem>>, vector<1x5000x128xf32>
    %get3A_3 = vector.shape_cast %get3A_2 : vector<1x5000x128xf32> to vector<5000x128xf32>
    %get3A_4 = arith.constant 1 : index
    %get3A_5 = arith.constant 0 : index
    %get3A_6 = arith.constant 0 : index
    %get3A_7 = vector.load %arg1[%get3A_4, %get3A_5, %get3A_6] : memref<2x5000x128xf32, #tpu.memory_space<vmem>>, vector<1x5000x128xf32>
    %get3A_8 = vector.shape_cast %get3A_7 : vector<1x5000x128xf32> to vector<5000x128xf32>
    %add3A = arith.addf %get3A_3, %get3A_8 : vector<5000x128xf32>
    %get3A_9 = arith.constant 0 : index
    %get3A_10 = arith.constant 0 : index
    %get3A_11 = vector.load %arg2[%get3A_9, %get3A_10] : memref<5000x128xf32, #tpu.memory_space<vmem>>, vector<5000x128xf32>
    %add3A_12 = arith.addf %add3A, %get3A_11 : vector<5000x128xf32>
    %get3A_13 = arith.constant 0 : index
    %get3A_14 = arith.constant 0 : index
    %get3A_15 = vector.load %arg3[%get3A_13, %get3A_14] : memref<5000x1xf32, #tpu.memory_space<vmem>>, vector<5000x1xf32>
    %mul3A = vector.broadcast %get3A_15 : vector<5000x1xf32> to vector<5000x128xf32>
    %mul3A_16 = arith.mulf %add3A_12, %mul3A : vector<5000x128xf32>
    %get3A_17 = arith.constant 0 : index
    %get3A_18 = arith.constant 0 : index
    %get3A_19 = vector.load %arg4[%get3A_17, %get3A_18] : memref<128x256xf32, #tpu.memory_space<vmem>>, vector<128x256xf32>
    %dot_general3A = arith.constant dense<0.000000e+00> : vector<5000x256xf32>
    %dot_general3A_20 = tpu.matmul %mul3A_16, %get3A_19, %dot_general3A {dimension_numbers = #tpu.dot_dimension_numbers<[1], [0], [0], [1], [0, 0, 1, 1], [], []>, transpose_lhs_hint = false} : vector<5000x128xf32>, vector<128x256xf32>, vector<5000x256xf32> -> vector<5000x256xf32>
    %get3A_21 = arith.constant 0 : index
    %get3A_22 = arith.constant 0 : index
    %get3A_23 = vector.load %arg5[%get3A_21, %get3A_22] : memref<1x256xf32, #tpu.memory_space<vmem>>, vector<1x256xf32>
    %add3A_24 = vector.broadcast %get3A_23 : vector<1x256xf32> to vector<5000x256xf32>
    %add3A_25 = arith.addf %dot_general3A_20, %add3A_24 : vector<5000x256xf32>
    %max3A = arith.constant 0.000000e+00 : f32
    %max3A_26 = vector.broadcast %max3A : f32 to vector<5000x256xf32>
    %max3A_27 = arith.maximumf %add3A_25, %max3A_26 : vector<5000x256xf32>
    %get3A_28 = arith.constant 0 : index
    %get3A_29 = arith.constant 0 : index
    %get3A_30 = vector.load %arg6[%get3A_28, %get3A_29] : memref<256x48xf32, #tpu.memory_space<vmem>>, vector<256x48xf32>
    %dot_general3A_31 = arith.constant dense<0.000000e+00> : vector<5000x48xf32>
    %dot_general3A_32 = tpu.matmul %max3A_27, %get3A_30, %dot_general3A_31 {dimension_numbers = #tpu.dot_dimension_numbers<[1], [0], [0], [1], [0, 0, 1, 1], [], []>, transpose_lhs_hint = false} : vector<5000x256xf32>, vector<256x48xf32>, vector<5000x48xf32> -> vector<5000x48xf32>
    %get3A_33 = arith.constant 0 : index
    %get3A_34 = arith.constant 0 : index
    %get3A_35 = vector.load %arg3[%get3A_33, %get3A_34] : memref<5000x1xf32, #tpu.memory_space<vmem>>, vector<5000x1xf32>
    %mul3A_36 = vector.broadcast %get3A_35 : vector<5000x1xf32> to vector<5000x48xf32>
    %mul3A_37 = arith.mulf %dot_general3A_32, %mul3A_36 : vector<5000x48xf32>
    %swap3A = arith.constant 0 : index
    %swap3A_38 = arith.constant 0 : index
    %swap3A_39 = vector.load %arg7[%swap3A, %swap3A_38] : memref<5000x48xf32, #tpu.memory_space<vmem>>, vector<5000x48xf32>
    tpu.vector_store %arg7[%swap3A, %swap3A_38], %mul3A_37 {strides = array<i32>} : memref<5000x48xf32, #tpu.memory_space<vmem>>, vector<5000x48xf32>,
    return
  }
  func.func @transform_0(%arg0: i32) -> (i32, i32, i32) {
    %c0_i32 = arith.constant 0 : i32
    %c0_i32_0 = arith.constant 0 : i32
    %c0_i32_1 = arith.constant 0 : i32
    return %c0_i32, %arg0, %c0_i32_0 : i32, i32, i32
  }
  func.func @transform_1(%arg0: i32) -> (i32, i32) {
    %c0_i32 = arith.constant 0 : i32
    %c0_i32_0 = arith.constant 0 : i32
    return %arg0, %c0_i32 : i32, i32
  }
  func.func @transform_2(%arg0: i32) -> (i32, i32) {
    %c0_i32 = arith.constant 0 : i32
    %c0_i32_0 = arith.constant 0 : i32
    return %arg0, %c0_i32 : i32, i32
  }
  func.func @transform_3(%arg0: i32) -> (i32, i32) {
    %c0_i32 = arith.constant 0 : i32
    %c0_i32_0 = arith.constant 0 : i32
    %c0_i32_1 = arith.constant 0 : i32
    return %c0_i32, %c0_i32_0 : i32, i32
  }
  func.func @transform_4(%arg0: i32) -> (i32, i32) {
    %c0_i32 = arith.constant 0 : i32
    %c0_i32_0 = arith.constant 0 : i32
    %c0_i32_1 = arith.constant 0 : i32
    return %c0_i32, %c0_i32_0 : i32, i32
  }
  func.func @transform_5(%arg0: i32) -> (i32, i32) {
    %c0_i32 = arith.constant 0 : i32
    %c0_i32_0 = arith.constant 0 : i32
    %c0_i32_1 = arith.constant 0 : i32
    return %c0_i32, %c0_i32_0 : i32, i32
  }
  func.func @transform_6(%arg0: i32) -> (i32, i32) {
    %c0_i32 = arith.constant 0 : i32
    %c0_i32_0 = arith.constant 0 : i32
    return %arg0, %c0_i32 : i32, i32
  }
}

module attributes {stable_mosaic.version = 14 : i64} {
  func.func @_out_body(%arg0: i32, %arg1: memref<2x5000x48xf32, #tpu.memory_space<vmem>>, %arg2: memref<5000x48xf32, #tpu.memory_space<vmem>>, %arg3: memref<5000x1xf32, #tpu.memory_space<vmem>>, %arg4: memref<1x48xf32, #tpu.memory_space<vmem>>, %arg5: memref<5000x40xf32, #tpu.memory_space<vmem>>) attributes {dimension_semantics = [#tpu.dimension_semantics<arbitrary>], iteration_bounds = array<i64: 2>, scalar_prefetch = 0 : i64, scratch_operands = 0 : i64, tpu.core_type = #tpu.core_type<tc>, window_params = [{transform_indices = @transform_0, window_bounds = array<i64: 2, 5000, 48>}, {transform_indices = @transform_1, window_bounds = array<i64: 5000, 48>}, {transform_indices = @transform_2, window_bounds = array<i64: 5000, 1>}, {pipeline_mode = #tpu.pipeline_mode<synchronous>, transform_indices = @transform_3, window_bounds = array<i64: 1, 48>}, {transform_indices = @transform_4, window_bounds = array<i64: 5000, 40>}]} {
    %get3A = arith.constant 0 : index
    %get3A_0 = arith.constant 0 : index
    %get3A_1 = arith.constant 0 : index
    %get3A_2 = vector.load %arg1[%get3A, %get3A_0, %get3A_1] : memref<2x5000x48xf32, #tpu.memory_space<vmem>>, vector<1x5000x48xf32>
    %get3A_3 = vector.shape_cast %get3A_2 : vector<1x5000x48xf32> to vector<5000x48xf32>
    %get3A_4 = arith.constant 1 : index
    %get3A_5 = arith.constant 0 : index
    %get3A_6 = arith.constant 0 : index
    %get3A_7 = vector.load %arg1[%get3A_4, %get3A_5, %get3A_6] : memref<2x5000x48xf32, #tpu.memory_space<vmem>>, vector<1x5000x48xf32>
    %get3A_8 = vector.shape_cast %get3A_7 : vector<1x5000x48xf32> to vector<5000x48xf32>
    %add3A = arith.addf %get3A_3, %get3A_8 : vector<5000x48xf32>
    %get3A_9 = arith.constant 0 : index
    %get3A_10 = arith.constant 0 : index
    %get3A_11 = vector.load %arg2[%get3A_9, %get3A_10] : memref<5000x48xf32, #tpu.memory_space<vmem>>, vector<5000x48xf32>
    %add3A_12 = arith.addf %add3A, %get3A_11 : vector<5000x48xf32>
    %get3A_13 = arith.constant 0 : index
    %get3A_14 = arith.constant 0 : index
    %get3A_15 = vector.load %arg3[%get3A_13, %get3A_14] : memref<5000x1xf32, #tpu.memory_space<vmem>>, vector<5000x1xf32>
    %mul3A = vector.broadcast %get3A_15 : vector<5000x1xf32> to vector<5000x48xf32>
    %mul3A_16 = arith.mulf %add3A_12, %mul3A : vector<5000x48xf32>
    %get3A_17 = arith.constant 0 : index
    %get3A_18 = arith.constant 0 : index
    %get3A_19 = vector.load %arg4[%get3A_17, %get3A_18] : memref<1x48xf32, #tpu.memory_space<vmem>>, vector<1x48xf32>
    %add3A_20 = vector.broadcast %get3A_19 : vector<1x48xf32> to vector<5000x48xf32>
    %add3A_21 = arith.addf %mul3A_16, %add3A_20 : vector<5000x48xf32>
    %slice3A = vector.extract_strided_slice %add3A_21 {offsets = [0, 0], sizes = [5000, 40], strides = [1, 1]} : vector<5000x48xf32> to vector<5000x40xf32>
    %reduce_max3A = arith.constant dense<0xFF800000> : vector<5000xf32>
    %reduce_max3A_22 = vector.multi_reduction <maximumf>, %slice3A, %reduce_max3A [1] : vector<5000x40xf32> to vector<5000xf32>
    %broadcast_in_dim3A = vector.shape_cast %reduce_max3A_22 : vector<5000xf32> to vector<5000x1xf32>
    %sub3A = vector.broadcast %broadcast_in_dim3A : vector<5000x1xf32> to vector<5000x40xf32>
    %sub3A_23 = arith.subf %slice3A, %sub3A : vector<5000x40xf32>
    %exp3A = math.exp %sub3A_23 : vector<5000x40xf32>
    %reduce_sum3A = arith.constant dense<0.000000e+00> : vector<5000xf32>
    %reduce_sum3A_24 = vector.multi_reduction <add>, %exp3A, %reduce_sum3A [1] : vector<5000x40xf32> to vector<5000xf32>
    %broadcast_in_dim3A_25 = vector.shape_cast %reduce_sum3A_24 : vector<5000xf32> to vector<5000x1xf32>
    %sub3A_26 = vector.broadcast %broadcast_in_dim3A : vector<5000x1xf32> to vector<5000x40xf32>
    %sub3A_27 = arith.subf %slice3A, %sub3A_26 : vector<5000x40xf32>
    %log3A = math.log %broadcast_in_dim3A_25 : vector<5000x1xf32>
    %sub3A_28 = vector.broadcast %log3A : vector<5000x1xf32> to vector<5000x40xf32>
    %sub3A_29 = arith.subf %sub3A_27, %sub3A_28 : vector<5000x40xf32>
    %swap3A = arith.constant 0 : index
    %swap3A_30 = arith.constant 0 : index
    %swap3A_31 = vector.load %arg5[%swap3A, %swap3A_30] : memref<5000x40xf32, #tpu.memory_space<vmem>>, vector<5000x40xf32>
    tpu.vector_store %arg5[%swap3A, %swap3A_30], %sub3A_29 {strides = array<i32>} : memref<5000x40xf32, #tpu.memory_space<vmem>>, vector<5000x40xf32>,
    return
  }
  func.func @transform_0(%arg0: i32) -> (i32, i32, i32) {
    %c0_i32 = arith.constant 0 : i32
    %c0_i32_0 = arith.constant 0 : i32
    %c0_i32_1 = arith.constant 0 : i32
    return %c0_i32, %arg0, %c0_i32_0 : i32, i32, i32
  }
  func.func @transform_1(%arg0: i32) -> (i32, i32) {
    %c0_i32 = arith.constant 0 : i32
    %c0_i32_0 = arith.constant 0 : i32
    return %arg0, %c0_i32 : i32, i32
  }
  func.func @transform_2(%arg0: i32) -> (i32, i32) {
    %c0_i32 = arith.constant 0 : i32
    %c0_i32_0 = arith.constant 0 : i32
    return %arg0, %c0_i32 : i32, i32
  }
  func.func @transform_3(%arg0: i32) -> (i32, i32) {
    %c0_i32 = arith.constant 0 : i32
    %c0_i32_0 = arith.constant 0 : i32
    %c0_i32_1 = arith.constant 0 : i32
    return %c0_i32, %c0_i32_0 : i32, i32
  }
  func.func @transform_4(%arg0: i32) -> (i32, i32) {
    %c0_i32 = arith.constant 0 : i32
    %c0_i32_0 = arith.constant 0 : i32
    return %arg0, %c0_i32 : i32, i32
  }
}

</mosaic_0001>

<sc_bundles>
// kernel: kernel.11.cloned.1.call-start
scs
__scs_entry_jumppad:
0x0: {  	(pc) =	sbr.rel $0x88, $3  }
0x1: {  	(tag) =	ssettag $0x0;
	lr =	simm.s32 $0x1  }
0x2: {  	[smem:$0x3F9B] =	sst lr;
	_ =	strace $0xD0000000  }
0x3: {  	_ = 	snop  }
0x4: {  	_ = 	snop  }
0x5: {  	_ = 	snop  }
0x6: {  	_ = 	snop  }
0x7: {  	_ = 	snop  }
__scs_overlays_trampoline_lowered:
0x8: {  	[smem:$0x3FAA] =	sst s0  }
0x9: {  	[smem:$0x3FAB] =	sst s1  }
0xa: {  	[smem:$0x3FAC] =	sst s2  }
0xb: {  	[smem:$0x3FAD] =	sst s3  }
0xc: {  	[smem:$0x3FAE] =	sst s4  }
0xd: {  	[smem:$0x3FAF] =	sst s5  }
0xe: {  	[smem:$0x3FB0] =	sst s6  }
0xf: {  	[smem:$0x3FB1] =	sst s7  }
0x10: {  	[smem:$0x3FB2] =	sst s8  }
0x11: {  	[smem:$0x3FB3] =	sst s9;
	s0 =	simm.s32 @!p0 $0x0  }
0x12: {  	s1 =	sld [smem:$0x3F99];
	s0 =	simm.s32 @p0 $0x1  }
0x13: {  	[smem:$0x3FB4] =	sst s0;
	s0 =	simm.s32 @!p1 $0x0  }
0x14: {  	s2 =	sld [smem:$0x3F98];
	s0 =	simm.s32 @p1 $0x1  }
0x15: {  	[smem:$0x3FB5] =	sst s0;
	s0 =	simm.s32 @!p2 $0x0  }
0x16: {  	s3 =	sld [smem:$0x3FDB];
	s0 =	simm.s32 @p2 $0x1  }
0x17: {  	s4 =	simm.s32 $0x1BF5;
	[smem:$0x3FB7] =	sst s0  }
0x18: {  	s0 =	sld [smem:$0x3F9A];
	_ =	swait.ge [sflag:s4], $0x0  }
0x19: {  	s7 =	sld [smem:$0x3F9B]  }
0x1a: {  	s8 =	sadd.s32 $0xFFFFE003, lr  }
0x1b: {  	s9 =	sadd.s32 $0xFFFFFEF7, lr;
	s5 =	simm.s32 $0xFFFFFFFF;
	p2 =	slt.u32 s8, $0xFFFFF086  }
0x1c: {  	p1 =	slt.u32 s9, $0xF7A;
	s5 =	simm.s32 @!p2 $0x0  }
0x1d: {  	s5 =	simm.s32 @p1 $0x1;
	p0 =	seq.s32 s7, s2  }
0x1e: {  	s7 =	smul.u32 @!p0 $0xF7A, s2;
	p2 =	seq.s32 @!p0 s5, $0x0  }
0x1f: {  	s9 =	smul.u32 $0xF7A, s1;
	s8 =	simm.s32 @!p0 $0x1BF5;
	p2 =	por !p2, p0  }
0x20: {  	[sflag:s8] =	ssyncset.s32 @!p0 $0xFFFFF086;
	s6 =	sadd.s32 @!p0 s3, s7;
	s7 =	simm.s32 @!p0 $0x108  }
0x21: {  	s3 =	sadd.s32 s3, s9;
	s6 =	sadd.s32 @!p0 $0x88, s6;
	s7 =	simm.s32 @p2 $0x1082  }
0x22: {  	[simem:s7], [sflag:s8] =	dma.local @!p0 [hbm:s6], $0xF7A  }
0x23: {  	s9 =	sor.u32 $0xD0000000, s2;
	s6 =	simm.s32 $0x108;
	_ =	swait.ge @!p0 [sflag:s8], $0x0  }
0x24: {  	s3 =	sadd.s32 $0x88, s3;
	s6 =	simm.s32 @!p1 $0x1082;
	[sflag:s4] =	ssyncset.s32 $0xFFFFF086  }
0x25: {  	[simem:s6], [sflag:s4] =	dma.local [hbm:s3], $0xF7A  }
0x26: {  	[smem:$0x3F9B] =	sst s1;
	(tag) =	ssettag s2;
	_ =	strace s9  }
0x27: {  	s1 =	sld [smem:$0x3FAB]  }
0x28: {  	s2 =	sld [smem:$0x3FAC]  }
0x29: {  	s4 =	sld [smem:$0x3FAE]  }
0x2a: {  	p0 =	seq.s32 s5, $0x0;
	s5 =	sld [smem:$0x3FAF]  }
0x2b: {  	s6 =	sld [smem:$0x3FB0]  }
0x2c: {  	s7 =	sld [smem:$0x3FB1]  }
0x2d: {  	s3 =	simm.s32 $0x108;
	s8 =	sld [smem:$0x3FB2]  }
0x2e: {  	s3 =	simm.s32 @!p0 $0x1082;
	s9 =	sld [smem:$0x3FB3]  }
0x2f: {  	lr =	sadd.s32 s0, s3;
	s0 =	sld [smem:$0x3FAA]  }
0x30: {  	s3 =	sld [smem:$0x3FAD]  }
0x31: {  	[smem:$0x3FB6] =	sst s10  }
0x32: {  	s10 =	sld [smem:$0x3FB4];
	_ =	sdelay $0x3  }
0x33: {  	p0 =	seq.s32 s10, $0x1;
	s10 =	sld [smem:$0x3FB6];
	_ =	sdelay $0x3  }
0x34: {  	[smem:$0x3FB6] =	sst s10  }
0x35: {  	s10 =	sld [smem:$0x3FB5];
	_ =	sdelay $0x3  }
0x36: {  	p1 =	seq.s32 s10, $0x1;
	s10 =	sld [smem:$0x3FB6];
	_ =	sdelay $0x3  }
0x37: {  	[smem:$0x3FB6] =	sst s10  }
0x38: {  	s10 =	sld [smem:$0x3FB7]  }
0x39: {  	_ = 	snop;
	(pc) =	sbr.ind lr, $3  }
0x3a: {  	_ = 	snop  }
0x3b: {  	_ = 	snop  }
0x3c: {  	p2 =	seq.s32 s10, $0x1;
	s10 =	sld [smem:$0x3FB6]  }
0x3d: {  	_ =	shalt  }
0x3e: {  	_ =	shalt  }
0x3f: {  	_ =	shalt  }
0x40: {  	_ =	shalt  }
0x41: {  	_ =	shalt  }
0x42: {  	_ =	shalt  }
0x43: {  	_ =	shalt  }
0x44: {  	_ =	shalt  }
0x45: {  	_ =	shalt  }
0x46: {  	_ =	shalt  }
0x47: {  	_ =	shalt  }
0x48: {  	_ =	shalt  }
0x49: {  	_ =	shalt  }
0x4a: {  	_ =	shalt  }
0x4b: {  	_ =	shalt  }
0x4c: {  	_ =	shalt  }
0x4d: {  	_ =	shalt  }
0x4e: {  	_ =	shalt  }
0x4f: {  	_ =	shalt  }
0x50: {  	_ =	shalt  }
0x51: {  	_ =	shalt  }
0x52: {  	_ =	shalt  }
0x53: {  	_ =	shalt  }
0x54: {  	_ =	shalt  }
0x55: {  	_ =	shalt  }
0x56: {  	_ =	shalt  }
0x57: {  	_ =	shalt  }
0x58: {  	_ =	shalt  }
0x59: {  	_ =	shalt  }
0x5a: {  	_ =	shalt  }
0x5b: {  	_ =	shalt  }
0x5c: {  	_ =	shalt  }
0x5d: {  	_ =	shalt  }
0x5e: {  	_ =	shalt  }
0x5f: {  	_ =	shalt  }
0x60: {  	_ =	shalt  }
0x61: {  	_ =	shalt  }
0x62: {  	_ =	shalt  }
0x63: {  	_ =	shalt  }
0x64: {  	_ =	shalt  }
0x65: {  	_ =	shalt  }
0x66: {  	_ =	shalt  }
0x67: {  	_ =	shalt  }
0x68: {  	_ =	shalt  }
0x69: {  	_ =	shalt  }
0x6a: {  	_ =	shalt  }
0x6b: {  	_ =	shalt  }
0x6c: {  	_ =	shalt  }
0x6d: {  	_ =	shalt  }
0x6e: {  	_ =	shalt  }
0x6f: {  	_ =	shalt  }
0x70: {  	_ =	shalt  }
0x71: {  	_ =	shalt  }
0x72: {  	_ =	shalt  }
0x73: {  	_ =	shalt  }
0x74: {  	_ =	shalt  }
0x75: {  	_ =	shalt  }
0x76: {  	_ =	shalt  }
0x77: {  	_ =	shalt  }
0x78: {  	_ =	shalt  }
0x79: {  	_ =	shalt  }
0x7a: {  	_ =	shalt  }
0x7b: {  	_ =	shalt  }
0x7c: {  	_ =	shalt  }
0x7d: {  	_ =	shalt  }
0x7e: {  	_ =	shalt  }
0x7f: {  	_ =	shalt  }
0x80: {  	_ =	shalt  }
0x81: {  	_ =	shalt  }
0x82: {  	_ =	shalt  }
0x83: {  	_ =	shalt  }
0x84: {  	_ =	shalt  }
0x85: {  	_ =	shalt  }
0x86: {  	_ =	shalt  }
0x87: {  	_ =	shalt  }
.Lfunc_end0:
.L_simem_size_0:
called_computation.1_lowered:
.L_overlay_start_0:
0x88: {  	s2 =	sld [smem:$0x3FD9]  }
0x89: {  	s3 =	sld [smem:$0x3FFE];
	_ =	sdelay $0x1  }
0x8a: {  	s1 =	srdreg.scid  }
0x8b: {  	s0 =	sand.u32 $0x1, s1  }
0x8c: {  	s17 =	sshll.u32 s0, $0xA;
	s2 =	sadd.s32 s3, s2  }
0x8d: {  	s2 =	sadd.s32 s2, s17  }
0x8e: {  	[smem:$0x3FC2] =	sst s2  }
0x8f: {  	_ = 	snop  }
0x90: {  	s2 =	sld [smem:$0x3FD0];
	(tm) =	ssettm $0x1  }
0x91: {  	s18 =	sld [smem:$0x3FFB];
	_ =	sdelay $0x3  }
0x92: {  	_ =	strace s18  }
0x93: {  	s3 =	sld [smem:$0x3FFC];
	_ =	sdelay $0x3  }
0x94: {  	_ =	strace s3  }
0x95: {  	s3 =	sld [smem:$0x3FFD];
	_ =	sdelay $0x3  }
0x96: {  	_ =	strace s3  }
0x97: {  	_ =	strace $0x8FFFFFFF  }
0x98: {  	s19 =	sld [smem:$0x3FDB];
	_ =	sdelay $0x1  }
0x99: {  	s4 =	simm.s32 $_scs_section_size  }
0x9a: {  	s5 =	simm.s32 $_size__tile_overlayer_lowered;
	s6 =	simm.s32 $_tile_overlayer_lowered  }
0x9b: {  	s22 =	simm.s32 $0x1BFF;
	s21 =	sshll.u32 s6, $0x1;
	s3 =	sadd.s32 s4, s19  }
0x9c: {  	s7 =	simm.s32 $0x0;
	s20 =	sshll.u32 s5, $0x1;
	s5 =	sadd.s32 s21, s3  }
0x9d: {  	[timem:s7], [sflag:s22] =	dma.local [hbm:s5], s20  }
0x9e: {  	_ =	swait.ge [sflag:s22], s20  }
0x9f: {  	s4 =	ssub.s32 $0x0, s20;
	[sflag:s22] =	ssyncset.done $0x0  }
0xa0: {  	[sflag:s22] =	ssyncadd.s32 s4;
	_ =	sdelay $0x1  }
0xa1: {  	s23 =	simm.s32 $0x1B8B  }
0xa2: {  	_ =	swait.ge [sflag:s23], $0x1  }
0xa3: {  	[sflag:s23] =	ssyncset.done $0x0  }
0xa4: {  	s25 =	simm.s32 $0x1B8E;
	s24 =	sld [smem:$0x3FFE];
	[sflag:s23] =	ssyncadd.s32 $0xFFFFFFFF  }
0xa5: {  	s26 =	simm.s32 $execute0_lowered;
	[smem:$0x3FD2] =	sst s25  }
0xa6: {  	s5 =	sshll.u32 s26, $0x1;
	_ =	strace $0x80000049;
	[dreg:$0x1] =	wrdreg $0xFFFFFFFF  }
0xa7: {  	s28 =	simm.s32 $_size_execute0_lowered;
	s3 =	sadd.s32 s3, s5;
	[dreg:$0x0] =	wrdreg $0x0  }
0xa8: {  	s5 =	sshll.u32 s28, $0x1;
	[dreg:$0x2] =	wrdreg s3  }
0xa9: {  	[dreg:$0x3] =	wrdreg s5  }
0xaa: {  	[dreg:$0x4] =	wrdreg $0xC0  }
0xab: {  	_ =	task [dreg:s7], $0x5FFFF  }
0xac: {  	[dreg:$0x1] =	wrdreg $0xFFFFFFFF  }
0xad: {  	[dreg:$0x0] =	wrdreg $0x60  }
0xae: {  	[dreg:$0x2] =	wrdreg s24  }
0xaf: {  	[dreg:$0x3] =	wrdreg s2  }
0xb0: {  	[dreg:$0x4] =	wrdreg $0xC6200  }
0xb1: {  	[dreg:$0x5] =	wrdreg $0x9  }
0xb2: {  	_ =	task.clear_ibuf [dreg:s7], $0x6FFFF;
	_ =	strace $0x90000049  }
0xb3: {  	s29 =	simm.s32 $0x9;
	_ =	strace $0x8000004B  }
0xb4: {  	_ =	swait.ge [sflag:s29], $0x1  }
0xb5: {  	[sflag:s29] =	ssyncadd.s32 $0xFFFFFFFF  }
0xb6: {  	_ =	strace $0x9000004B  }
0xb7: {  	_ =	sfence  }
0xb8: {  	s30 =	sld [smem:$0x0];
	_ =	sdelay $0x2  }
0xb9: {  	s31 =	sshll.u32 s1, $0xD;
	s1 =	sshrl.u32 s1, $0x2  }
0xba: {  	s3 =	sand.u32 $0x4000, s31;
	s1 =	sadd.s32 s1, s30  }
0xbb: {  	s0 =	sor.u32 s3, s0;
	s1 =	sshll.u32 s1, $0x11  }
0xbc: {  	s0 =	sor.u32 s1, s0  }
0xbd: {  	s0 =	sadd.s32 $0x8F2B, s0  }
0xbe: {  	[sflag:s0] =	ssyncadd.remote.s32 $0x1  }
0xbf: {  	_ =	sfence.sel $0xFFFF  }
0xc0: {  	[dreg:$0x0] =	wrdreg $0xFFFFFFFF;
	(pc) =	sbr.abs _section_cstart, $3  }
0xc1: {  	[dreg:$0x1] =	wrdreg $0xFFFFFFFF  }
0xc2: {  	_ =	task.clear_ibuf [dreg:s7], $0x2FFFF;
	_ =	strace $0x9FFFFFFF  }
0xc3: {  	(tm) =	ssettm $0x7FFFFFFF  }
tec
execute0_lowered:
.L_overlay_start_1:
0x0: {  	(tag) =	ssettag $0x1  }
0x1: {  	s0 =	srdreg.scid;
	s1 =	rddreg [dreg:$0x0]  }
0x2: {  	s4 =	stileid.u32;
	s7 =	rddreg [dreg:$0x1];
	s17 =	simm.s32 $0x4E20  }
0x3: {  	s18 =	simm.s32 $0x7;
	s19 =	simm.s32 $0x2710;
	s20 =	simm.s32 $0x50  }
0x4: {  	s21 =	simm.s32 $0x7620;
	s22 =	simm.s32 $0x1;
	s24 =	simm.s32 $0x9E20  }
0x5: {  	s26 =	simm.s32 $0x2;
	s29 =	simm.s32 $0x4;
	s31 =	simm.s32 $0x3  }
0x6: {  	s23 =	simm.s32 $0x6;
	s0 =	sand.u32 $0x1, s0;
	s10 =	smul.u32 $0x13880, s4  }
0x7: {  	s2 =	sshll.u32 s4, $0x1;
	s6 =	smul.u32 $0x4E200, s4;
	s4 =	sadd.s32 $0xC000, s1  }
0x8: {  	s3 =	sor.u32 s0, s2;
	s2 =	rddreg [dreg:$0x2];
	s5 =	smul.u32 $0x138800, s0  }
0x9: {  	s0 =	ssub.s32 $0x2, s0;
	s8 =	smul.u32 $0x4E2, s3;
	s3 =	simm.s32 $0x0  }
0xa: {  	s6 =	sshrl.u32 s6, $0x2;
	s11 =	sshrl.u32 s0, $0x1;
	s30 =	sadd.s32 s10, s2  }
0xb: {  	[smem:$0x7FF] =	sst s3;
	s5 =	sadd.s32 s10, s5;
	s0 =	ssub.s32 s0, s11  }
0xc: {  	s25 =	sshrl.u32 s30, $0x3;
	_ =	strace $0x8000004A;
	s9 =	sadd.s32 s8, s1  }
0xd: {  	s5 =	sshrl.u32 s5, $0x3;
	s7 =	sadd.s32 s7, s8;
	s10 =	smax.u32 s0, $0x1  }
0xe: {  	s0 =	simm.s32 $0x5;
	s1 =	sadd.s32 s5, s1;
	s5 =	sadd.s32 s6, s2  }
0xf: {  	s8 =	sadd.s32 $0x2200, s9;
	s6 =	sadd.s32 $0x11800, s5;
	s9 =	sadd.s32 $0x33200, s1  }
0x10: {  	s11 =	sadd.s32 $0x2800, s5;
	s12 =	sadd.s32 $0x5000, s5;
	s13 =	sadd.s32 $0x7800, s5  }
0x11: {  	v0 =	vimm.f32 $0.0e+00;
	s14 =	sadd.s32 $0xA000, s5;
	s15 =	sadd.s32 $0xC800, s5;
	s16 =	sadd.s32 $0xF000, s5  }
.LBB2_1:
0x12: {  	s28 =	simm.s32 $0x0;
	s30 =	simm.s32 $0x200  }
.LBB2_2:
0x13: {  	p0 =	sne.s32 s30, $0x9E00;
	[tilespmem:s28+$0x4E90] =	vst v0  }
0x14: {  	[tilespmem:s28+$0x4E20] =	vst v0  }
0x15: {  	[tilespmem:s28+$0x4E30] =	vst v0  }
.Ltmp0:
0x16: {  	[tilespmem:s28+$0x4E40] =	vst v0;
	(pc) =	sbr.rel @p0 .LBB2_2-.Ltmp0, $4  }
0x17: {  	[tilespmem:s28+$0x4E50] =	vst v0  }
0x18: {  	[tilespmem:s28+$0x4E60] =	vst v0  }
0x19: {  	[tilespmem:s28+$0x4E70] =	vst v0  }
0x1a: {  	[tilespmem:s28+$0x4E80] =	vst v0;
	s28 =	sshra.s32 s30, $0x2;
	s30 =	sadd.s32 $0x200, s30  }
0x1b: {  	[tilespmem:s28+$0x4E90] =	vst v0  }
0x1c: {  	[tilespmem:s28+$0x4E20] =	vst v0  }
0x1d: {  	[tilespmem:s28+$0x4E30] =	vst v0  }
0x1e: {  	[tilespmem:s28+$0x4E40] =	vst v0  }
0x1f: {  	[tilespmem:s28+$0x4E50] =	vst v0  }
0x20: {  	[tilespmem:s28+$0x4E60] =	vst v0  }
0x21: {  	[tilespmem:s28+$0x4E70] =	vst v0  }
0x22: {  	[tilespmem:s28+$0x4E80] =	vst v0  }
0x23: {  	[spmem:s5] =	stream.linear.scatter [tilespmem:s17], [sflag:$0x7], $0x2800, $0x38;
	[tilespmem:$0x1FEA0] =	vst v63  }
0x24: {  	_ =	swait.ge [sflag:s18], $0x2800  }
0x25: {  	[sflag:s18] =	ssyncset.done $0x0  }
0x26: {  	[sflag:s18] =	ssyncadd.s32 $0xFFFFD800  }
0x27: {  	[spmem:s11] =	stream.linear.scatter [tilespmem:s17], [sflag:$0x7], $0x2800, $0x38;
	[tilespmem:$0x1FEA0] =	vst v63  }
0x28: {  	_ =	swait.ge [sflag:s18], $0x2800  }
0x29: {  	[sflag:s18] =	ssyncset.done $0x0  }
0x2a: {  	[sflag:s18] =	ssyncadd.s32 $0xFFFFD800  }
0x2b: {  	[spmem:s12] =	stream.linear.scatter [tilespmem:s17], [sflag:$0x7], $0x2800, $0x38;
	[tilespmem:$0x1FEA0] =	vst v63  }
0x2c: {  	_ =	swait.ge [sflag:s18], $0x2800  }
0x2d: {  	[sflag:s18] =	ssyncset.done $0x0  }
0x2e: {  	[sflag:s18] =	ssyncadd.s32 $0xFFFFD800  }
0x2f: {  	[spmem:s13] =	stream.linear.scatter [tilespmem:s17], [sflag:$0x7], $0x2800, $0x38;
	[tilespmem:$0x1FEA0] =	vst v63  }
0x30: {  	_ =	swait.ge [sflag:s18], $0x2800  }
0x31: {  	[sflag:s18] =	ssyncset.done $0x0  }
0x32: {  	[sflag:s18] =	ssyncadd.s32 $0xFFFFD800  }
0x33: {  	[spmem:s14] =	stream.linear.scatter [tilespmem:s17], [sflag:$0x7], $0x2800, $0x38;
	[tilespmem:$0x1FEA0] =	vst v63  }
0x34: {  	_ =	swait.ge [sflag:s18], $0x2800  }
0x35: {  	[sflag:s18] =	ssyncset.done $0x0  }
0x36: {  	[sflag:s18] =	ssyncadd.s32 $0xFFFFD800  }
0x37: {  	[spmem:s15] =	stream.linear.scatter [tilespmem:s17], [sflag:$0x7], $0x2800, $0x38;
	[tilespmem:$0x1FEA0] =	vst v63  }
0x38: {  	_ =	swait.ge [sflag:s18], $0x2800  }
0x39: {  	[sflag:s18] =	ssyncset.done $0x0  }
0x3a: {  	[sflag:s18] =	ssyncadd.s32 $0xFFFFD800  }
0x3b: {  	[spmem:s16] =	stream.linear.scatter [tilespmem:s17], [sflag:$0x7], $0x2800, $0x38;
	[tilespmem:$0x1FEA0] =	vst v63  }
0x3c: {  	_ =	swait.ge [sflag:s18], $0x2800  }
0x3d: {  	[sflag:s18] =	ssyncset.done $0x0  }
0x3e: {  	[sflag:s18] =	ssyncadd.s32 $0xFFFFD800  }
0x3f: {  	[spmem:s6] =	stream.linear.scatter [tilespmem:s17], [sflag:$0x7], $0x2080, $0x38;
	[tilespmem:$0x1FEA0] =	vst v63  }
0x40: {  	_ =	swait.ge [sflag:s18], $0x2080  }
0x41: {  	[sflag:s18] =	ssyncset.done $0x0  }
0x42: {  	s28 =	simm.s32 $0x0;
	[sflag:s18] =	ssyncadd.s32 $0xFFFFDF80  }
0x43: {  	[tilespmem:s28], [sflag:$0x7] =	stream.linear.gather [hbm4b:s7+s28], $0x2710, $0x38;
	[tilespmem:$0x1FEA0] =	vst v63  }
0x44: {  	_ =	swait.ge [sflag:s18], $0x2710  }
0x45: {  	[sflag:s18] =	ssyncset.done $0x0  }
0x46: {  	[sflag:s18] =	ssyncadd.s32 $0xFFFFD8F0  }
0x47: {  	[tilespmem:s19], [sflag:$0x7] =	stream.linear.gather [hbm4b:s8+s28], $0x2710, $0x38;
	[tilespmem:$0x1FEA0] =	vst v63  }
0x48: {  	_ =	swait.ge [sflag:s18], $0x2710  }
0x49: {  	[sflag:s18] =	ssyncset.done $0x0  }
0x4a: {  	[sflag:s18] =	ssyncadd.s32 $0xFFFFD8F0  }
0x4b: {  	[tilespmem:s17], [sflag:$0x1] =	stream.indirect.gather [hbm4b:s4+s20], $0x80, s28, s20, $0xb8;
	[tilespmem:$0x1FEA0] =	vst v63  }
0x4c: {  	[bflag:$0x0] =	sbarrier.arrive $0xFFFF  }
0x4d: {  	[tilespmem:s21], [sflag:$0x2] =	stream.indirect.gather [hbm4b:s4+s20], $0x80, s20, s20, $0xb8;
	[tilespmem:$0x1FEA0] =	vst v63  }
0x4e: {  	_ =	swait.ge [sflag:s22], $0x2800  }
0x4f: {  	[sflag:s22] =	ssyncset.done $0x0  }
0x50: {  	[sflag:s22] =	ssyncadd.s32 $0xFFFFD800  }
0x51: {  	[spmem:s2] =	stream.indirect.scatter.add.f32 [tilespmem:s17], [sflag:$0x4], $0x80, s19, s20, $0xb8;
	[tilespmem:$0x1FEA0] =	vst v63  }
0x52: {  	s1 =	simm.s32 $0xA0  }
0x53: {  	[tilespmem:s24], [sflag:$0x3] =	stream.indirect.gather [hbm4b:s4+s20], $0x80, s1, s20, $0xb8;
	[tilespmem:$0x1FEA0] =	vst v63  }
0x54: {  	_ =	swait.ge [sflag:s26], $0x2800  }
0x55: {  	[sflag:s26] =	ssyncset.done $0x0  }
0x56: {  	s1 =	simm.s32 $0x2760;
	[sflag:s26] =	ssyncadd.s32 $0xFFFFD800  }
0x57: {  	[spmem:s2] =	stream.indirect.scatter.add.f32 [tilespmem:s21], [sflag:$0x5], $0x80, s1, s20, $0xb8;
	[tilespmem:$0x1FEA0] =	vst v63  }
0x58: {  	_ =	swait.ge [sflag:s29], $0x2800  }
0x59: {  	[sflag:s29] =	ssyncset.done $0x0  }
0x5a: {  	s1 =	simm.s32 $0xF0;
	[sflag:s29] =	ssyncadd.s32 $0xFFFFD800  }
0x5b: {  	[tilespmem:s17], [sflag:$0x1] =	stream.indirect.gather [hbm4b:s4+s20], $0x80, s1, s20, $0xb8;
	[tilespmem:$0x1FEA0] =	vst v63  }
0x5c: {  	_ =	swait.ge [sflag:s31], $0x2800  }
0x5d: {  	[sflag:s31] =	ssyncset.done $0x0  }
0x5e: {  	s1 =	simm.s32 $0x27B0;
	[sflag:s31] =	ssyncadd.s32 $0xFFFFD800  }
0x5f: {  	[spmem:s2] =	stream.indirect.scatter.add.f32 [tilespmem:s24], [sflag:$0x6], $0x80, s1, s20, $0xb8;
	[tilespmem:$0x1FEA0] =	vst v63  }
0x60: {  	_ =	swait.ge [sflag:s0], $0x2800  }
0x61: {  	[sflag:s0] =	ssyncset.done $0x0  }
0x62: {  	s28 =	simm.s32 $0x140;
	[sflag:s0] =	ssyncadd.s32 $0xFFFFD800  }
0x63: {  	[tilespmem:s21], [sflag:$0x2] =	stream.indirect.gather [hbm4b:s4+s20], $0x80, s28, s20, $0xb8;
	[tilespmem:$0x1FEA0] =	vst v63  }
0x64: {  	_ =	swait.ge [sflag:s22], $0x2800  }
0x65: {  	[sflag:s22] =	ssyncset.done $0x0  }
0x66: {  	s28 =	simm.s32 $0x2800;
	[sflag:s22] =	ssyncadd.s32 $0xFFFFD800  }
0x67: {  	[spmem:s2] =	stream.indirect.scatter.add.f32 [tilespmem:s17], [sflag:$0x4], $0x80, s28, s20, $0xb8;
	[tilespmem:$0x1FEA0] =	vst v63  }
0x68: {  	_ =	swait.ge [sflag:s23], $0x2800  }
0x69: {  	[sflag:s23] =	ssyncset.done $0x0  }
0x6a: {  	s28 =	simm.s32 $0x190;
	[sflag:s23] =	ssyncadd.s32 $0xFFFFD800  }
0x6b: {  	[tilespmem:s24], [sflag:$0x3] =	stream.indirect.gather [hbm4b:s4+s20], $0x80, s28, s20, $0xb8;
	[tilespmem:$0x1FEA0] =	vst v63  }
0x6c: {  	_ =	swait.ge [sflag:s26], $0x2800  }
0x6d: {  	[sflag:s26] =	ssyncset.done $0x0  }
0x6e: {  	s28 =	simm.s32 $0x2850;
	[sflag:s26] =	ssyncadd.s32 $0xFFFFD800  }
0x6f: {  	[spmem:s2] =	stream.indirect.scatter.add.f32 [tilespmem:s21], [sflag:$0x5], $0x80, s28, s20, $0xb8;
	[tilespmem:$0x1FEA0] =	vst v63  }
0x70: {  	_ =	swait.ge [sflag:s29], $0x2800  }
0x71: {  	[sflag:s29] =	ssyncset.done $0x0  }
0x72: {  	s28 =	simm.s32 $0x1E0;
	[sflag:s29] =	ssyncadd.s32 $0xFFFFD800  }
0x73: {  	[tilespmem:s17], [sflag:$0x1] =	stream.indirect.gather [hbm4b:s4+s20], $0x80, s28, s20, $0xb8;
	[tilespmem:$0x1FEA0] =	vst v63  }
0x74: {  	_ =	swait.ge [sflag:s31], $0x2800  }
0x75: {  	[sflag:s31] =	ssyncset.done $0x0  }
0x76: {  	s30 =	simm.s32 $0x28A0;
	s28 =	simm.s32 $0x3C0;
	[sflag:s31] =	ssyncadd.s32 $0xFFFFD800  }
.LBB2_4:
0x77: {  	[spmem:s2] =	stream.indirect.scatter.add.f32 [tilespmem:s24], [sflag:$0x6], $0x80, s30, s20, $0xb8;
	[tilespmem:$0x1FEA0] =	vst v63  }
0x78: {  	s30 =	smov.u32 s28  }
0x79: {  	p0 =	sne.s32 s28, $0x9240;
	s28 =	sadd.s32 $0x3C0, s28;
	_ =	swait.ge [sflag:s0], $0x2800  }
0x7a: {  	s30 =	sshra.s32 s30, $0x2;
	[sflag:s0] =	ssyncset.done $0x0  }
0x7b: {  	s1 =	sadd.s32 $0x140, s30;
	[sflag:s0] =	ssyncadd.s32 $0xFFFFD800  }
0x7c: {  	[tilespmem:s21], [sflag:$0x2] =	stream.indirect.gather [hbm4b:s4+s20], $0x80, s1, s20, $0xb8;
	[tilespmem:$0x1FEA0] =	vst v63  }
0x7d: {  	_ =	swait.ge [sflag:s22], $0x2800  }
0x7e: {  	[sflag:s22] =	ssyncset.done $0x0  }
0x7f: {  	s1 =	sadd.s32 $0x2800, s30;
	[sflag:s22] =	ssyncadd.s32 $0xFFFFD800  }
0x80: {  	[spmem:s2] =	stream.indirect.scatter.add.f32 [tilespmem:s17], [sflag:$0x4], $0x80, s1, s20, $0xb8;
	[tilespmem:$0x1FEA0] =	vst v63  }
0x81: {  	_ =	swait.ge [sflag:s23], $0x2800  }
0x82: {  	[sflag:s23] =	ssyncset.done $0x0  }
0x83: {  	s1 =	sadd.s32 $0x190, s30;
	[sflag:s23] =	ssyncadd.s32 $0xFFFFD800  }
0x84: {  	[tilespmem:s24], [sflag:$0x3] =	stream.indirect.gather [hbm4b:s4+s20], $0x80, s1, s20, $0xb8;
	[tilespmem:$0x1FEA0] =	vst v63  }
0x85: {  	_ =	swait.ge [sflag:s26], $0x2800  }
0x86: {  	[sflag:s26] =	ssyncset.done $0x0  }
0x87: {  	s1 =	sadd.s32 $0x2850, s30;
	[sflag:s26] =	ssyncadd.s32 $0xFFFFD800  }
0x88: {  	[spmem:s2] =	stream.indirect.scatter.add.f32 [tilespmem:s21], [sflag:$0x5], $0x80, s1, s20, $0xb8;
	[tilespmem:$0x1FEA0] =	vst v63  }
0x89: {  	_ =	swait.ge [sflag:s29], $0x2800  }
0x8a: {  	[sflag:s29] =	ssyncset.done $0x0  }
.Ltmp1:
0x8b: {  	s1 =	sadd.s32 $0x1E0, s30;
	[sflag:s29] =	ssyncadd.s32 $0xFFFFD800;
	(pc) =	sbr.rel @p0 .LBB2_4-.Ltmp1, $4  }
0x8c: {  	[tilespmem:s17], [sflag:$0x1] =	stream.indirect.gather [hbm4b:s4+s20], $0x80, s1, s20, $0xb8;
	[tilespmem:$0x1FEA0] =	vst v63  }
0x8d: {  	_ =	swait.ge [sflag:s31], $0x2800  }
0x8e: {  	[sflag:s31] =	ssyncset.done $0x0  }
0x8f: {  	s30 =	sadd.s32 $0x28A0, s30;
	[sflag:s31] =	ssyncadd.s32 $0xFFFFD800  }
0x90: {  	[spmem:s2] =	stream.indirect.scatter.add.f32 [tilespmem:s24], [sflag:$0x6], $0x80, s30, s20, $0xb8;
	[tilespmem:$0x1FEA0] =	vst v63  }
0x91: {  	_ =	swait.ge [sflag:s0], $0x2800  }
0x92: {  	[sflag:s0] =	ssyncset.done $0x0  }
0x93: {  	s1 =	simm.s32 $0x26C0;
	[sflag:s0] =	ssyncadd.s32 $0xFFFFD800  }
0x94: {  	[tilespmem:s21], [sflag:$0x2] =	stream.indirect.gather [hbm4b:s4+s20], $0x80, s1, s20, $0xb8;
	[tilespmem:$0x1FEA0] =	vst v63  }
0x95: {  	_ =	swait.ge [sflag:s22], $0x2800  }
0x96: {  	[sflag:s22] =	ssyncset.done $0x0  }
0x97: {  	s30 =	simm.s32 $0x4D80;
	[sflag:s22] =	ssyncadd.s32 $0xFFFFD800  }
0x98: {  	[spmem:s2] =	stream.indirect.scatter.add.f32 [tilespmem:s17], [sflag:$0x4], $0x80, s30, s20, $0xb8;
	[tilespmem:$0x1FEA0] =	vst v63  }
0x99: {  	_ =	swait.ge [sflag:s23], $0x2800  }
0x9a: {  	[sflag:s23] =	ssyncset.done $0x0  }
0x9b: {  	[sflag:s23] =	ssyncadd.s32 $0xFFFFD800  }
0x9c: {  	_ =	swait.ge [sflag:s26], $0x2800  }
0x9d: {  	[sflag:s26] =	ssyncset.done $0x0  }
0x9e: {  	s28 =	simm.s32 $0x4DD0;
	[sflag:s26] =	ssyncadd.s32 $0xFFFFD800  }
0x9f: {  	[spmem:s2] =	stream.indirect.scatter.add.f32 [tilespmem:s21], [sflag:$0x5], $0x80, s28, s20, $0xb8;
	[tilespmem:$0x1FEA0] =	vst v63  }
0xa0: {  	_ =	swait.ge [sflag:s29], $0x2800  }
0xa1: {  	[sflag:s29] =	ssyncset.done $0x0  }
0xa2: {  	[sflag:s29] =	ssyncadd.s32 $0xFFFFD800  }
0xa3: {  	_ =	swait.ge [sflag:s0], $0x2800  }
0xa4: {  	s3 =	sadd.s32 $0x1, s3;
	s30 =	stileid.u32;
	[sflag:s0] =	ssyncset.done $0x0  }
0xa5: {  	p0 =	sne.s32 s3, s10;
	s1 =	sshll.u32 s30, $0x6;
	[sflag:s0] =	ssyncadd.s32 $0xFFFFD800  }
.Ltmp2:
0xa6: {  	s1 =	sor.u32 $0x1C07, s1;
	[bflag:$0x0] =	sbarrier.arrive $0xFFFF;
	(pc) =	sbr.rel @p0 .LBB2_1-.Ltmp2, $4  }
0xa7: {  	[hbm:s9], [sflag:s1] =	dma.local [spmem:s25], $0x2710  }
0xa8: {  	_ =	swait.ge [sflag:s18], $0x2710  }
0xa9: {  	[sflag:s18] =	ssyncset.done $0x0  }
0xaa: {  	[sflag:s18] =	ssyncadd.s32 $0xFFFFD8F0  }
0xab: {  	_ =	sfence.sel $0x180000  }
0xac: {  	[bflag:$0x0] =	sbarrier.arrive $0xFFFF  }
0xad: {  	_ =	strace $0x9000004A  }
0xae: {  	s0 =	stileid.u32;
	[bflag:$0x2] =	sbarrier.arrive $0xFFFF  }
0xaf: {  	p0 =	sne.s32 s0, $0x0;
	s0 =	rddreg [dreg:$0x3]  }
0xb0: {  	s0 =	sadd.s32 @!p0 $0x100000, s0  }
0xb1: {  	[sflag:s0] =	ssyncadd.tile.s32 @!p0 $0x1;
	_ =	shalt  }
.Lfunc_end2:
_tile_overlayer_lowered:
.L_overlay_start_2:
0xb2: {  	(tag) =	ssettag $0x2  }
0xb3: {  	s0 =	rddreg [dreg:$0x0];
	s2 =	stileid.u32  }
0xb4: {  	s1 =	rddreg [dreg:$0x1];
	p0 =	sne.s32 s2, $0x0  }
0xb5: {  	s3 =	rddreg [dreg:$0x2];
	[bflag:$0x3] =	sbarrier.arrive $0xFFFF;
	s2 =	simm.s32 @!p0 $0x1C07  }
0xb6: {  	[timem:s3], [sflag:s2] =	dma.local @!p0 [hbm:s0], s1  }
0xb7: {  	s0 =	simm.s32 @!p0 $0x7  }
0xb8: {  	_ =	swait.ge @!p0 [sflag:s0], s1  }
0xb9: {  	s1 =	ssub.s32 @!p0 $0x0, s1;
	[sflag:s0] =	ssyncset.done @!p0 $0x0  }
0xba: {  	[sflag:s0] =	ssyncadd.s32 @!p0 s1  }
0xbb: {  	[bflag:$0x3] =	sbarrier.arrive $0xFFFF  }
0xbc: {  	_ =	shalt  }

// kernel: kernel.14.cloned.1.call-start
scs
__scs_entry_jumppad:
0x0: {  	(pc) =	sbr.rel $0x88, $3  }
0x1: {  	(tag) =	ssettag $0x0;
	lr =	simm.s32 $0x1  }
0x2: {  	[smem:$0x3F9B] =	sst lr;
	_ =	strace $0xD0000000  }
0x3: {  	_ = 	snop  }
0x4: {  	_ = 	snop  }
0x5: {  	_ = 	snop  }
0x6: {  	_ = 	snop  }
0x7: {  	_ = 	snop  }
__scs_overlays_trampoline_lowered:
0x8: {  	[smem:$0x3FAA] =	sst s0  }
0x9: {  	[smem:$0x3FAB] =	sst s1  }
0xa: {  	[smem:$0x3FAC] =	sst s2  }
0xb: {  	[smem:$0x3FAD] =	sst s3  }
0xc: {  	[smem:$0x3FAE] =	sst s4  }
0xd: {  	[smem:$0x3FAF] =	sst s5  }
0xe: {  	[smem:$0x3FB0] =	sst s6  }
0xf: {  	[smem:$0x3FB1] =	sst s7  }
0x10: {  	[smem:$0x3FB2] =	sst s8  }
0x11: {  	[smem:$0x3FB3] =	sst s9;
	s0 =	simm.s32 @!p0 $0x0  }
0x12: {  	s1 =	sld [smem:$0x3F99];
	s0 =	simm.s32 @p0 $0x1  }
0x13: {  	[smem:$0x3FB4] =	sst s0;
	s0 =	simm.s32 @!p1 $0x0  }
0x14: {  	s2 =	sld [smem:$0x3F98];
	s0 =	simm.s32 @p1 $0x1  }
0x15: {  	[smem:$0x3FB5] =	sst s0;
	s0 =	simm.s32 @!p2 $0x0  }
0x16: {  	s3 =	sld [smem:$0x3FDB];
	s0 =	simm.s32 @p2 $0x1  }
0x17: {  	s4 =	simm.s32 $0x1BF5;
	[smem:$0x3FB7] =	sst s0  }
0x18: {  	s0 =	sld [smem:$0x3F9A];
	_ =	swait.ge [sflag:s4], $0x0  }
0x19: {  	s7 =	sld [smem:$0x3F9B]  }
0x1a: {  	s8 =	sadd.s32 $0xFFFFE003, lr  }
0x1b: {  	s9 =	sadd.s32 $0xFFFFFEF7, lr;
	s5 =	simm.s32 $0xFFFFFFFF;
	p2 =	slt.u32 s8, $0xFFFFF086  }
0x1c: {  	p1 =	slt.u32 s9, $0xF7A;
	s5 =	simm.s32 @!p2 $0x0  }
0x1d: {  	s5 =	simm.s32 @p1 $0x1;
	p0 =	seq.s32 s7, s2  }
0x1e: {  	s7 =	smul.u32 @!p0 $0xF7A, s2;
	p2 =	seq.s32 @!p0 s5, $0x0  }
0x1f: {  	s9 =	smul.u32 $0xF7A, s1;
	s8 =	simm.s32 @!p0 $0x1BF5;
	p2 =	por !p2, p0  }
0x20: {  	[sflag:s8] =	ssyncset.s32 @!p0 $0xFFFFF086;
	s6 =	sadd.s32 @!p0 s3, s7;
	s7 =	simm.s32 @!p0 $0x108  }
0x21: {  	s3 =	sadd.s32 s3, s9;
	s6 =	sadd.s32 @!p0 $0x88, s6;
	s7 =	simm.s32 @p2 $0x1082  }
0x22: {  	[simem:s7], [sflag:s8] =	dma.local @!p0 [hbm:s6], $0xF7A  }
0x23: {  	s9 =	sor.u32 $0xD0000000, s2;
	s6 =	simm.s32 $0x108;
	_ =	swait.ge @!p0 [sflag:s8], $0x0  }
0x24: {  	s3 =	sadd.s32 $0x88, s3;
	s6 =	simm.s32 @!p1 $0x1082;
	[sflag:s4] =	ssyncset.s32 $0xFFFFF086  }
0x25: {  	[simem:s6], [sflag:s4] =	dma.local [hbm:s3], $0xF7A  }
0x26: {  	[smem:$0x3F9B] =	sst s1;
	(tag) =	ssettag s2;
	_ =	strace s9  }
0x27: {  	s1 =	sld [smem:$0x3FAB]  }
0x28: {  	s2 =	sld [smem:$0x3FAC]  }
0x29: {  	s4 =	sld [smem:$0x3FAE]  }
0x2a: {  	p0 =	seq.s32 s5, $0x0;
	s5 =	sld [smem:$0x3FAF]  }
0x2b: {  	s6 =	sld [smem:$0x3FB0]  }
0x2c: {  	s7 =	sld [smem:$0x3FB1]  }
0x2d: {  	s3 =	simm.s32 $0x108;
	s8 =	sld [smem:$0x3FB2]  }
0x2e: {  	s3 =	simm.s32 @!p0 $0x1082;
	s9 =	sld [smem:$0x3FB3]  }
0x2f: {  	lr =	sadd.s32 s0, s3;
	s0 =	sld [smem:$0x3FAA]  }
0x30: {  	s3 =	sld [smem:$0x3FAD]  }
0x31: {  	[smem:$0x3FB6] =	sst s10  }
0x32: {  	s10 =	sld [smem:$0x3FB4];
	_ =	sdelay $0x3  }
0x33: {  	p0 =	seq.s32 s10, $0x1;
	s10 =	sld [smem:$0x3FB6];
	_ =	sdelay $0x3  }
0x34: {  	[smem:$0x3FB6] =	sst s10  }
0x35: {  	s10 =	sld [smem:$0x3FB5];
	_ =	sdelay $0x3  }
0x36: {  	p1 =	seq.s32 s10, $0x1;
	s10 =	sld [smem:$0x3FB6];
	_ =	sdelay $0x3  }
0x37: {  	[smem:$0x3FB6] =	sst s10  }
0x38: {  	s10 =	sld [smem:$0x3FB7]  }
0x39: {  	_ = 	snop;
	(pc) =	sbr.ind lr, $3  }
0x3a: {  	_ = 	snop  }
0x3b: {  	_ = 	snop  }
0x3c: {  	p2 =	seq.s32 s10, $0x1;
	s10 =	sld [smem:$0x3FB6]  }
0x3d: {  	_ =	shalt  }
0x3e: {  	_ =	shalt  }
0x3f: {  	_ =	shalt  }
0x40: {  	_ =	shalt  }
0x41: {  	_ =	shalt  }
0x42: {  	_ =	shalt  }
0x43: {  	_ =	shalt  }
0x44: {  	_ =	shalt  }
0x45: {  	_ =	shalt  }
0x46: {  	_ =	shalt  }
0x47: {  	_ =	shalt  }
0x48: {  	_ =	shalt  }
0x49: {  	_ =	shalt  }
0x4a: {  	_ =	shalt  }
0x4b: {  	_ =	shalt  }
0x4c: {  	_ =	shalt  }
0x4d: {  	_ =	shalt  }
0x4e: {  	_ =	shalt  }
0x4f: {  	_ =	shalt  }
0x50: {  	_ =	shalt  }
0x51: {  	_ =	shalt  }
0x52: {  	_ =	shalt  }
0x53: {  	_ =	shalt  }
0x54: {  	_ =	shalt  }
0x55: {  	_ =	shalt  }
0x56: {  	_ =	shalt  }
0x57: {  	_ =	shalt  }
0x58: {  	_ =	shalt  }
0x59: {  	_ =	shalt  }
0x5a: {  	_ =	shalt  }
0x5b: {  	_ =	shalt  }
0x5c: {  	_ =	shalt  }
0x5d: {  	_ =	shalt  }
0x5e: {  	_ =	shalt  }
0x5f: {  	_ =	shalt  }
0x60: {  	_ =	shalt  }
0x61: {  	_ =	shalt  }
0x62: {  	_ =	shalt  }
0x63: {  	_ =	shalt  }
0x64: {  	_ =	shalt  }
0x65: {  	_ =	shalt  }
0x66: {  	_ =	shalt  }
0x67: {  	_ =	shalt  }
0x68: {  	_ =	shalt  }
0x69: {  	_ =	shalt  }
0x6a: {  	_ =	shalt  }
0x6b: {  	_ =	shalt  }
0x6c: {  	_ =	shalt  }
0x6d: {  	_ =	shalt  }
0x6e: {  	_ =	shalt  }
0x6f: {  	_ =	shalt  }
0x70: {  	_ =	shalt  }
0x71: {  	_ =	shalt  }
0x72: {  	_ =	shalt  }
0x73: {  	_ =	shalt  }
0x74: {  	_ =	shalt  }
0x75: {  	_ =	shalt  }
0x76: {  	_ =	shalt  }
0x77: {  	_ =	shalt  }
0x78: {  	_ =	shalt  }
0x79: {  	_ =	shalt  }
0x7a: {  	_ =	shalt  }
0x7b: {  	_ =	shalt  }
0x7c: {  	_ =	shalt  }
0x7d: {  	_ =	shalt  }
0x7e: {  	_ =	shalt  }
0x7f: {  	_ =	shalt  }
0x80: {  	_ =	shalt  }
0x81: {  	_ =	shalt  }
0x82: {  	_ =	shalt  }
0x83: {  	_ =	shalt  }
0x84: {  	_ =	shalt  }
0x85: {  	_ =	shalt  }
0x86: {  	_ =	shalt  }
0x87: {  	_ =	shalt  }
.Lfunc_end0:
.L_simem_size_0:
called_computation.2_lowered:
.L_overlay_start_0:
0x88: {  	s2 =	sld [smem:$0x3FD9]  }
0x89: {  	s3 =	sld [smem:$0x3FFE];
	_ =	sdelay $0x1  }
0x8a: {  	s1 =	srdreg.scid  }
0x8b: {  	s0 =	sand.u32 $0x1, s1  }
0x8c: {  	s17 =	sshll.u32 s0, $0xA;
	s2 =	sadd.s32 s3, s2  }
0x8d: {  	s2 =	sadd.s32 s2, s17  }
0x8e: {  	[smem:$0x3FC2] =	sst s2  }
0x8f: {  	_ = 	snop  }
0x90: {  	s2 =	sld [smem:$0x3FD0];
	(tm) =	ssettm $0x1  }
0x91: {  	s18 =	sld [smem:$0x3FFB];
	_ =	sdelay $0x3  }
0x92: {  	_ =	strace s18  }
0x93: {  	s3 =	sld [smem:$0x3FFC];
	_ =	sdelay $0x3  }
0x94: {  	_ =	strace s3  }
0x95: {  	s3 =	sld [smem:$0x3FFD];
	_ =	sdelay $0x3  }
0x96: {  	_ =	strace s3  }
0x97: {  	_ =	strace $0x8FFFFFFF  }
0x98: {  	s19 =	sld [smem:$0x3FDB];
	_ =	sdelay $0x1  }
0x99: {  	s4 =	simm.s32 $_scs_section_size  }
0x9a: {  	s5 =	simm.s32 $_size__tile_overlayer_lowered;
	s6 =	simm.s32 $_tile_overlayer_lowered  }
0x9b: {  	s22 =	simm.s32 $0x1BFF;
	s21 =	sshll.u32 s6, $0x1;
	s3 =	sadd.s32 s4, s19  }
0x9c: {  	s7 =	simm.s32 $0x0;
	s20 =	sshll.u32 s5, $0x1;
	s5 =	sadd.s32 s21, s3  }
0x9d: {  	[timem:s7], [sflag:s22] =	dma.local [hbm:s5], s20  }
0x9e: {  	_ =	swait.ge [sflag:s22], s20  }
0x9f: {  	s4 =	ssub.s32 $0x0, s20;
	[sflag:s22] =	ssyncset.done $0x0  }
0xa0: {  	[sflag:s22] =	ssyncadd.s32 s4;
	_ =	sdelay $0x1  }
0xa1: {  	s23 =	simm.s32 $0x1B8B  }
0xa2: {  	_ =	swait.ge [sflag:s23], $0x1  }
0xa3: {  	[sflag:s23] =	ssyncset.done $0x0  }
0xa4: {  	s25 =	simm.s32 $0x1B8E;
	s24 =	sld [smem:$0x3FFE];
	[sflag:s23] =	ssyncadd.s32 $0xFFFFFFFF  }
0xa5: {  	s26 =	simm.s32 $execute0_lowered;
	[smem:$0x3FD2] =	sst s25  }
0xa6: {  	s5 =	sshll.u32 s26, $0x1;
	_ =	strace $0x8000004C;
	[dreg:$0x1] =	wrdreg $0xFFFFFFFF  }
0xa7: {  	s28 =	simm.s32 $_size_execute0_lowered;
	s3 =	sadd.s32 s3, s5;
	[dreg:$0x0] =	wrdreg $0x0  }
0xa8: {  	s5 =	sshll.u32 s28, $0x1;
	[dreg:$0x2] =	wrdreg s3  }
0xa9: {  	[dreg:$0x3] =	wrdreg s5  }
0xaa: {  	[dreg:$0x4] =	wrdreg $0xC0  }
0xab: {  	_ =	task [dreg:s7], $0x5FFFF  }
0xac: {  	[dreg:$0x1] =	wrdreg $0xFFFFFFFF  }
0xad: {  	[dreg:$0x0] =	wrdreg $0x60  }
0xae: {  	[dreg:$0x2] =	wrdreg s24  }
0xaf: {  	[dreg:$0x3] =	wrdreg s2  }
0xb0: {  	[dreg:$0x4] =	wrdreg $0xA8200  }
0xb1: {  	[dreg:$0x5] =	wrdreg $0x9  }
0xb2: {  	_ =	task.clear_ibuf [dreg:s7], $0x6FFFF;
	_ =	strace $0x9000004C  }
0xb3: {  	s29 =	simm.s32 $0x9;
	_ =	strace $0x8000004E  }
0xb4: {  	_ =	swait.ge [sflag:s29], $0x1  }
0xb5: {  	[sflag:s29] =	ssyncadd.s32 $0xFFFFFFFF  }
0xb6: {  	_ =	strace $0x9000004E  }
0xb7: {  	_ =	sfence  }
0xb8: {  	s30 =	sld [smem:$0x0];
	_ =	sdelay $0x2  }
0xb9: {  	s31 =	sshll.u32 s1, $0xD;
	s1 =	sshrl.u32 s1, $0x2  }
0xba: {  	s3 =	sand.u32 $0x4000, s31;
	s1 =	sadd.s32 s1, s30  }
0xbb: {  	s0 =	sor.u32 s3, s0;
	s1 =	sshll.u32 s1, $0x11  }
0xbc: {  	s0 =	sor.u32 s1, s0  }
0xbd: {  	s0 =	sadd.s32 $0x8F2B, s0  }
0xbe: {  	[sflag:s0] =	ssyncadd.remote.s32 $0x1  }
0xbf: {  	_ =	sfence.sel $0xFFFF  }
0xc0: {  	[dreg:$0x0] =	wrdreg $0xFFFFFFFF;
	(pc) =	sbr.abs _section_cstart, $3  }
0xc1: {  	[dreg:$0x1] =	wrdreg $0xFFFFFFFF  }
0xc2: {  	_ =	task.clear_ibuf [dreg:s7], $0x2FFFF;
	_ =	strace $0x9FFFFFFF  }
0xc3: {  	(tm) =	ssettm $0x7FFFFFFF  }
tec
execute0_lowered:
.L_overlay_start_1:
0x0: {  	(tag) =	ssettag $0x1  }
0x1: {  	s0 =	srdreg.scid  }
0x2: {  	s4 =	stileid.u32;
	s1 =	rddreg [dreg:$0x0]  }
0x3: {  	s6 =	rddreg [dreg:$0x1];
	s17 =	simm.s32 $0x4E20;
	s18 =	simm.s32 $0xD  }
0x4: {  	s20 =	simm.s32 $0x50;
	s23 =	simm.s32 $0x6C20;
	s29 =	simm.s32 $0x8A20  }
0x5: {  	s30 =	simm.s32 $0x1;
	s31 =	simm.s32 $0x3;
	s28 =	simm.s32 $0x8  }
0x6: {  	s0 =	sand.u32 $0x1, s0;
	s2 =	sshll.u32 s4, $0x1;
	s8 =	smul.u32 $0x7530, s4  }
0x7: {  	s9 =	smul.u32 $0x1D4C0, s4;
	s4 =	sadd.s32 $0xC000, s1;
	s3 =	sor.u32 s0, s2  }
0x8: {  	s2 =	rddreg [dreg:$0x2];
	s5 =	smul.u32 $0x75300, s0;
	s0 =	ssub.s32 $0x2, s0  }
0x9: {  	s7 =	smul.u32 $0x4E2, s3;
	s3 =	simm.s32 $0x0;
	s9 =	sshrl.u32 s9, $0x2  }
0xa: {  	s11 =	sshrl.u32 s0, $0x1;
	s22 =	sadd.s32 s8, s2;
	[smem:$0x7FF] =	sst s3  }
0xb: {  	s5 =	sadd.s32 s8, s5;
	s0 =	ssub.s32 s0, s11;
	s8 =	simm.s32 $0xA  }
0xc: {  	s11 =	simm.s32 $0xC;
	_ =	strace $0x8000004D;
	s10 =	sadd.s32 s7, s1  }
0xd: {  	s5 =	sshrl.u32 s5, $0x3;
	s6 =	sadd.s32 s6, s7;
	s0 =	smax.u32 s0, $0x1  }
0xe: {  	s7 =	simm.s32 $0x5;
	s1 =	sadd.s32 s5, s1;
	[dreg:$0x5] =	wrdreg s6  }
0xf: {  	s5 =	sadd.s32 s9, s2;
	s21 =	sadd.s32 $0x2200, s10;
	[dreg:$0x8] =	wrdreg s0  }
0x10: {  	s0 =	simm.s32 $0x7;
	s9 =	sadd.s32 $0x6900, s5;
	[dreg:$0x6] =	wrdreg s21  }
0x11: {  	s6 =	simm.s32 $0x9;
	s1 =	sadd.s32 $0x1AC00, s1;
	[dreg:$0x4] =	wrdreg s9  }
0x12: {  	s10 =	simm.s32 $0xB;
	s24 =	sadd.s32 $0xF00, s5;
	[dreg:$0x7] =	wrdreg s1  }
0x13: {  	s25 =	sadd.s32 $0x1E00, s5;
	s26 =	sadd.s32 $0x2D00, s5;
	[dreg:$0x9] =	wrdreg s24  }
0x14: {  	s14 =	sadd.s32 $0x3C00, s5;
	s15 =	sadd.s32 $0x4B00, s5;
	[dreg:$0xa] =	wrdreg s25  }
0x15: {  	s16 =	sadd.s32 $0x5A00, s5;
	s21 =	simm.s32 $0x5D20;
	[dreg:$0xb] =	wrdreg s26  }
0x16: {  	s25 =	sshrl.u32 s22, $0x3;
	s26 =	simm.s32 $0x7B20;
	s1 =	simm.s32 $0x9920  }
0x17: {  	v0 =	vimm.f32 $0.0e+00;
	s22 =	simm.s32 $0x2;
	s24 =	simm.s32 $0x4;
	s9 =	simm.s32 $0x6  }
.LBB2_1:
0x18: {  	s12 =	simm.s32 $0xC0;
	s19 =	simm.s32 $0x0  }
.LBB2_2:
0x19: {  	p0 =	sne.s32 s12, $0x3B40;
	[tilespmem:s19+$0x4E40] =	vst v0;
	s13 =	smov.u32 s12;
	s12 =	sadd.s32 $0xC0, s12  }
.Ltmp0:
0x1a: {  	[tilespmem:s19+$0x4E20] =	vst v0;
	(pc) =	sbr.rel @p0 .LBB2_2-.Ltmp0, $2  }
0x1b: {  	[tilespmem:s19+$0x4E30] =	vst v0;
	_ =	sdelay $0x2  }
0x1c: {  	s19 =	sshra.s32 s13, $0x2  }
0x1d: {  	[tilespmem:s19+$0x4E40] =	vst v0  }
0x1e: {  	[tilespmem:s19+$0x4E20] =	vst v0  }
0x1f: {  	[tilespmem:s19+$0x4E30] =	vst v0  }
0x20: {  	[spmem:s5] =	stream.linear.scatter [tilespmem:s17], [sflag:$0xD], $0xF00, $0x38;
	[tilespmem:$0x11D50] =	vst v63  }
0x21: {  	_ =	swait.ge [sflag:s18], $0xF00  }
0x22: {  	[sflag:s18] =	ssyncset.done $0x0  }
0x23: {  	s12 =	rddreg [dreg:$0x9];
	[sflag:s18] =	ssyncadd.s32 $0xFFFFF100  }
0x24: {  	[spmem:s12] =	stream.linear.scatter [tilespmem:s17], [sflag:$0xD], $0xF00, $0x38;
	[tilespmem:$0x11D50] =	vst v63  }
0x25: {  	_ =	swait.ge [sflag:s18], $0xF00  }
0x26: {  	[sflag:s18] =	ssyncset.done $0x0  }
0x27: {  	s19 =	rddreg [dreg:$0xa];
	[sflag:s18] =	ssyncadd.s32 $0xFFFFF100  }
0x28: {  	[spmem:s19] =	stream.linear.scatter [tilespmem:s17], [sflag:$0xD], $0xF00, $0x38;
	[tilespmem:$0x11D50] =	vst v63  }
0x29: {  	_ =	swait.ge [sflag:s18], $0xF00  }
0x2a: {  	[sflag:s18] =	ssyncset.done $0x0  }
0x2b: {  	s13 =	rddreg [dreg:$0xb];
	[sflag:s18] =	ssyncadd.s32 $0xFFFFF100  }
0x2c: {  	[spmem:s13] =	stream.linear.scatter [tilespmem:s17], [sflag:$0xD], $0xF00, $0x38;
	[tilespmem:$0x11D50] =	vst v63  }
0x2d: {  	_ =	swait.ge [sflag:s18], $0xF00  }
0x2e: {  	[sflag:s18] =	ssyncset.done $0x0  }
0x2f: {  	[sflag:s18] =	ssyncadd.s32 $0xFFFFF100  }
0x30: {  	[spmem:s14] =	stream.linear.scatter [tilespmem:s17], [sflag:$0xD], $0xF00, $0x38;
	[tilespmem:$0x11D50] =	vst v63  }
0x31: {  	_ =	swait.ge [sflag:s18], $0xF00  }
0x32: {  	[sflag:s18] =	ssyncset.done $0x0  }
0x33: {  	[sflag:s18] =	ssyncadd.s32 $0xFFFFF100  }
0x34: {  	[spmem:s15] =	stream.linear.scatter [tilespmem:s17], [sflag:$0xD], $0xF00, $0x38;
	[tilespmem:$0x11D50] =	vst v63  }
0x35: {  	_ =	swait.ge [sflag:s18], $0xF00  }
0x36: {  	[sflag:s18] =	ssyncset.done $0x0  }
0x37: {  	[sflag:s18] =	ssyncadd.s32 $0xFFFFF100  }
0x38: {  	[spmem:s16] =	stream.linear.scatter [tilespmem:s17], [sflag:$0xD], $0xF00, $0x38;
	[tilespmem:$0x11D50] =	vst v63  }
0x39: {  	_ =	swait.ge [sflag:s18], $0xF00  }
0x3a: {  	[sflag:s18] =	ssyncset.done $0x0  }
0x3b: {  	s19 =	rddreg [dreg:$0x4];
	[sflag:s18] =	ssyncadd.s32 $0xFFFFF100  }
0x3c: {  	[spmem:s19] =	stream.linear.scatter [tilespmem:s17], [sflag:$0xD], $0xC30, $0x38;
	[tilespmem:$0x11D50] =	vst v63  }
0x3d: {  	_ =	swait.ge [sflag:s18], $0xC30  }
0x3e: {  	[sflag:s18] =	ssyncset.done $0x0  }
0x3f: {  	s12 =	simm.s32 $0x0;
	s13 =	rddreg [dreg:$0x5];
	[sflag:s18] =	ssyncadd.s32 $0xFFFFF3D0  }
0x40: {  	[tilespmem:s12], [sflag:$0xD] =	stream.linear.gather [hbm4b:s13+s12], $0x2710, $0x38;
	[tilespmem:$0x11D50] =	vst v63  }
0x41: {  	_ =	swait.ge [sflag:s18], $0x2710  }
0x42: {  	[sflag:s18] =	ssyncset.done $0x0  }
0x43: {  	s19 =	simm.s32 $0x2710;
	s13 =	rddreg [dreg:$0x6];
	[sflag:s18] =	ssyncadd.s32 $0xFFFFD8F0  }
0x44: {  	[tilespmem:s19], [sflag:$0xD] =	stream.linear.gather [hbm4b:s13+s12], $0x2710, $0x38;
	[tilespmem:$0x11D50] =	vst v63  }
0x45: {  	_ =	swait.ge [sflag:s18], $0x2710  }
0x46: {  	[sflag:s18] =	ssyncset.done $0x0  }
0x47: {  	[sflag:s18] =	ssyncadd.s32 $0xFFFFD8F0  }
0x48: {  	[tilespmem:s17], [sflag:$0x1] =	stream.indirect.gather [hbm4b:s4+s20], $0x30, s12, s20, $0xb8;
	[tilespmem:$0x11D50] =	vst v63  }
0x49: {  	_ = 	snop  }
0x4a: {  	[tilespmem:s21], [sflag:$0x2] =	stream.indirect.gather [hbm4b:s4+s20], $0x30, s20, s20, $0xb8;
	[tilespmem:$0x11D50] =	vst v63  }
0x4b: {  	s13 =	simm.s32 $0xA0  }
0x4c: {  	[tilespmem:s23], [sflag:$0x3] =	stream.indirect.gather [hbm4b:s4+s20], $0x30, s13, s20, $0xb8;
	[tilespmem:$0x11D50] =	vst v63  }
0x4d: {  	s13 =	simm.s32 $0xF0  }
0x4e: {  	[tilespmem:s26], [sflag:$0x4] =	stream.indirect.gather [hbm4b:s4+s20], $0x30, s13, s20, $0xb8;
	[tilespmem:$0x11D50] =	vst v63  }
0x4f: {  	s13 =	simm.s32 $0x140;
	[bflag:$0x0] =	sbarrier.arrive $0xFFFF  }
0x50: {  	[tilespmem:s29], [sflag:$0x5] =	stream.indirect.gather [hbm4b:s4+s20], $0x30, s13, s20, $0xb8;
	[tilespmem:$0x11D50] =	vst v63  }
0x51: {  	_ =	swait.ge [sflag:s30], $0xF00  }
0x52: {  	[sflag:s30] =	ssyncset.done $0x0  }
0x53: {  	[sflag:s30] =	ssyncadd.s32 $0xFFFFF100  }
0x54: {  	[spmem:s2] =	stream.indirect.scatter.add.f32 [tilespmem:s17], [sflag:$0x7], $0x30, s19, s20, $0xb8;
	[tilespmem:$0x11D50] =	vst v63  }
0x55: {  	s19 =	simm.s32 $0x190  }
0x56: {  	[tilespmem:s1], [sflag:$0x6] =	stream.indirect.gather [hbm4b:s4+s20], $0x30, s19, s20, $0xb8;
	[tilespmem:$0x11D50] =	vst v63  }
0x57: {  	_ =	swait.ge [sflag:s22], $0xF00  }
0x58: {  	[sflag:s22] =	ssyncset.done $0x0  }
0x59: {  	s13 =	simm.s32 $0x2760;
	[sflag:s22] =	ssyncadd.s32 $0xFFFFF100  }
0x5a: {  	[spmem:s2] =	stream.indirect.scatter.add.f32 [tilespmem:s21], [sflag:$0x8], $0x30, s13, s20, $0xb8;
	[tilespmem:$0x11D50] =	vst v63  }
0x5b: {  	_ =	swait.ge [sflag:s0], $0xF00  }
0x5c: {  	[sflag:s0] =	ssyncset.done $0x0  }
0x5d: {  	s19 =	simm.s32 $0x1E0;
	[sflag:s0] =	ssyncadd.s32 $0xFFFFF100  }
0x5e: {  	[tilespmem:s17], [sflag:$0x1] =	stream.indirect.gather [hbm4b:s4+s20], $0x30, s19, s20, $0xb8;
	[tilespmem:$0x11D50] =	vst v63  }
0x5f: {  	_ =	swait.ge [sflag:s31], $0xF00  }
0x60: {  	[sflag:s31] =	ssyncset.done $0x0  }
0x61: {  	s13 =	simm.s32 $0x27B0;
	[sflag:s31] =	ssyncadd.s32 $0xFFFFF100  }
0x62: {  	[spmem:s2] =	stream.indirect.scatter.add.f32 [tilespmem:s23], [sflag:$0x9], $0x30, s13, s20, $0xb8;
	[tilespmem:$0x11D50] =	vst v63  }
0x63: {  	_ =	swait.ge [sflag:s28], $0xF00  }
0x64: {  	[sflag:s28] =	ssyncset.done $0x0  }
0x65: {  	s19 =	simm.s32 $0x230;
	[sflag:s28] =	ssyncadd.s32 $0xFFFFF100  }
0x66: {  	[tilespmem:s21], [sflag:$0x2] =	stream.indirect.gather [hbm4b:s4+s20], $0x30, s19, s20, $0xb8;
	[tilespmem:$0x11D50] =	vst v63  }
0x67: {  	_ =	swait.ge [sflag:s24], $0xF00  }
0x68: {  	[sflag:s24] =	ssyncset.done $0x0  }
0x69: {  	s13 =	simm.s32 $0x2800;
	[sflag:s24] =	ssyncadd.s32 $0xFFFFF100  }
0x6a: {  	[spmem:s2] =	stream.indirect.scatter.add.f32 [tilespmem:s26], [sflag:$0xA], $0x30, s13, s20, $0xb8;
	[tilespmem:$0x11D50] =	vst v63  }
0x6b: {  	_ =	swait.ge [sflag:s6], $0xF00  }
0x6c: {  	[sflag:s6] =	ssyncset.done $0x0  }
0x6d: {  	s19 =	simm.s32 $0x280;
	[sflag:s6] =	ssyncadd.s32 $0xFFFFF100  }
0x6e: {  	[tilespmem:s23], [sflag:$0x3] =	stream.indirect.gather [hbm4b:s4+s20], $0x30, s19, s20, $0xb8;
	[tilespmem:$0x11D50] =	vst v63  }
0x6f: {  	_ =	swait.ge [sflag:s7], $0xF00  }
0x70: {  	[sflag:s7] =	ssyncset.done $0x0  }
0x71: {  	s13 =	simm.s32 $0x2850;
	[sflag:s7] =	ssyncadd.s32 $0xFFFFF100  }
0x72: {  	[spmem:s2] =	stream.indirect.scatter.add.f32 [tilespmem:s29], [sflag:$0xB], $0x30, s13, s20, $0xb8;
	[tilespmem:$0x11D50] =	vst v63  }
0x73: {  	_ =	swait.ge [sflag:s8], $0xF00  }
0x74: {  	[sflag:s8] =	ssyncset.done $0x0  }
0x75: {  	s19 =	simm.s32 $0x2D0;
	[sflag:s8] =	ssyncadd.s32 $0xFFFFF100  }
0x76: {  	[tilespmem:s26], [sflag:$0x4] =	stream.indirect.gather [hbm4b:s4+s20], $0x30, s19, s20, $0xb8;
	[tilespmem:$0x11D50] =	vst v63  }
0x77: {  	_ =	swait.ge [sflag:s9], $0xF00  }
0x78: {  	[sflag:s9] =	ssyncset.done $0x0  }
0x79: {  	s13 =	simm.s32 $0x28A0;
	[sflag:s9] =	ssyncadd.s32 $0xFFFFF100  }
0x7a: {  	[spmem:s2] =	stream.indirect.scatter.add.f32 [tilespmem:s1], [sflag:$0xC], $0x30, s13, s20, $0xb8;
	[tilespmem:$0x11D50] =	vst v63  }
0x7b: {  	_ =	swait.ge [sflag:s10], $0xF00  }
0x7c: {  	[sflag:s10] =	ssyncset.done $0x0  }
0x7d: {  	s19 =	simm.s32 $0x320;
	[sflag:s10] =	ssyncadd.s32 $0xFFFFF100  }
0x7e: {  	[tilespmem:s29], [sflag:$0x5] =	stream.indirect.gather [hbm4b:s4+s20], $0x30, s19, s20, $0xb8;
	[tilespmem:$0x11D50] =	vst v63  }
0x7f: {  	_ =	swait.ge [sflag:s30], $0xF00  }
0x80: {  	[sflag:s30] =	ssyncset.done $0x0  }
0x81: {  	s13 =	simm.s32 $0x28F0;
	[sflag:s30] =	ssyncadd.s32 $0xFFFFF100  }
0x82: {  	[spmem:s2] =	stream.indirect.scatter.add.f32 [tilespmem:s17], [sflag:$0x7], $0x30, s13, s20, $0xb8;
	[tilespmem:$0x11D50] =	vst v63  }
0x83: {  	_ =	swait.ge [sflag:s11], $0xF00  }
0x84: {  	[sflag:s11] =	ssyncset.done $0x0  }
0x85: {  	s19 =	simm.s32 $0x370;
	[sflag:s11] =	ssyncadd.s32 $0xFFFFF100  }
0x86: {  	[tilespmem:s1], [sflag:$0x6] =	stream.indirect.gather [hbm4b:s4+s20], $0x30, s19, s20, $0xb8;
	[tilespmem:$0x11D50] =	vst v63  }
0x87: {  	_ =	swait.ge [sflag:s22], $0xF00  }
0x88: {  	[sflag:s22] =	ssyncset.done $0x0  }
0x89: {  	s13 =	simm.s32 $0x2940;
	[sflag:s22] =	ssyncadd.s32 $0xFFFFF100  }
0x8a: {  	[spmem:s2] =	stream.indirect.scatter.add.f32 [tilespmem:s21], [sflag:$0x8], $0x30, s13, s20, $0xb8;
	[tilespmem:$0x11D50] =	vst v63  }
0x8b: {  	_ =	swait.ge [sflag:s0], $0xF00  }
0x8c: {  	[sflag:s0] =	ssyncset.done $0x0  }
0x8d: {  	s19 =	simm.s32 $0x3C0;
	[sflag:s0] =	ssyncadd.s32 $0xFFFFF100  }
0x8e: {  	[tilespmem:s17], [sflag:$0x1] =	stream.indirect.gather [hbm4b:s4+s20], $0x30, s19, s20, $0xb8;
	[tilespmem:$0x11D50] =	vst v63  }
0x8f: {  	_ =	swait.ge [sflag:s31], $0xF00  }
0x90: {  	[sflag:s31] =	ssyncset.done $0x0  }
0x91: {  	s13 =	simm.s32 $0x2990;
	[sflag:s31] =	ssyncadd.s32 $0xFFFFF100  }
0x92: {  	[spmem:s2] =	stream.indirect.scatter.add.f32 [tilespmem:s23], [sflag:$0x9], $0x30, s13, s20, $0xb8;
	[tilespmem:$0x11D50] =	vst v63  }
0x93: {  	_ =	swait.ge [sflag:s28], $0xF00  }
0x94: {  	[sflag:s28] =	ssyncset.done $0x0  }
0x95: {  	s19 =	simm.s32 $0x410;
	[sflag:s28] =	ssyncadd.s32 $0xFFFFF100  }
0x96: {  	[tilespmem:s21], [sflag:$0x2] =	stream.indirect.gather [hbm4b:s4+s20], $0x30, s19, s20, $0xb8;
	[tilespmem:$0x11D50] =	vst v63  }
0x97: {  	_ =	swait.ge [sflag:s24], $0xF00  }
0x98: {  	[sflag:s24] =	ssyncset.done $0x0  }
0x99: {  	s13 =	simm.s32 $0x29E0;
	[sflag:s24] =	ssyncadd.s32 $0xFFFFF100  }
0x9a: {  	[spmem:s2] =	stream.indirect.scatter.add.f32 [tilespmem:s26], [sflag:$0xA], $0x30, s13, s20, $0xb8;
	[tilespmem:$0x11D50] =	vst v63  }
0x9b: {  	_ =	swait.ge [sflag:s6], $0xF00  }
0x9c: {  	[sflag:s6] =	ssyncset.done $0x0  }
0x9d: {  	s19 =	simm.s32 $0x460;
	[sflag:s6] =	ssyncadd.s32 $0xFFFFF100  }
0x9e: {  	[tilespmem:s23], [sflag:$0x3] =	stream.indirect.gather [hbm4b:s4+s20], $0x30, s19, s20, $0xb8;
	[tilespmem:$0x11D50] =	vst v63  }
0x9f: {  	_ =	swait.ge [sflag:s7], $0xF00  }
0xa0: {  	[sflag:s7] =	ssyncset.done $0x0  }
0xa1: {  	s13 =	simm.s32 $0x2A30;
	[sflag:s7] =	ssyncadd.s32 $0xFFFFF100  }
0xa2: {  	[spmem:s2] =	stream.indirect.scatter.add.f32 [tilespmem:s29], [sflag:$0xB], $0x30, s13, s20, $0xb8;
	[tilespmem:$0x11D50] =	vst v63  }
0xa3: {  	_ =	swait.ge [sflag:s8], $0xF00  }
0xa4: {  	[sflag:s8] =	ssyncset.done $0x0  }
0xa5: {  	s19 =	simm.s32 $0x4B0;
	[sflag:s8] =	ssyncadd.s32 $0xFFFFF100  }
0xa6: {  	[tilespmem:s26], [sflag:$0x4] =	stream.indirect.gather [hbm4b:s4+s20], $0x30, s19, s20, $0xb8;
	[tilespmem:$0x11D50] =	vst v63  }
0xa7: {  	_ =	swait.ge [sflag:s9], $0xF00  }
0xa8: {  	[sflag:s9] =	ssyncset.done $0x0  }
0xa9: {  	s12 =	simm.s32 $0x780;
	s19 =	simm.s32 $0x2A80;
	[sflag:s9] =	ssyncadd.s32 $0xFFFFF100  }
.LBB2_4:
0xaa: {  	[spmem:s2] =	stream.indirect.scatter.add.f32 [tilespmem:s1], [sflag:$0xC], $0x30, s19, s20, $0xb8;
	[tilespmem:$0x11D50] =	vst v63  }
0xab: {  	s13 =	smov.u32 s12  }
0xac: {  	p0 =	sne.s32 s12, $0x8700;
	s12 =	sadd.s32 $0x780, s12;
	_ =	swait.ge [sflag:s10], $0xF00  }
0xad: {  	s19 =	sshra.s32 s13, $0x2;
	[sflag:s10] =	ssyncset.done $0x0  }
0xae: {  	s13 =	sadd.s32 $0x320, s19;
	[sflag:s10] =	ssyncadd.s32 $0xFFFFF100  }
0xaf: {  	[tilespmem:s29], [sflag:$0x5] =	stream.indirect.gather [hbm4b:s4+s20], $0x30, s13, s20, $0xb8;
	[tilespmem:$0x11D50] =	vst v63  }
0xb0: {  	_ =	swait.ge [sflag:s30], $0xF00  }
0xb1: {  	[sflag:s30] =	ssyncset.done $0x0  }
0xb2: {  	s13 =	sadd.s32 $0x28F0, s19;
	[sflag:s30] =	ssyncadd.s32 $0xFFFFF100  }
0xb3: {  	[spmem:s2] =	stream.indirect.scatter.add.f32 [tilespmem:s17], [sflag:$0x7], $0x30, s13, s20, $0xb8;
	[tilespmem:$0x11D50] =	vst v63  }
0xb4: {  	_ =	swait.ge [sflag:s11], $0xF00  }
0xb5: {  	[sflag:s11] =	ssyncset.done $0x0  }
0xb6: {  	s13 =	sadd.s32 $0x370, s19;
	[sflag:s11] =	ssyncadd.s32 $0xFFFFF100  }
0xb7: {  	[tilespmem:s1], [sflag:$0x6] =	stream.indirect.gather [hbm4b:s4+s20], $0x30, s13, s20, $0xb8;
	[tilespmem:$0x11D50] =	vst v63  }
0xb8: {  	_ =	swait.ge [sflag:s22], $0xF00  }
0xb9: {  	[sflag:s22] =	ssyncset.done $0x0  }
0xba: {  	s13 =	sadd.s32 $0x2940, s19;
	[sflag:s22] =	ssyncadd.s32 $0xFFFFF100  }
0xbb: {  	[spmem:s2] =	stream.indirect.scatter.add.f32 [tilespmem:s21], [sflag:$0x8], $0x30, s13, s20, $0xb8;
	[tilespmem:$0x11D50] =	vst v63  }
0xbc: {  	_ =	swait.ge [sflag:s0], $0xF00  }
0xbd: {  	[sflag:s0] =	ssyncset.done $0x0  }
0xbe: {  	s13 =	sadd.s32 $0x3C0, s19;
	[sflag:s0] =	ssyncadd.s32 $0xFFFFF100  }
0xbf: {  	[tilespmem:s17], [sflag:$0x1] =	stream.indirect.gather [hbm4b:s4+s20], $0x30, s13, s20, $0xb8;
	[tilespmem:$0x11D50] =	vst v63  }
0xc0: {  	_ =	swait.ge [sflag:s31], $0xF00  }
0xc1: {  	[sflag:s31] =	ssyncset.done $0x0  }
0xc2: {  	s13 =	sadd.s32 $0x2990, s19;
	[sflag:s31] =	ssyncadd.s32 $0xFFFFF100  }
0xc3: {  	[spmem:s2] =	stream.indirect.scatter.add.f32 [tilespmem:s23], [sflag:$0x9], $0x30, s13, s20, $0xb8;
	[tilespmem:$0x11D50] =	vst v63  }
0xc4: {  	_ =	swait.ge [sflag:s28], $0xF00  }
0xc5: {  	[sflag:s28] =	ssyncset.done $0x0  }
0xc6: {  	s13 =	sadd.s32 $0x410, s19;
	[sflag:s28] =	ssyncadd.s32 $0xFFFFF100  }
0xc7: {  	[tilespmem:s21], [sflag:$0x2] =	stream.indirect.gather [hbm4b:s4+s20], $0x30, s13, s20, $0xb8;
	[tilespmem:$0x11D50] =	vst v63  }
0xc8: {  	_ =	swait.ge [sflag:s24], $0xF00  }
0xc9: {  	[sflag:s24] =	ssyncset.done $0x0  }
0xca: {  	s13 =	sadd.s32 $0x29E0, s19;
	[sflag:s24] =	ssyncadd.s32 $0xFFFFF100  }
0xcb: {  	[spmem:s2] =	stream.indirect.scatter.add.f32 [tilespmem:s26], [sflag:$0xA], $0x30, s13, s20, $0xb8;
	[tilespmem:$0x11D50] =	vst v63  }
0xcc: {  	_ =	swait.ge [sflag:s6], $0xF00  }
0xcd: {  	[sflag:s6] =	ssyncset.done $0x0  }
0xce: {  	s13 =	sadd.s32 $0x460, s19;
	[sflag:s6] =	ssyncadd.s32 $0xFFFFF100  }
0xcf: {  	[tilespmem:s23], [sflag:$0x3] =	stream.indirect.gather [hbm4b:s4+s20], $0x30, s13, s20, $0xb8;
	[tilespmem:$0x11D50] =	vst v63  }
0xd0: {  	_ =	swait.ge [sflag:s7], $0xF00  }
0xd1: {  	[sflag:s7] =	ssyncset.done $0x0  }
0xd2: {  	s13 =	sadd.s32 $0x2A30, s19;
	[sflag:s7] =	ssyncadd.s32 $0xFFFFF100  }
0xd3: {  	[spmem:s2] =	stream.indirect.scatter.add.f32 [tilespmem:s29], [sflag:$0xB], $0x30, s13, s20, $0xb8;
	[tilespmem:$0x11D50] =	vst v63  }
0xd4: {  	_ =	swait.ge [sflag:s8], $0xF00  }
0xd5: {  	[sflag:s8] =	ssyncset.done $0x0  }
.Ltmp1:
0xd6: {  	s13 =	sadd.s32 $0x4B0, s19;
	[sflag:s8] =	ssyncadd.s32 $0xFFFFF100;
	(pc) =	sbr.rel @p0 .LBB2_4-.Ltmp1, $4  }
0xd7: {  	[tilespmem:s26], [sflag:$0x4] =	stream.indirect.gather [hbm4b:s4+s20], $0x30, s13, s20, $0xb8;
	[tilespmem:$0x11D50] =	vst v63  }
0xd8: {  	_ =	swait.ge [sflag:s9], $0xF00  }
0xd9: {  	[sflag:s9] =	ssyncset.done $0x0  }
0xda: {  	s19 =	sadd.s32 $0x2A80, s19;
	[sflag:s9] =	ssyncadd.s32 $0xFFFFF100  }
0xdb: {  	[spmem:s2] =	stream.indirect.scatter.add.f32 [tilespmem:s1], [sflag:$0xC], $0x30, s19, s20, $0xb8;
	[tilespmem:$0x11D50] =	vst v63  }
0xdc: {  	_ =	swait.ge [sflag:s10], $0xF00  }
0xdd: {  	[sflag:s10] =	ssyncset.done $0x0  }
0xde: {  	s12 =	simm.s32 $0x26C0;
	[sflag:s10] =	ssyncadd.s32 $0xFFFFF100  }
0xdf: {  	[tilespmem:s29], [sflag:$0x5] =	stream.indirect.gather [hbm4b:s4+s20], $0x30, s12, s20, $0xb8;
	[tilespmem:$0x11D50] =	vst v63  }
0xe0: {  	_ =	swait.ge [sflag:s30], $0xF00  }
0xe1: {  	[sflag:s30] =	ssyncset.done $0x0  }
0xe2: {  	s19 =	simm.s32 $0x4C90;
	[sflag:s30] =	ssyncadd.s32 $0xFFFFF100  }
0xe3: {  	[spmem:s2] =	stream.indirect.scatter.add.f32 [tilespmem:s17], [sflag:$0x7], $0x30, s19, s20, $0xb8;
	[tilespmem:$0x11D50] =	vst v63  }
0xe4: {  	_ =	swait.ge [sflag:s11], $0xF00  }
0xe5: {  	[sflag:s11] =	ssyncset.done $0x0  }
0xe6: {  	[sflag:s11] =	ssyncadd.s32 $0xFFFFF100  }
0xe7: {  	_ =	swait.ge [sflag:s22], $0xF00  }
0xe8: {  	[sflag:s22] =	ssyncset.done $0x0  }
0xe9: {  	s13 =	simm.s32 $0x4CE0;
	[sflag:s22] =	ssyncadd.s32 $0xFFFFF100  }
0xea: {  	[spmem:s2] =	stream.indirect.scatter.add.f32 [tilespmem:s21], [sflag:$0x8], $0x30, s13, s20, $0xb8;
	[tilespmem:$0x11D50] =	vst v63  }
0xeb: {  	_ =	swait.ge [sflag:s0], $0xF00  }
0xec: {  	[sflag:s0] =	ssyncset.done $0x0  }
0xed: {  	[sflag:s0] =	ssyncadd.s32 $0xFFFFF100  }
0xee: {  	_ =	swait.ge [sflag:s31], $0xF00  }
0xef: {  	[sflag:s31] =	ssyncset.done $0x0  }
0xf0: {  	s19 =	simm.s32 $0x4D30;
	[sflag:s31] =	ssyncadd.s32 $0xFFFFF100  }
0xf1: {  	[spmem:s2] =	stream.indirect.scatter.add.f32 [tilespmem:s23], [sflag:$0x9], $0x30, s19, s20, $0xb8;
	[tilespmem:$0x11D50] =	vst v63  }
0xf2: {  	_ =	swait.ge [sflag:s28], $0xF00  }
0xf3: {  	[sflag:s28] =	ssyncset.done $0x0  }
0xf4: {  	[sflag:s28] =	ssyncadd.s32 $0xFFFFF100  }
0xf5: {  	_ =	swait.ge [sflag:s24], $0xF00  }
0xf6: {  	[sflag:s24] =	ssyncset.done $0x0  }
0xf7: {  	s13 =	simm.s32 $0x4D80;
	[sflag:s24] =	ssyncadd.s32 $0xFFFFF100  }
0xf8: {  	[spmem:s2] =	stream.indirect.scatter.add.f32 [tilespmem:s26], [sflag:$0xA], $0x30, s13, s20, $0xb8;
	[tilespmem:$0x11D50] =	vst v63  }
0xf9: {  	_ =	swait.ge [sflag:s6], $0xF00  }
0xfa: {  	[sflag:s6] =	ssyncset.done $0x0  }
0xfb: {  	[sflag:s6] =	ssyncadd.s32 $0xFFFFF100  }
0xfc: {  	_ =	swait.ge [sflag:s7], $0xF00  }
0xfd: {  	[sflag:s7] =	ssyncset.done $0x0  }
0xfe: {  	s19 =	simm.s32 $0x4DD0;
	[sflag:s7] =	ssyncadd.s32 $0xFFFFF100  }
0xff: {  	[spmem:s2] =	stream.indirect.scatter.add.f32 [tilespmem:s29], [sflag:$0xB], $0x30, s19, s20, $0xb8;
	[tilespmem:$0x11D50] =	vst v63  }
0x100: {  	_ =	swait.ge [sflag:s8], $0xF00  }
0x101: {  	[sflag:s8] =	ssyncset.done $0x0  }
0x102: {  	[sflag:s8] =	ssyncadd.s32 $0xFFFFF100  }
0x103: {  	_ =	swait.ge [sflag:s10], $0xF00  }
0x104: {  	[sflag:s10] =	ssyncset.done $0x0  }
0x105: {  	s13 =	stileid.u32;
	[sflag:s10] =	ssyncadd.s32 $0xFFFFF100  }
0x106: {  	s12 =	sshll.u32 s13, $0x6;
	[bflag:$0x0] =	sbarrier.arrive $0xFFFF  }
0x107: {  	s12 =	sor.u32 $0x1C0D, s12;
	s13 =	rddreg [dreg:$0x7]  }
0x108: {  	[hbm:s13], [sflag:s12] =	dma.local [spmem:s25], $0xEA6  }
0x109: {  	_ =	swait.ge [sflag:s18], $0xEA6  }
0x10a: {  	s3 =	sadd.s32 $0x1, s3;
	s19 =	rddreg [dreg:$0x8]  }
0x10b: {  	p0 =	sne.s32 s3, s19  }
.Ltmp2:
0x10c: {  	_ = 	snop;
	(pc) =	sbr.rel @p0 .LBB2_1-.Ltmp2, $3  }
0x10d: {  	_ =	sdelay $0x1  }
0x10e: {  	[sflag:s18] =	ssyncset.done $0x0  }
0x10f: {  	[sflag:s18] =	ssyncadd.s32 $0xFFFFF15A  }
0x110: {  	_ =	sfence.sel $0x180000  }
0x111: {  	[bflag:$0x0] =	sbarrier.arrive $0xFFFF  }
0x112: {  	_ =	strace $0x9000004D  }
0x113: {  	s0 =	stileid.u32;
	[bflag:$0x2] =	sbarrier.arrive $0xFFFF  }
0x114: {  	p0 =	sne.s32 s0, $0x0;
	s0 =	rddreg [dreg:$0x3]  }
0x115: {  	s0 =	sadd.s32 @!p0 $0x100000, s0  }
0x116: {  	[sflag:s0] =	ssyncadd.tile.s32 @!p0 $0x1;
	_ =	shalt  }
.Lfunc_end2:
_tile_overlayer_lowered:
.L_overlay_start_2:
0x117: {  	(tag) =	ssettag $0x2  }
0x118: {  	s0 =	rddreg [dreg:$0x0];
	s2 =	stileid.u32  }
0x119: {  	s1 =	rddreg [dreg:$0x1];
	p0 =	sne.s32 s2, $0x0  }
0x11a: {  	s3 =	rddreg [dreg:$0x2];
	[bflag:$0x3] =	sbarrier.arrive $0xFFFF;
	s2 =	simm.s32 @!p0 $0x1C0D  }
0x11b: {  	[timem:s3], [sflag:s2] =	dma.local @!p0 [hbm:s0], s1  }
0x11c: {  	s0 =	simm.s32 @!p0 $0xD  }
0x11d: {  	_ =	swait.ge @!p0 [sflag:s0], s1  }
0x11e: {  	s1 =	ssub.s32 @!p0 $0x0, s1;
	[sflag:s0] =	ssyncset.done @!p0 $0x0  }
0x11f: {  	[sflag:s0] =	ssyncadd.s32 @!p0 s1  }
0x120: {  	[bflag:$0x3] =	sbarrier.arrive $0xFFFF  }
0x121: {  	_ =	shalt  }

// kernel: kernel.8.cloned.1.call-start
scs
__scs_entry_jumppad:
0x0: {  	(pc) =	sbr.rel $0x88, $3  }
0x1: {  	(tag) =	ssettag $0x0;
	lr =	simm.s32 $0x1  }
0x2: {  	[smem:$0x3F9B] =	sst lr;
	_ =	strace $0xD0000000  }
0x3: {  	_ = 	snop  }
0x4: {  	_ = 	snop  }
0x5: {  	_ = 	snop  }
0x6: {  	_ = 	snop  }
0x7: {  	_ = 	snop  }
__scs_overlays_trampoline_lowered:
0x8: {  	[smem:$0x3FAA] =	sst s0  }
0x9: {  	[smem:$0x3FAB] =	sst s1  }
0xa: {  	[smem:$0x3FAC] =	sst s2  }
0xb: {  	[smem:$0x3FAD] =	sst s3  }
0xc: {  	[smem:$0x3FAE] =	sst s4  }
0xd: {  	[smem:$0x3FAF] =	sst s5  }
0xe: {  	[smem:$0x3FB0] =	sst s6  }
0xf: {  	[smem:$0x3FB1] =	sst s7  }
0x10: {  	[smem:$0x3FB2] =	sst s8  }
0x11: {  	[smem:$0x3FB3] =	sst s9;
	s0 =	simm.s32 @!p0 $0x0  }
0x12: {  	s1 =	sld [smem:$0x3F99];
	s0 =	simm.s32 @p0 $0x1  }
0x13: {  	[smem:$0x3FB4] =	sst s0;
	s0 =	simm.s32 @!p1 $0x0  }
0x14: {  	s2 =	sld [smem:$0x3F98];
	s0 =	simm.s32 @p1 $0x1  }
0x15: {  	[smem:$0x3FB5] =	sst s0;
	s0 =	simm.s32 @!p2 $0x0  }
0x16: {  	s3 =	sld [smem:$0x3FDB];
	s0 =	simm.s32 @p2 $0x1  }
0x17: {  	s4 =	simm.s32 $0x1BF5;
	[smem:$0x3FB7] =	sst s0  }
0x18: {  	s0 =	sld [smem:$0x3F9A];
	_ =	swait.ge [sflag:s4], $0x0  }
0x19: {  	s7 =	sld [smem:$0x3F9B]  }
0x1a: {  	s8 =	sadd.s32 $0xFFFFE003, lr  }
0x1b: {  	s9 =	sadd.s32 $0xFFFFFEF7, lr;
	s5 =	simm.s32 $0xFFFFFFFF;
	p2 =	slt.u32 s8, $0xFFFFF086  }
0x1c: {  	p1 =	slt.u32 s9, $0xF7A;
	s5 =	simm.s32 @!p2 $0x0  }
0x1d: {  	s5 =	simm.s32 @p1 $0x1;
	p0 =	seq.s32 s7, s2  }
0x1e: {  	s7 =	smul.u32 @!p0 $0xF7A, s2;
	p2 =	seq.s32 @!p0 s5, $0x0  }
0x1f: {  	s9 =	smul.u32 $0xF7A, s1;
	s8 =	simm.s32 @!p0 $0x1BF5;
	p2 =	por !p2, p0  }
0x20: {  	[sflag:s8] =	ssyncset.s32 @!p0 $0xFFFFF086;
	s6 =	sadd.s32 @!p0 s3, s7;
	s7 =	simm.s32 @!p0 $0x108  }
0x21: {  	s3 =	sadd.s32 s3, s9;
	s6 =	sadd.s32 @!p0 $0x88, s6;
	s7 =	simm.s32 @p2 $0x1082  }
0x22: {  	[simem:s7], [sflag:s8] =	dma.local @!p0 [hbm:s6], $0xF7A  }
0x23: {  	s9 =	sor.u32 $0xD0000000, s2;
	s6 =	simm.s32 $0x108;
	_ =	swait.ge @!p0 [sflag:s8], $0x0  }
0x24: {  	s3 =	sadd.s32 $0x88, s3;
	s6 =	simm.s32 @!p1 $0x1082;
	[sflag:s4] =	ssyncset.s32 $0xFFFFF086  }
0x25: {  	[simem:s6], [sflag:s4] =	dma.local [hbm:s3], $0xF7A  }
0x26: {  	[smem:$0x3F9B] =	sst s1;
	(tag) =	ssettag s2;
	_ =	strace s9  }
0x27: {  	s1 =	sld [smem:$0x3FAB]  }
0x28: {  	s2 =	sld [smem:$0x3FAC]  }
0x29: {  	s4 =	sld [smem:$0x3FAE]  }
0x2a: {  	p0 =	seq.s32 s5, $0x0;
	s5 =	sld [smem:$0x3FAF]  }
0x2b: {  	s6 =	sld [smem:$0x3FB0]  }
0x2c: {  	s7 =	sld [smem:$0x3FB1]  }
0x2d: {  	s3 =	simm.s32 $0x108;
	s8 =	sld [smem:$0x3FB2]  }
0x2e: {  	s3 =	simm.s32 @!p0 $0x1082;
	s9 =	sld [smem:$0x3FB3]  }
0x2f: {  	lr =	sadd.s32 s0, s3;
	s0 =	sld [smem:$0x3FAA]  }
0x30: {  	s3 =	sld [smem:$0x3FAD]  }
0x31: {  	[smem:$0x3FB6] =	sst s10  }
0x32: {  	s10 =	sld [smem:$0x3FB4];
	_ =	sdelay $0x3  }
0x33: {  	p0 =	seq.s32 s10, $0x1;
	s10 =	sld [smem:$0x3FB6];
	_ =	sdelay $0x3  }
0x34: {  	[smem:$0x3FB6] =	sst s10  }
0x35: {  	s10 =	sld [smem:$0x3FB5];
	_ =	sdelay $0x3  }
0x36: {  	p1 =	seq.s32 s10, $0x1;
	s10 =	sld [smem:$0x3FB6];
	_ =	sdelay $0x3  }
0x37: {  	[smem:$0x3FB6] =	sst s10  }
0x38: {  	s10 =	sld [smem:$0x3FB7]  }
0x39: {  	_ = 	snop;
	(pc) =	sbr.ind lr, $3  }
0x3a: {  	_ = 	snop  }
0x3b: {  	_ = 	snop  }
0x3c: {  	p2 =	seq.s32 s10, $0x1;
	s10 =	sld [smem:$0x3FB6]  }
0x3d: {  	_ =	shalt  }
0x3e: {  	_ =	shalt  }
0x3f: {  	_ =	shalt  }
0x40: {  	_ =	shalt  }
0x41: {  	_ =	shalt  }
0x42: {  	_ =	shalt  }
0x43: {  	_ =	shalt  }
0x44: {  	_ =	shalt  }
0x45: {  	_ =	shalt  }
0x46: {  	_ =	shalt  }
0x47: {  	_ =	shalt  }
0x48: {  	_ =	shalt  }
0x49: {  	_ =	shalt  }
0x4a: {  	_ =	shalt  }
0x4b: {  	_ =	shalt  }
0x4c: {  	_ =	shalt  }
0x4d: {  	_ =	shalt  }
0x4e: {  	_ =	shalt  }
0x4f: {  	_ =	shalt  }
0x50: {  	_ =	shalt  }
0x51: {  	_ =	shalt  }
0x52: {  	_ =	shalt  }
0x53: {  	_ =	shalt  }
0x54: {  	_ =	shalt  }
0x55: {  	_ =	shalt  }
0x56: {  	_ =	shalt  }
0x57: {  	_ =	shalt  }
0x58: {  	_ =	shalt  }
0x59: {  	_ =	shalt  }
0x5a: {  	_ =	shalt  }
0x5b: {  	_ =	shalt  }
0x5c: {  	_ =	shalt  }
0x5d: {  	_ =	shalt  }
0x5e: {  	_ =	shalt  }
0x5f: {  	_ =	shalt  }
0x60: {  	_ =	shalt  }
0x61: {  	_ =	shalt  }
0x62: {  	_ =	shalt  }
0x63: {  	_ =	shalt  }
0x64: {  	_ =	shalt  }
0x65: {  	_ =	shalt  }
0x66: {  	_ =	shalt  }
0x67: {  	_ =	shalt  }
0x68: {  	_ =	shalt  }
0x69: {  	_ =	shalt  }
0x6a: {  	_ =	shalt  }
0x6b: {  	_ =	shalt  }
0x6c: {  	_ =	shalt  }
0x6d: {  	_ =	shalt  }
0x6e: {  	_ =	shalt  }
0x6f: {  	_ =	shalt  }
0x70: {  	_ =	shalt  }
0x71: {  	_ =	shalt  }
0x72: {  	_ =	shalt  }
0x73: {  	_ =	shalt  }
0x74: {  	_ =	shalt  }
0x75: {  	_ =	shalt  }
0x76: {  	_ =	shalt  }
0x77: {  	_ =	shalt  }
0x78: {  	_ =	shalt  }
0x79: {  	_ =	shalt  }
0x7a: {  	_ =	shalt  }
0x7b: {  	_ =	shalt  }
0x7c: {  	_ =	shalt  }
0x7d: {  	_ =	shalt  }
0x7e: {  	_ =	shalt  }
0x7f: {  	_ =	shalt  }
0x80: {  	_ =	shalt  }
0x81: {  	_ =	shalt  }
0x82: {  	_ =	shalt  }
0x83: {  	_ =	shalt  }
0x84: {  	_ =	shalt  }
0x85: {  	_ =	shalt  }
0x86: {  	_ =	shalt  }
0x87: {  	_ =	shalt  }
.Lfunc_end0:
.L_simem_size_0:
called_computation_lowered:
.L_overlay_start_0:
0x88: {  	s2 =	sld [smem:$0x3FD9]  }
0x89: {  	s3 =	sld [smem:$0x3FFE];
	_ =	sdelay $0x1  }
0x8a: {  	s1 =	srdreg.scid  }
0x8b: {  	s0 =	sand.u32 $0x1, s1  }
0x8c: {  	s16 =	sshll.u32 s0, $0xA;
	s2 =	sadd.s32 s3, s2  }
0x8d: {  	s2 =	sadd.s32 s2, s16  }
0x8e: {  	[smem:$0x3FC2] =	sst s2  }
0x8f: {  	_ = 	snop  }
0x90: {  	(tm) =	ssettm $0x1  }
0x91: {  	s17 =	sld [smem:$0x3FFB];
	_ =	sdelay $0x3  }
0x92: {  	_ =	strace s17  }
0x93: {  	s2 =	sld [smem:$0x3FFC];
	_ =	sdelay $0x3  }
0x94: {  	_ =	strace s2  }
0x95: {  	s2 =	sld [smem:$0x3FFD];
	_ =	sdelay $0x3  }
0x96: {  	_ =	strace s2  }
0x97: {  	_ =	strace $0x8FFFFFFF  }
0x98: {  	s18 =	sld [smem:$0x3FDB];
	_ =	sdelay $0x1  }
0x99: {  	s19 =	simm.s32 $_scs_section_size  }
0x9a: {  	s4 =	simm.s32 $_size__tile_overlayer_lowered;
	s5 =	simm.s32 $_tile_overlayer_lowered  }
0x9b: {  	s22 =	simm.s32 $0x1BFF;
	s21 =	sshll.u32 s5, $0x1;
	s2 =	sadd.s32 s19, s18  }
0x9c: {  	s6 =	simm.s32 $0x0;
	s20 =	sshll.u32 s4, $0x1;
	s4 =	sadd.s32 s21, s2  }
0x9d: {  	[timem:s6], [sflag:s22] =	dma.local [hbm:s4], s20  }
0x9e: {  	_ =	swait.ge [sflag:s22], s20  }
0x9f: {  	s3 =	ssub.s32 $0x0, s20;
	[sflag:s22] =	ssyncset.done $0x0  }
0xa0: {  	[sflag:s22] =	ssyncadd.s32 s3;
	_ =	sdelay $0x1  }
0xa1: {  	s23 =	simm.s32 $0x1B8B  }
0xa2: {  	_ =	swait.ge [sflag:s23], $0x1  }
0xa3: {  	[sflag:s23] =	ssyncset.done $0x0  }
0xa4: {  	s25 =	simm.s32 $0x1B8E;
	s24 =	sld [smem:$0x3FFE];
	[sflag:s23] =	ssyncadd.s32 $0xFFFFFFFF  }
0xa5: {  	s26 =	simm.s32 $execute0_lowered;
	[smem:$0x3FD2] =	sst s25  }
0xa6: {  	s4 =	sshll.u32 s26, $0x1;
	_ =	strace $0x80000046;
	[dreg:$0x1] =	wrdreg $0xFFFFFFFF  }
0xa7: {  	s28 =	simm.s32 $_size_execute0_lowered;
	s2 =	sadd.s32 s2, s4;
	[dreg:$0x0] =	wrdreg $0x0  }
0xa8: {  	s4 =	sshll.u32 s28, $0x1;
	[dreg:$0x2] =	wrdreg s2  }
0xa9: {  	[dreg:$0x3] =	wrdreg s4  }
0xaa: {  	[dreg:$0x4] =	wrdreg $0xC0  }
0xab: {  	_ =	task [dreg:s6], $0x5FFFF  }
0xac: {  	[dreg:$0x1] =	wrdreg $0xFFFFFFFF  }
0xad: {  	[dreg:$0x0] =	wrdreg $0x60  }
0xae: {  	[dreg:$0x2] =	wrdreg s24  }
0xaf: {  	[dreg:$0x3] =	wrdreg $0x43000  }
0xb0: {  	[dreg:$0x4] =	wrdreg $0x9  }
0xb1: {  	_ =	task.clear_ibuf [dreg:s6], $0x5FFFF;
	_ =	strace $0x90000046  }
0xb2: {  	s29 =	simm.s32 $0x9;
	_ =	strace $0x80000048  }
0xb3: {  	_ =	swait.ge [sflag:s29], $0x1  }
0xb4: {  	[sflag:s29] =	ssyncadd.s32 $0xFFFFFFFF  }
0xb5: {  	_ =	strace $0x90000048  }
0xb6: {  	_ =	sfence  }
0xb7: {  	s30 =	sld [smem:$0x0];
	_ =	sdelay $0x2  }
0xb8: {  	s31 =	sshll.u32 s1, $0xD;
	s1 =	sshrl.u32 s1, $0x2  }
0xb9: {  	s3 =	sand.u32 $0x4000, s31;
	s1 =	sadd.s32 s1, s30  }
0xba: {  	s0 =	sor.u32 s3, s0;
	s1 =	sshll.u32 s1, $0x11  }
0xbb: {  	s0 =	sor.u32 s1, s0  }
0xbc: {  	s0 =	sadd.s32 $0x8F2B, s0  }
0xbd: {  	[sflag:s0] =	ssyncadd.remote.s32 $0x1  }
0xbe: {  	_ =	sfence.sel $0xFFFF  }
0xbf: {  	[dreg:$0x0] =	wrdreg $0xFFFFFFFF;
	(pc) =	sbr.abs _section_cstart, $3  }
0xc0: {  	[dreg:$0x1] =	wrdreg $0xFFFFFFFF  }
0xc1: {  	_ =	task.clear_ibuf [dreg:s6], $0x2FFFF;
	_ =	strace $0x9FFFFFFF  }
0xc2: {  	(tm) =	ssettm $0x7FFFFFFF  }
0xc3: {  	_ =	shalt  }
tec
execute0_lowered:
.L_overlay_start_1:
0x0: {  	(tag) =	ssettag $0x1  }
0x1: {  	s4 =	rddreg [dreg:$0x0]  }
0x2: {  	s2 =	rddreg [dreg:$0x1]  }
0x3: {  	s0 =	rddreg [dreg:$0x2]  }
0x4: {  	s5 =	srdreg.scid;
	s1 =	stileid.u32  }
0x5: {  	s3 =	simm.s32 $0x0;
	s11 =	simm.s32 $0x4000;
	s12 =	simm.s32 $0x1  }
0x6: {  	s15 =	simm.s32 $0x20;
	s16 =	simm.s32 $0x10;
	s17 =	simm.s32 $0x0  }
0x7: {  	s5 =	sand.u32 $0x1, s5;
	s6 =	smul.u32 $0x500, s1;
	[smem:$0x7FF] =	sst s3  }
0x8: {  	s28 =	smul.u32 $0xA00, s1;
	s9 =	sshll.u32 s1, $0xC;
	s13 =	sshll.u32 s1, $0x6  }
0x9: {  	s7 =	sshll.u32 s5, $0xB;
	s8 =	sshll.u32 s5, $0x7;
	_ =	strace $0x80000047  }
0xa: {  	s5 =	ssub.s32 $0x2, s5;
	s13 =	sor.u32 $0x1C02, s13;
	s7 =	sadd.s32 s7, s4  }
0xb: {  	s6 =	sor.u32 s8, s6;
	s29 =	sshrl.u32 s5, $0x1;
	s31 =	sshrl.u32 s28, $0x2  }
0xc: {  	s8 =	simm.s32 $0x2;
	s6 =	sshrl.u32 s6, $0x3;
	s10 =	ssub.s32 s5, s29  }
0xd: {  	s30 =	sadd.s32 s9, s7;
	s5 =	sadd.s32 s31, s2;
	s9 =	simm.s32 $0x4080  }
0xe: {  	s6 =	sadd.s32 s6, s4;
	s4 =	sadd.s32 $0xC000, s30;
	s7 =	smax.u32 s10, $0x1  }
0xf: {  	v0 =	vimm.f32 $0.0e+00;
	v1 =	vimm.f32 $1.000000000e+00;
	s10 =	simm.s32 $0x50;
	s14 =	sshrl.u32 s5, $0x3;
	s6 =	sadd.s32 $0x1C000, s6  }
.LBB2_1:
0x10: {  	[tilespmem:$0x4080] =	vst v0  }
0x11: {  	[tilespmem:$0x4090] =	vst v0  }
0x12: {  	[tilespmem:$0x40A0] =	vst v0  }
0x13: {  	[tilespmem:$0x40B0] =	vst v0  }
0x14: {  	[tilespmem:$0x40C0] =	vst v0  }
0x15: {  	[tilespmem:$0x40D0] =	vst v0  }
0x16: {  	[tilespmem:$0x40E0] =	vst v0  }
0x17: {  	[tilespmem:$0x40F0] =	vst v0  }
0x18: {  	[tilespmem:$0x4100] =	vst v0  }
0x19: {  	[tilespmem:$0x4110] =	vst v0  }
0x1a: {  	[tilespmem:$0x4120] =	vst v0  }
0x1b: {  	[tilespmem:$0x4130] =	vst v0  }
0x1c: {  	[tilespmem:$0x4140] =	vst v0  }
0x1d: {  	[tilespmem:$0x4150] =	vst v0  }
0x1e: {  	[tilespmem:$0x4160] =	vst v0  }
0x1f: {  	[tilespmem:$0x4170] =	vst v0  }
0x20: {  	[tilespmem:$0x4180] =	vst v0  }
0x21: {  	[tilespmem:$0x4190] =	vst v0  }
0x22: {  	[tilespmem:$0x41A0] =	vst v0  }
0x23: {  	[tilespmem:$0x41B0] =	vst v0  }
0x24: {  	[tilespmem:$0x41C0] =	vst v0  }
0x25: {  	[tilespmem:$0x41D0] =	vst v0  }
0x26: {  	[tilespmem:$0x41E0] =	vst v0  }
0x27: {  	[tilespmem:$0x41F0] =	vst v0  }
0x28: {  	[tilespmem:$0x4200] =	vst v0  }
0x29: {  	[tilespmem:$0x4210] =	vst v0  }
0x2a: {  	[tilespmem:$0x4220] =	vst v0  }
0x2b: {  	[tilespmem:$0x4230] =	vst v0  }
0x2c: {  	[tilespmem:$0x4240] =	vst v0  }
0x2d: {  	[tilespmem:$0x4250] =	vst v0  }
0x2e: {  	[tilespmem:$0x4260] =	vst v0  }
0x2f: {  	[tilespmem:$0x4270] =	vst v0  }
0x30: {  	[tilespmem:$0x4280] =	vst v0  }
0x31: {  	[tilespmem:$0x4290] =	vst v0  }
0x32: {  	[tilespmem:$0x42A0] =	vst v0  }
0x33: {  	[tilespmem:$0x42B0] =	vst v0  }
0x34: {  	[tilespmem:$0x42C0] =	vst v0  }
0x35: {  	[tilespmem:$0x42D0] =	vst v0  }
0x36: {  	[tilespmem:$0x42E0] =	vst v0  }
0x37: {  	[tilespmem:$0x42F0] =	vst v0  }
0x38: {  	[tilespmem:$0x4000] =	vst v1  }
0x39: {  	[tilespmem:$0x4010] =	vst v1  }
0x3a: {  	[tilespmem:$0x4020] =	vst v1  }
0x3b: {  	[tilespmem:$0x4030] =	vst v1  }
0x3c: {  	[tilespmem:$0x4040] =	vst v1  }
0x3d: {  	[tilespmem:s3], [sflag:$0x2] =	stream.linear.gather [hbm4b:s4+s3], $0x3E80, $0x38;
	[tilespmem:$0x4580] =	vst v63  }
0x3e: {  	_ =	swait.ge [sflag:s8], $0x3E80  }
0x3f: {  	[sflag:s8] =	ssyncset.done $0x0  }
0x40: {  	[sflag:s8] =	ssyncadd.s32 $0xFFFFC180  }
0x41: {  	[spmem:s5] =	stream.linear.scatter [tilespmem:s9], [sflag:$0x2], $0x280, $0x38;
	[tilespmem:$0x4580] =	vst v63  }
0x42: {  	_ =	swait.ge [sflag:s8], $0x280  }
0x43: {  	[sflag:s8] =	ssyncset.done $0x0  }
0x44: {  	p0 =	por $0x1, $0x1;
	[sflag:s8] =	ssyncadd.s32 $0xFFFFFD80  }
0x45: {  	s19 =	simm.s32 @!p0 $0x1;
	[bflag:$0x0] =	sbarrier.arrive $0xFFFF  }
0x46: {  	_ =	swait.ge @!p0 [sflag:s19], $0x50  }
0x47: {  	s18 =	simm.s32 $0x1;
	[sflag:s19] =	ssyncset.done @!p0 $0x0  }
0x48: {  	s20 =	simm.s32 $0x0;
	[sflag:s19] =	ssyncadd.s32 @!p0 $0xFFFFFFB0;
	s19 =	simm.s32 $0x80  }
.LBB2_2:
0x49: {  	[spmem:s2] =	stream.indirect.scatter.add.f32 [tilespmem:s11], [sflag:$0x1], $0x1, s20, s10, $0xb8;
	[tilespmem:$0x4580] =	vst v63  }
0x4a: {  	p0 =	slt.u32 s18, $0x10;
	s18 =	sadd.s32 $0x1, s18  }
0x4b: {  	p1 =	sne.s32 s18, $0x7D  }
.Ltmp0:
0x4c: {  	(pc) =	sbr.rel @p1 .LBB2_2-.Ltmp0, $4  }
0x4d: {  	s20 =	smov.u32 s19;
	s21 =	simm.s32 @!p0 $0x1  }
0x4e: {  	_ =	swait.ge @!p0 [sflag:s21], $0x50  }
0x4f: {  	[sflag:s21] =	ssyncset.done @!p0 $0x0  }
0x50: {  	s19 =	sadd.s32 $0x80, s19;
	[sflag:s21] =	ssyncadd.s32 @!p0 $0xFFFFFFB0  }
0x51: {  	[spmem:s2] =	stream.indirect.scatter.add.f32 [tilespmem:s11], [sflag:$0x1], $0x1, s20, s10, $0xb8;
	[tilespmem:$0x4580] =	vst v63  }
0x52: {  	_ =	swait.ge [sflag:s12], $0x50  }
0x53: {  	[sflag:s12] =	ssyncset.done $0x0  }
0x54: {  	[sflag:s12] =	ssyncadd.s32 $0xFFFFFFB0  }
0x55: {  	_ =	swait.ge [sflag:s12], $0x50  }
0x56: {  	[sflag:s12] =	ssyncset.done $0x0  }
0x57: {  	[sflag:s12] =	ssyncadd.s32 $0xFFFFFFB0  }
0x58: {  	_ =	swait.ge [sflag:s12], $0x50  }
0x59: {  	[sflag:s12] =	ssyncset.done $0x0  }
0x5a: {  	[sflag:s12] =	ssyncadd.s32 $0xFFFFFFB0  }
0x5b: {  	_ =	swait.ge [sflag:s12], $0x50  }
0x5c: {  	[sflag:s12] =	ssyncset.done $0x0  }
0x5d: {  	[sflag:s12] =	ssyncadd.s32 $0xFFFFFFB0  }
0x5e: {  	_ =	swait.ge [sflag:s12], $0x50  }
0x5f: {  	[sflag:s12] =	ssyncset.done $0x0  }
0x60: {  	[sflag:s12] =	ssyncadd.s32 $0xFFFFFFB0  }
0x61: {  	_ =	swait.ge [sflag:s12], $0x50  }
0x62: {  	[sflag:s12] =	ssyncset.done $0x0  }
0x63: {  	[sflag:s12] =	ssyncadd.s32 $0xFFFFFFB0  }
0x64: {  	_ =	swait.ge [sflag:s12], $0x50  }
0x65: {  	[sflag:s12] =	ssyncset.done $0x0  }
0x66: {  	[sflag:s12] =	ssyncadd.s32 $0xFFFFFFB0  }
0x67: {  	_ =	swait.ge [sflag:s12], $0x50  }
0x68: {  	[sflag:s12] =	ssyncset.done $0x0  }
0x69: {  	[sflag:s12] =	ssyncadd.s32 $0xFFFFFFB0  }
0x6a: {  	_ =	swait.ge [sflag:s12], $0x50  }
0x6b: {  	[sflag:s12] =	ssyncset.done $0x0  }
0x6c: {  	[sflag:s12] =	ssyncadd.s32 $0xFFFFFFB0  }
0x6d: {  	_ =	swait.ge [sflag:s12], $0x50  }
0x6e: {  	[sflag:s12] =	ssyncset.done $0x0  }
0x6f: {  	[sflag:s12] =	ssyncadd.s32 $0xFFFFFFB0  }
0x70: {  	_ =	swait.ge [sflag:s12], $0x50  }
0x71: {  	[sflag:s12] =	ssyncset.done $0x0  }
0x72: {  	[sflag:s12] =	ssyncadd.s32 $0xFFFFFFB0  }
0x73: {  	_ =	swait.ge [sflag:s12], $0x50  }
0x74: {  	[sflag:s12] =	ssyncset.done $0x0  }
0x75: {  	[sflag:s12] =	ssyncadd.s32 $0xFFFFFFB0  }
0x76: {  	_ =	swait.ge [sflag:s12], $0x50  }
0x77: {  	[sflag:s12] =	ssyncset.done $0x0  }
0x78: {  	[sflag:s12] =	ssyncadd.s32 $0xFFFFFFB0  }
0x79: {  	_ =	swait.ge [sflag:s12], $0x50  }
0x7a: {  	[sflag:s12] =	ssyncset.done $0x0  }
0x7b: {  	[sflag:s12] =	ssyncadd.s32 $0xFFFFFFB0  }
0x7c: {  	_ =	swait.ge [sflag:s12], $0x50  }
0x7d: {  	[sflag:s12] =	ssyncset.done $0x0  }
0x7e: {  	[sflag:s12] =	ssyncadd.s32 $0xFFFFFFB0  }
0x7f: {  	_ =	swait.ge [sflag:s12], $0x50  }
0x80: {  	s17 =	sadd.s32 $0x1, s17;
	[sflag:s12] =	ssyncset.done $0x0  }
0x81: {  	p0 =	sne.s32 s17, s7;
	[sflag:s12] =	ssyncadd.s32 $0xFFFFFFB0  }
.Ltmp1:
0x82: {  	[bflag:$0x0] =	sbarrier.arrive $0xFFFF;
	(pc) =	sbr.rel @p0 .LBB2_1-.Ltmp1, $4  }
0x83: {  	[hbm:s6@s15], [sflag:s13] =	dma.strided [spmem:s14@s16], $0x50, s12, $0x10   }
0x84: {  	_ =	swait.ge [sflag:s8], $0x50  }
0x85: {  	[sflag:s8] =	ssyncset.done $0x0  }
0x86: {  	[sflag:s8] =	ssyncadd.s32 $0xFFFFFFB0  }
0x87: {  	_ =	sfence.sel $0x180000  }
0x88: {  	[bflag:$0x0] =	sbarrier.arrive $0xFFFF  }
0x89: {  	p0 =	sne.s32 s1, $0x0;
	_ =	strace $0x90000047  }
0x8a: {  	s0 =	sadd.s32 @!p0 $0x100000, s0;
	[bflag:$0x2] =	sbarrier.arrive $0xFFFF  }
0x8b: {  	[sflag:s0] =	ssyncadd.tile.s32 @!p0 $0x1;
	_ =	shalt  }
.Lfunc_end2:
_tile_overlayer_lowered:
.L_overlay_start_2:
0x8c: {  	(tag) =	ssettag $0x2  }
0x8d: {  	s0 =	rddreg [dreg:$0x0];
	s2 =	stileid.u32  }
0x8e: {  	s1 =	rddreg [dreg:$0x1];
	p0 =	sne.s32 s2, $0x0  }
0x8f: {  	s3 =	rddreg [dreg:$0x2];
	[bflag:$0x3] =	sbarrier.arrive $0xFFFF;
	s2 =	simm.s32 @!p0 $0x1C02  }
0x90: {  	[timem:s3], [sflag:s2] =	dma.local @!p0 [hbm:s0], s1  }
0x91: {  	s0 =	simm.s32 @!p0 $0x2  }
0x92: {  	_ =	swait.ge @!p0 [sflag:s0], s1  }
0x93: {  	s1 =	ssub.s32 @!p0 $0x0, s1;
	[sflag:s0] =	ssyncset.done @!p0 $0x0  }
0x94: {  	[sflag:s0] =	ssyncadd.s32 @!p0 s1  }
0x95: {  	[bflag:$0x3] =	sbarrier.arrive $0xFFFF  }
0x96: {  	_ =	shalt  }

</sc_bundles>
